<compile_context>
chip_gen: v7x
topology: tpu7x:2x2x1
jax: 0.10.2.dev20260603
libtpu: 0.0.44.dev20260713+nightly
codegen_flags: <defaults>
</compile_context>

<pallas_src>
import math

import jax
import jax.numpy as jnp
from jax import lax
from jax.experimental import pallas as pl
from jax.experimental.pallas import tpu as pltpu
from jax.experimental.pallas import tpu_sc as plsc

VOCAB = 100000
D_MODEL = 128
BATCH = 4096
SEQ = 50

NC = 2
NS = 16
NW = NC * NS
L = 16

B_TOTAL = BATCH * SEQ
B_PER_W = B_TOTAL // NW
BATCH_PER_W = BATCH // NW
BGROUPS = BATCH_PER_W // L

N_CHUNKS = SEQ
NBUF = 5
LEAD = 3
N_GROUPS = N_CHUNKS // NBUF
VECS_PER_ROW = D_MODEL // L
ROWS_PER_STEP = 2

SCALE = math.sqrt(float(D_MODEL))


def _emb_body(x_hbm, lut_hbm, out_hbm, idx_v, idx_t, buf_v, gsem, ssem):
    wid = lax.axis_index("s") * NC + lax.axis_index("c")
    base = wid * B_PER_W
    bbase = wid * BATCH_PER_W

    pltpu.sync_copy(x_hbm.at[pl.ds(base, B_PER_W)], idx_v)
    lanes0 = lax.iota(jnp.int32, L) * SEQ

    def build_idx_row(s):
        for g in range(BGROUPS):
            vals = plsc.load_gather(idx_v, [lanes0 + (g * L * SEQ + s)])
            idx_t[s, pl.ds(g * L, L)] = vals

    def fire_gather(s, b):
        pltpu.async_copy(
            lut_hbm.at[idx_t.at[s]], buf_v.at[b], gsem.at[b]
        )

    def wait_gather(s, b):
        pltpu.make_async_copy(
            lut_hbm.at[idx_t.at[s]], buf_v.at[b], gsem.at[b]
        ).wait()

    def fire_store(s, b):
        pltpu.async_copy(
            buf_v.at[b], out_hbm.at[s].at[pl.ds(bbase, BATCH_PER_W)], ssem.at[b]
        )

    def wait_store(s, b):
        pltpu.make_async_copy(
            buf_v.at[b], out_hbm.at[s].at[pl.ds(bbase, BATCH_PER_W)], ssem.at[b]
        ).wait()

    for b in range(LEAD):
        build_idx_row(b)
        fire_gather(b, b)

    def transpose_body(s, carry):
        build_idx_row(s)
        return carry

    lax.fori_loop(LEAD, SEQ, transpose_body, 0)

    def group_body(g, carry):
        for b in range(NBUF):
            s = g * NBUF + b
            wait_gather(s, b)

            def row_body(r, carry2):
                for rr in range(ROWS_PER_STEP):
                    for j in range(VECS_PER_ROW):
                        buf_v[b, r * ROWS_PER_STEP + rr, pl.ds(j * L, L)] = (
                            buf_v[b, r * ROWS_PER_STEP + rr, pl.ds(j * L, L)]
                            * SCALE
                        )
                return carry2

            lax.fori_loop(0, BATCH_PER_W // ROWS_PER_STEP, row_body, 0)
            fire_store(s, b)

            b2 = (b + LEAD) % NBUF

            @pl.when(s >= NBUF - LEAD)
            def _():
                wait_store(s - (NBUF - LEAD), b2)

            @pl.when(s + LEAD < N_CHUNKS)
            def _():
                fire_gather(s + LEAD, b2)

        return carry

    lax.fori_loop(0, N_GROUPS, group_body, 0)

    for i in range(NBUF - LEAD):
        s = N_CHUNKS - (NBUF - LEAD) + i
        wait_store(s, s % NBUF)


@jax.jit
def _emb(x_flat, lut):
    mesh = plsc.VectorSubcoreMesh(core_axis_name="c", subcore_axis_name="s")
    run = pl.kernel(
        _emb_body,
        out_type=jax.ShapeDtypeStruct((SEQ, BATCH, D_MODEL), jnp.float32),
        mesh=mesh,
        compiler_params=pltpu.CompilerParams(
            needs_layout_passes=False, skip_device_barrier=True
        ),
        scratch_types=[
            pltpu.VMEM((B_PER_W,), jnp.int32),
            pltpu.VMEM((SEQ, BATCH_PER_W), jnp.int32),
            pltpu.VMEM((NBUF, BATCH_PER_W, D_MODEL), jnp.float32),
            pltpu.SemaphoreType.DMA((NBUF,)),
            pltpu.SemaphoreType.DMA((NBUF,)),
        ],
    )
    return run(x_flat, lut)


def kernel(x, lut):
    out_t = _emb(x.reshape(B_TOTAL), lut)
    return out_t.transpose(1, 0, 2)

# --- scband reference (transcript-rebuilt; emitter-appended) ---
"""Pipeline reference for scband-embeddings-88064009437842 (READ-ONLY COPY).

The authoritative reference and input builder live on the scoring server;
editing this copy changes nothing except your own understanding.
"""

import jax, jax.numpy as jnp
import numpy as np
import math

VOCAB = 100000
D_MODEL = 128
BATCH = 4096
SEQ = 50

def setup_inputs(seed: int = 0) -> dict:
    key = jax.random.key(seed)
    k1, k2 = jax.random.split(key)
    x = jax.random.randint(k1, (BATCH, SEQ), 0, VOCAB, dtype=jnp.int32)
    # nn.Embedding default init: N(0, 1)
    lut = jax.random.normal(k2, (VOCAB, D_MODEL), dtype=jnp.float32)
    return {"x": x, "lut": lut}

def reference(x, lut):
    # Embeddings.forward: self.lut(x) * sqrt(d_model)
    emb = jnp.take(lut, x, axis=0)
    return emb * math.sqrt(D_MODEL)

if __name__ == "__main__":
    import jax
    _d = setup_inputs()
    print(jax.jit(kernel)(*tuple(_d.values())))

</pallas_src>

<mosaic_0001>
#map = affine_map<(d0, d1) -> (0)>
#map1 = affine_map<(d0, d1) -> (0, 0)>
#map2 = affine_map<(d0, d1) -> (0, 0, 0)>
module attributes {stable_mosaic.version = 14 : i64} {
  func.func @_emb_body(%arg0: i32, %arg1: i32, %arg2: memref<204800xi32, #tpu.memory_space<hbm>>, %arg3: memref<100000x128xf32, #tpu.memory_space<hbm>>, %arg4: memref<50x4096x128xf32, #tpu.memory_space<hbm>>, %arg5: memref<6400xi32, #tpu.memory_space<vmem>>, %arg6: memref<50x128xi32, #tpu.memory_space<vmem>>, %arg7: memref<5x128x128xf32, #tpu.memory_space<vmem>>, %arg8: memref<5x!tpu.dma_semaphore, #tpu.memory_space<semaphore_mem>>, %arg9: memref<5x!tpu.dma_semaphore, #tpu.memory_space<semaphore_mem>>) attributes {dimension_semantics = [#tpu.dimension_semantics<core_parallel>, #tpu.dimension_semantics<subcore_parallel>], iteration_bounds = array<i64: 2, 16>, scalar_prefetch = 0 : i64, scratch_operands = 5 : i64, tpu.core_type = #tpu.core_type<sc_vector_subcore>, window_params = [{transform_indices = #map}, {transform_indices = #map1}, {transform_indices = #map2}]} {
    %mul3A = arith.constant 2 : i32
    %mul3A_0 = arith.muli %arg1, %mul3A : i32
    %add3A = arith.addi %mul3A_0, %arg0 : i32
    %mul3A_1 = arith.constant 6400 : i32
    %mul3A_2 = arith.muli %add3A, %mul3A_1 : i32
    %mul3A_3 = arith.constant 128 : i32
    %mul3A_4 = arith.muli %add3A, %mul3A_3 : i32
    "tpu.region"() ({
      %run_scoped3A = tpu.sem_alloc : memref<!tpu.dma_semaphore, #tpu.memory_space<semaphore_mem>>
      %dma_start3A_302 = tpu.memref_slice %arg2[%mul3A_2] : memref<204800xi32, #tpu.memory_space<hbm>> -> memref<6400xi32, #tpu.memory_space<hbm>>
      %dma_start3A_303 = tpu.memref_slice %arg2[%mul3A_2] : memref<204800xi32, #tpu.memory_space<hbm>> -> memref<6400xi32, #tpu.memory_space<hbm>>
      tpu.enqueue_dma source(%dma_start3A_303 : memref<6400xi32, #tpu.memory_space<hbm>>) target(%arg5 : memref<6400xi32, #tpu.memory_space<vmem>>) target_semaphore(%run_scoped3A : memref<!tpu.dma_semaphore, #tpu.memory_space<semaphore_mem>>)
      %dma_wait3A_304 = tpu.memref_slice %arg2[%mul3A_2] : memref<204800xi32, #tpu.memory_space<hbm>> -> memref<6400xi32, #tpu.memory_space<hbm>>
      %dma_wait3A_305 = tpu.memref_slice %arg2[%mul3A_2] : memref<204800xi32, #tpu.memory_space<hbm>> -> memref<6400xi32, #tpu.memory_space<hbm>>
      tpu.wait_dma2 semaphore(%run_scoped3A : memref<!tpu.dma_semaphore, #tpu.memory_space<semaphore_mem>>) src(%dma_wait3A_305 : memref<6400xi32, #tpu.memory_space<hbm>>) dst(%arg5 : memref<6400xi32, #tpu.memory_space<vmem>>)
      tpu.yield
    }) : () -> ()
    %iota3A = tpu.iota {dimensions = array<i32: 0>} : vector<16xi32>
    %mul3A_5 = arith.constant 50 : i32
    %mul3A_6 = vector.broadcast %mul3A_5 : i32 to vector<16xi32>
    %mul3A_7 = arith.muli %iota3A, %mul3A_6 : vector<16xi32>
    %add3A_8 = arith.constant 0 : i32
    %add3A_9 = vector.broadcast %add3A_8 : i32 to vector<16xi32>
    %add3A_10 = arith.addi %mul3A_7, %add3A_9 : vector<16xi32>
    %gather3A = tpu.vector_load_idx %arg5[%add3A_10] : memref<6400xi32, #tpu.memory_space<vmem>>[vector<16xi32>], vector<16xi32>,
    %swap3A = arith.constant 0 : i32
    %swap3A_11 = arith.index_cast %swap3A : i32 to index
    %swap3A_12 = arith.constant 0 : index
    %swap3A_13 = tpu.vector_load %arg6[%swap3A_11, %swap3A_12] {strides = array<i32>} : memref<50x128xi32, #tpu.memory_space<vmem>>, vector<16xi32>,
    tpu.vector_store %arg6[%swap3A_11, %swap3A_12], %gather3A {strides = array<i32>} : memref<50x128xi32, #tpu.memory_space<vmem>>, vector<16xi32>,
    %add3A_14 = arith.constant 800 : i32
    %add3A_15 = vector.broadcast %add3A_14 : i32 to vector<16xi32>
    %add3A_16 = arith.addi %mul3A_7, %add3A_15 : vector<16xi32>
    %gather3A_17 = tpu.vector_load_idx %arg5[%add3A_16] : memref<6400xi32, #tpu.memory_space<vmem>>[vector<16xi32>], vector<16xi32>,
    %swap3A_18 = arith.constant 0 : i32
    %swap3A_19 = arith.index_cast %swap3A_18 : i32 to index
    %swap3A_20 = arith.constant 16 : index
    %swap3A_21 = tpu.vector_load %arg6[%swap3A_19, %swap3A_20] {strides = array<i32>} : memref<50x128xi32, #tpu.memory_space<vmem>>, vector<16xi32>,
    tpu.vector_store %arg6[%swap3A_19, %swap3A_20], %gather3A_17 {strides = array<i32>} : memref<50x128xi32, #tpu.memory_space<vmem>>, vector<16xi32>,
    %add3A_22 = arith.constant 1600 : i32
    %add3A_23 = vector.broadcast %add3A_22 : i32 to vector<16xi32>
    %add3A_24 = arith.addi %mul3A_7, %add3A_23 : vector<16xi32>
    %gather3A_25 = tpu.vector_load_idx %arg5[%add3A_24] : memref<6400xi32, #tpu.memory_space<vmem>>[vector<16xi32>], vector<16xi32>,
    %swap3A_26 = arith.constant 0 : i32
    %swap3A_27 = arith.index_cast %swap3A_26 : i32 to index
    %swap3A_28 = arith.constant 32 : index
    %swap3A_29 = tpu.vector_load %arg6[%swap3A_27, %swap3A_28] {strides = array<i32>} : memref<50x128xi32, #tpu.memory_space<vmem>>, vector<16xi32>,
    tpu.vector_store %arg6[%swap3A_27, %swap3A_28], %gather3A_25 {strides = array<i32>} : memref<50x128xi32, #tpu.memory_space<vmem>>, vector<16xi32>,
    %add3A_30 = arith.constant 2400 : i32
    %add3A_31 = vector.broadcast %add3A_30 : i32 to vector<16xi32>
    %add3A_32 = arith.addi %mul3A_7, %add3A_31 : vector<16xi32>
    %gather3A_33 = tpu.vector_load_idx %arg5[%add3A_32] : memref<6400xi32, #tpu.memory_space<vmem>>[vector<16xi32>], vector<16xi32>,
    %swap3A_34 = arith.constant 0 : i32
    %swap3A_35 = arith.index_cast %swap3A_34 : i32 to index
    %swap3A_36 = arith.constant 48 : index
    %swap3A_37 = tpu.vector_load %arg6[%swap3A_35, %swap3A_36] {strides = array<i32>} : memref<50x128xi32, #tpu.memory_space<vmem>>, vector<16xi32>,
    tpu.vector_store %arg6[%swap3A_35, %swap3A_36], %gather3A_33 {strides = array<i32>} : memref<50x128xi32, #tpu.memory_space<vmem>>, vector<16xi32>,
    %add3A_38 = arith.constant 3200 : i32
    %add3A_39 = vector.broadcast %add3A_38 : i32 to vector<16xi32>
    %add3A_40 = arith.addi %mul3A_7, %add3A_39 : vector<16xi32>
    %gather3A_41 = tpu.vector_load_idx %arg5[%add3A_40] : memref<6400xi32, #tpu.memory_space<vmem>>[vector<16xi32>], vector<16xi32>,
    %swap3A_42 = arith.constant 0 : i32
    %swap3A_43 = arith.index_cast %swap3A_42 : i32 to index
    %swap3A_44 = arith.constant 64 : index
    %swap3A_45 = tpu.vector_load %arg6[%swap3A_43, %swap3A_44] {strides = array<i32>} : memref<50x128xi32, #tpu.memory_space<vmem>>, vector<16xi32>,
    tpu.vector_store %arg6[%swap3A_43, %swap3A_44], %gather3A_41 {strides = array<i32>} : memref<50x128xi32, #tpu.memory_space<vmem>>, vector<16xi32>,
    %add3A_46 = arith.constant 4000 : i32
    %add3A_47 = vector.broadcast %add3A_46 : i32 to vector<16xi32>
    %add3A_48 = arith.addi %mul3A_7, %add3A_47 : vector<16xi32>
    %gather3A_49 = tpu.vector_load_idx %arg5[%add3A_48] : memref<6400xi32, #tpu.memory_space<vmem>>[vector<16xi32>], vector<16xi32>,
    %swap3A_50 = arith.constant 0 : i32
    %swap3A_51 = arith.index_cast %swap3A_50 : i32 to index
    %swap3A_52 = arith.constant 80 : index
    %swap3A_53 = tpu.vector_load %arg6[%swap3A_51, %swap3A_52] {strides = array<i32>} : memref<50x128xi32, #tpu.memory_space<vmem>>, vector<16xi32>,
    tpu.vector_store %arg6[%swap3A_51, %swap3A_52], %gather3A_49 {strides = array<i32>} : memref<50x128xi32, #tpu.memory_space<vmem>>, vector<16xi32>,
    %add3A_54 = arith.constant 4800 : i32
    %add3A_55 = vector.broadcast %add3A_54 : i32 to vector<16xi32>
    %add3A_56 = arith.addi %mul3A_7, %add3A_55 : vector<16xi32>
    %gather3A_57 = tpu.vector_load_idx %arg5[%add3A_56] : memref<6400xi32, #tpu.memory_space<vmem>>[vector<16xi32>], vector<16xi32>,
    %swap3A_58 = arith.constant 0 : i32
    %swap3A_59 = arith.index_cast %swap3A_58 : i32 to index
    %swap3A_60 = arith.constant 96 : index
    %swap3A_61 = tpu.vector_load %arg6[%swap3A_59, %swap3A_60] {strides = array<i32>} : memref<50x128xi32, #tpu.memory_space<vmem>>, vector<16xi32>,
    tpu.vector_store %arg6[%swap3A_59, %swap3A_60], %gather3A_57 {strides = array<i32>} : memref<50x128xi32, #tpu.memory_space<vmem>>, vector<16xi32>,
    %add3A_62 = arith.constant 5600 : i32
    %add3A_63 = vector.broadcast %add3A_62 : i32 to vector<16xi32>
    %add3A_64 = arith.addi %mul3A_7, %add3A_63 : vector<16xi32>
    %gather3A_65 = tpu.vector_load_idx %arg5[%add3A_64] : memref<6400xi32, #tpu.memory_space<vmem>>[vector<16xi32>], vector<16xi32>,
    %swap3A_66 = arith.constant 0 : i32
    %swap3A_67 = arith.index_cast %swap3A_66 : i32 to index
    %swap3A_68 = arith.constant 112 : index
    %swap3A_69 = tpu.vector_load %arg6[%swap3A_67, %swap3A_68] {strides = array<i32>} : memref<50x128xi32, #tpu.memory_space<vmem>>, vector<16xi32>,
    tpu.vector_store %arg6[%swap3A_67, %swap3A_68], %gather3A_65 {strides = array<i32>} : memref<50x128xi32, #tpu.memory_space<vmem>>, vector<16xi32>,
    %dma_start3A = arith.constant 0 : i32
    %dma_start3A_70 = arith.constant 0 : i32
    %dma_start3A_71 = arith.constant 0 : i32
    %dma_start3A_72 = arith.constant 0 : i32
    %dma_start3A_73 = arith.constant 0 : i32
    %dma_start3A_74 = tpu.memref_slice %arg7[%dma_start3A_70, %dma_start3A_72, %dma_start3A_73] : memref<5x128x128xf32, #tpu.memory_space<vmem>> -> memref<1x128x128xf32, #tpu.memory_space<vmem>>
    %dma_start3A_75 = tpu.memref_squeeze %dma_start3A_74 : memref<1x128x128xf32, #tpu.memory_space<vmem>> -> memref<128x128xf32, #tpu.memory_space<vmem>>
    %dma_start3A_76 = arith.constant 0 : i32
    %dma_start3A_77 = tpu.memref_slice %arg6[%dma_start3A, %dma_start3A_76] : memref<50x128xi32, #tpu.memory_space<vmem>> -> memref<1x128xi32, #tpu.memory_space<vmem>>
    %dma_start3A_78 = tpu.memref_squeeze %dma_start3A_77 : memref<1x128xi32, #tpu.memory_space<vmem>> -> memref<128xi32, #tpu.memory_space<vmem>>
    %dma_start3A_79 = arith.constant 0 : i32
    %dma_start3A_80 = arith.constant 0 : i32
    %dma_start3A_81 = tpu.memref_slice %arg3[%dma_start3A_79, %dma_start3A_80] : memref<100000x128xf32, #tpu.memory_space<hbm>> -> memref<100000x128xf32, #tpu.memory_space<hbm>>
    %dma_start3A_82 = tpu.memref_slice %arg8[%dma_start3A_71] : memref<5x!tpu.dma_semaphore, #tpu.memory_space<semaphore_mem>> -> memref<1x!tpu.dma_semaphore, #tpu.memory_space<semaphore_mem>>
    %dma_start3A_83 = tpu.memref_squeeze %dma_start3A_82 : memref<1x!tpu.dma_semaphore, #tpu.memory_space<semaphore_mem>> -> memref<!tpu.dma_semaphore, #tpu.memory_space<semaphore_mem>>
    tpu.enqueue_indirect_dma source(%dma_start3A_81 : memref<100000x128xf32, #tpu.memory_space<hbm>>) target(%dma_start3A_75 : memref<128x128xf32, #tpu.memory_space<vmem>>) offsets(%dma_start3A_78 : memref<128xi32, #tpu.memory_space<vmem>>) semaphore(%dma_start3A_83 : memref<!tpu.dma_semaphore, #tpu.memory_space<semaphore_mem>>)
    %add3A_84 = arith.constant 1 : i32
    %add3A_85 = vector.broadcast %add3A_84 : i32 to vector<16xi32>
    %add3A_86 = arith.addi %mul3A_7, %add3A_85 : vector<16xi32>
    %gather3A_87 = tpu.vector_load_idx %arg5[%add3A_86] : memref<6400xi32, #tpu.memory_space<vmem>>[vector<16xi32>], vector<16xi32>,
    %swap3A_88 = arith.constant 1 : i32
    %swap3A_89 = arith.index_cast %swap3A_88 : i32 to index
    %swap3A_90 = arith.constant 0 : index
    %swap3A_91 = tpu.vector_load %arg6[%swap3A_89, %swap3A_90] {strides = array<i32>} : memref<50x128xi32, #tpu.memory_space<vmem>>, vector<16xi32>,
    tpu.vector_store %arg6[%swap3A_89, %swap3A_90], %gather3A_87 {strides = array<i32>} : memref<50x128xi32, #tpu.memory_space<vmem>>, vector<16xi32>,
    %add3A_92 = arith.constant 801 : i32
    %add3A_93 = vector.broadcast %add3A_92 : i32 to vector<16xi32>
    %add3A_94 = arith.addi %mul3A_7, %add3A_93 : vector<16xi32>
    %gather3A_95 = tpu.vector_load_idx %arg5[%add3A_94] : memref<6400xi32, #tpu.memory_space<vmem>>[vector<16xi32>], vector<16xi32>,
    %swap3A_96 = arith.constant 1 : i32
    %swap3A_97 = arith.index_cast %swap3A_96 : i32 to index
    %swap3A_98 = arith.constant 16 : index
    %swap3A_99 = tpu.vector_load %arg6[%swap3A_97, %swap3A_98] {strides = array<i32>} : memref<50x128xi32, #tpu.memory_space<vmem>>, vector<16xi32>,
    tpu.vector_store %arg6[%swap3A_97, %swap3A_98], %gather3A_95 {strides = array<i32>} : memref<50x128xi32, #tpu.memory_space<vmem>>, vector<16xi32>,
    %add3A_100 = arith.constant 1601 : i32
    %add3A_101 = vector.broadcast %add3A_100 : i32 to vector<16xi32>
    %add3A_102 = arith.addi %mul3A_7, %add3A_101 : vector<16xi32>
    %gather3A_103 = tpu.vector_load_idx %arg5[%add3A_102] : memref<6400xi32, #tpu.memory_space<vmem>>[vector<16xi32>], vector<16xi32>,
    %swap3A_104 = arith.constant 1 : i32
    %swap3A_105 = arith.index_cast %swap3A_104 : i32 to index
    %swap3A_106 = arith.constant 32 : index
    %swap3A_107 = tpu.vector_load %arg6[%swap3A_105, %swap3A_106] {strides = array<i32>} : memref<50x128xi32, #tpu.memory_space<vmem>>, vector<16xi32>,
    tpu.vector_store %arg6[%swap3A_105, %swap3A_106], %gather3A_103 {strides = array<i32>} : memref<50x128xi32, #tpu.memory_space<vmem>>, vector<16xi32>,
    %add3A_108 = arith.constant 2401 : i32
    %add3A_109 = vector.broadcast %add3A_108 : i32 to vector<16xi32>
    %add3A_110 = arith.addi %mul3A_7, %add3A_109 : vector<16xi32>
    %gather3A_111 = tpu.vector_load_idx %arg5[%add3A_110] : memref<6400xi32, #tpu.memory_space<vmem>>[vector<16xi32>], vector<16xi32>,
    %swap3A_112 = arith.constant 1 : i32
    %swap3A_113 = arith.index_cast %swap3A_112 : i32 to index
    %swap3A_114 = arith.constant 48 : index
    %swap3A_115 = tpu.vector_load %arg6[%swap3A_113, %swap3A_114] {strides = array<i32>} : memref<50x128xi32, #tpu.memory_space<vmem>>, vector<16xi32>,
    tpu.vector_store %arg6[%swap3A_113, %swap3A_114], %gather3A_111 {strides = array<i32>} : memref<50x128xi32, #tpu.memory_space<vmem>>, vector<16xi32>,
    %add3A_116 = arith.constant 3201 : i32
    %add3A_117 = vector.broadcast %add3A_116 : i32 to vector<16xi32>
    %add3A_118 = arith.addi %mul3A_7, %add3A_117 : vector<16xi32>
    %gather3A_119 = tpu.vector_load_idx %arg5[%add3A_118] : memref<6400xi32, #tpu.memory_space<vmem>>[vector<16xi32>], vector<16xi32>,
    %swap3A_120 = arith.constant 1 : i32
    %swap3A_121 = arith.index_cast %swap3A_120 : i32 to index
    %swap3A_122 = arith.constant 64 : index
    %swap3A_123 = tpu.vector_load %arg6[%swap3A_121, %swap3A_122] {strides = array<i32>} : memref<50x128xi32, #tpu.memory_space<vmem>>, vector<16xi32>,
    tpu.vector_store %arg6[%swap3A_121, %swap3A_122], %gather3A_119 {strides = array<i32>} : memref<50x128xi32, #tpu.memory_space<vmem>>, vector<16xi32>,
    %add3A_124 = arith.constant 4001 : i32
    %add3A_125 = vector.broadcast %add3A_124 : i32 to vector<16xi32>
    %add3A_126 = arith.addi %mul3A_7, %add3A_125 : vector<16xi32>
    %gather3A_127 = tpu.vector_load_idx %arg5[%add3A_126] : memref<6400xi32, #tpu.memory_space<vmem>>[vector<16xi32>], vector<16xi32>,
    %swap3A_128 = arith.constant 1 : i32
    %swap3A_129 = arith.index_cast %swap3A_128 : i32 to index
    %swap3A_130 = arith.constant 80 : index
    %swap3A_131 = tpu.vector_load %arg6[%swap3A_129, %swap3A_130] {strides = array<i32>} : memref<50x128xi32, #tpu.memory_space<vmem>>, vector<16xi32>,
    tpu.vector_store %arg6[%swap3A_129, %swap3A_130], %gather3A_127 {strides = array<i32>} : memref<50x128xi32, #tpu.memory_space<vmem>>, vector<16xi32>,
    %add3A_132 = arith.constant 4801 : i32
    %add3A_133 = vector.broadcast %add3A_132 : i32 to vector<16xi32>
    %add3A_134 = arith.addi %mul3A_7, %add3A_133 : vector<16xi32>
    %gather3A_135 = tpu.vector_load_idx %arg5[%add3A_134] : memref<6400xi32, #tpu.memory_space<vmem>>[vector<16xi32>], vector<16xi32>,
    %swap3A_136 = arith.constant 1 : i32
    %swap3A_137 = arith.index_cast %swap3A_136 : i32 to index
    %swap3A_138 = arith.constant 96 : index
    %swap3A_139 = tpu.vector_load %arg6[%swap3A_137, %swap3A_138] {strides = array<i32>} : memref<50x128xi32, #tpu.memory_space<vmem>>, vector<16xi32>,
    tpu.vector_store %arg6[%swap3A_137, %swap3A_138], %gather3A_135 {strides = array<i32>} : memref<50x128xi32, #tpu.memory_space<vmem>>, vector<16xi32>,
    %add3A_140 = arith.constant 5601 : i32
    %add3A_141 = vector.broadcast %add3A_140 : i32 to vector<16xi32>
    %add3A_142 = arith.addi %mul3A_7, %add3A_141 : vector<16xi32>
    %gather3A_143 = tpu.vector_load_idx %arg5[%add3A_142] : memref<6400xi32, #tpu.memory_space<vmem>>[vector<16xi32>], vector<16xi32>,
    %swap3A_144 = arith.constant 1 : i32
    %swap3A_145 = arith.index_cast %swap3A_144 : i32 to index
    %swap3A_146 = arith.constant 112 : index
    %swap3A_147 = tpu.vector_load %arg6[%swap3A_145, %swap3A_146] {strides = array<i32>} : memref<50x128xi32, #tpu.memory_space<vmem>>, vector<16xi32>,
    tpu.vector_store %arg6[%swap3A_145, %swap3A_146], %gather3A_143 {strides = array<i32>} : memref<50x128xi32, #tpu.memory_space<vmem>>, vector<16xi32>,
    %dma_start3A_148 = arith.constant 1 : i32
    %dma_start3A_149 = arith.constant 1 : i32
    %dma_start3A_150 = arith.constant 1 : i32
    %dma_start3A_151 = arith.constant 0 : i32
    %dma_start3A_152 = arith.constant 0 : i32
    %dma_start3A_153 = tpu.memref_slice %arg7[%dma_start3A_149, %dma_start3A_151, %dma_start3A_152] : memref<5x128x128xf32, #tpu.memory_space<vmem>> -> memref<1x128x128xf32, #tpu.memory_space<vmem>>
    %dma_start3A_154 = tpu.memref_squeeze %dma_start3A_153 : memref<1x128x128xf32, #tpu.memory_space<vmem>> -> memref<128x128xf32, #tpu.memory_space<vmem>>
    %dma_start3A_155 = arith.constant 0 : i32
    %dma_start3A_156 = tpu.memref_slice %arg6[%dma_start3A_148, %dma_start3A_155] : memref<50x128xi32, #tpu.memory_space<vmem>> -> memref<1x128xi32, #tpu.memory_space<vmem>>
    %dma_start3A_157 = tpu.memref_squeeze %dma_start3A_156 : memref<1x128xi32, #tpu.memory_space<vmem>> -> memref<128xi32, #tpu.memory_space<vmem>>
    %dma_start3A_158 = arith.constant 0 : i32
    %dma_start3A_159 = arith.constant 0 : i32
    %dma_start3A_160 = tpu.memref_slice %arg3[%dma_start3A_158, %dma_start3A_159] : memref<100000x128xf32, #tpu.memory_space<hbm>> -> memref<100000x128xf32, #tpu.memory_space<hbm>>
    %dma_start3A_161 = tpu.memref_slice %arg8[%dma_start3A_150] : memref<5x!tpu.dma_semaphore, #tpu.memory_space<semaphore_mem>> -> memref<1x!tpu.dma_semaphore, #tpu.memory_space<semaphore_mem>>
    %dma_start3A_162 = tpu.memref_squeeze %dma_start3A_161 : memref<1x!tpu.dma_semaphore, #tpu.memory_space<semaphore_mem>> -> memref<!tpu.dma_semaphore, #tpu.memory_space<semaphore_mem>>
    tpu.enqueue_indirect_dma source(%dma_start3A_160 : memref<100000x128xf32, #tpu.memory_space<hbm>>) target(%dma_start3A_154 : memref<128x128xf32, #tpu.memory_space<vmem>>) offsets(%dma_start3A_157 : memref<128xi32, #tpu.memory_space<vmem>>) semaphore(%dma_start3A_162 : memref<!tpu.dma_semaphore, #tpu.memory_space<semaphore_mem>>)
    %add3A_163 = arith.constant 2 : i32
    %add3A_164 = vector.broadcast %add3A_163 : i32 to vector<16xi32>
    %add3A_165 = arith.addi %mul3A_7, %add3A_164 : vector<16xi32>
    %gather3A_166 = tpu.vector_load_idx %arg5[%add3A_165] : memref<6400xi32, #tpu.memory_space<vmem>>[vector<16xi32>], vector<16xi32>,
    %swap3A_167 = arith.constant 2 : i32
    %swap3A_168 = arith.index_cast %swap3A_167 : i32 to index
    %swap3A_169 = arith.constant 0 : index
    %swap3A_170 = tpu.vector_load %arg6[%swap3A_168, %swap3A_169] {strides = array<i32>} : memref<50x128xi32, #tpu.memory_space<vmem>>, vector<16xi32>,
    tpu.vector_store %arg6[%swap3A_168, %swap3A_169], %gather3A_166 {strides = array<i32>} : memref<50x128xi32, #tpu.memory_space<vmem>>, vector<16xi32>,
    %add3A_171 = arith.constant 802 : i32
    %add3A_172 = vector.broadcast %add3A_171 : i32 to vector<16xi32>
    %add3A_173 = arith.addi %mul3A_7, %add3A_172 : vector<16xi32>
    %gather3A_174 = tpu.vector_load_idx %arg5[%add3A_173] : memref<6400xi32, #tpu.memory_space<vmem>>[vector<16xi32>], vector<16xi32>,
    %swap3A_175 = arith.constant 2 : i32
    %swap3A_176 = arith.index_cast %swap3A_175 : i32 to index
    %swap3A_177 = arith.constant 16 : index
    %swap3A_178 = tpu.vector_load %arg6[%swap3A_176, %swap3A_177] {strides = array<i32>} : memref<50x128xi32, #tpu.memory_space<vmem>>, vector<16xi32>,
    tpu.vector_store %arg6[%swap3A_176, %swap3A_177], %gather3A_174 {strides = array<i32>} : memref<50x128xi32, #tpu.memory_space<vmem>>, vector<16xi32>,
    %add3A_179 = arith.constant 1602 : i32
    %add3A_180 = vector.broadcast %add3A_179 : i32 to vector<16xi32>
    %add3A_181 = arith.addi %mul3A_7, %add3A_180 : vector<16xi32>
    %gather3A_182 = tpu.vector_load_idx %arg5[%add3A_181] : memref<6400xi32, #tpu.memory_space<vmem>>[vector<16xi32>], vector<16xi32>,
    %swap3A_183 = arith.constant 2 : i32
    %swap3A_184 = arith.index_cast %swap3A_183 : i32 to index
    %swap3A_185 = arith.constant 32 : index
    %swap3A_186 = tpu.vector_load %arg6[%swap3A_184, %swap3A_185] {strides = array<i32>} : memref<50x128xi32, #tpu.memory_space<vmem>>, vector<16xi32>,
    tpu.vector_store %arg6[%swap3A_184, %swap3A_185], %gather3A_182 {strides = array<i32>} : memref<50x128xi32, #tpu.memory_space<vmem>>, vector<16xi32>,
    %add3A_187 = arith.constant 2402 : i32
    %add3A_188 = vector.broadcast %add3A_187 : i32 to vector<16xi32>
    %add3A_189 = arith.addi %mul3A_7, %add3A_188 : vector<16xi32>
    %gather3A_190 = tpu.vector_load_idx %arg5[%add3A_189] : memref<6400xi32, #tpu.memory_space<vmem>>[vector<16xi32>], vector<16xi32>,
    %swap3A_191 = arith.constant 2 : i32
    %swap3A_192 = arith.index_cast %swap3A_191 : i32 to index
    %swap3A_193 = arith.constant 48 : index
    %swap3A_194 = tpu.vector_load %arg6[%swap3A_192, %swap3A_193] {strides = array<i32>} : memref<50x128xi32, #tpu.memory_space<vmem>>, vector<16xi32>,
    tpu.vector_store %arg6[%swap3A_192, %swap3A_193], %gather3A_190 {strides = array<i32>} : memref<50x128xi32, #tpu.memory_space<vmem>>, vector<16xi32>,
    %add3A_195 = arith.constant 3202 : i32
    %add3A_196 = vector.broadcast %add3A_195 : i32 to vector<16xi32>
    %add3A_197 = arith.addi %mul3A_7, %add3A_196 : vector<16xi32>
    %gather3A_198 = tpu.vector_load_idx %arg5[%add3A_197] : memref<6400xi32, #tpu.memory_space<vmem>>[vector<16xi32>], vector<16xi32>,
    %swap3A_199 = arith.constant 2 : i32
    %swap3A_200 = arith.index_cast %swap3A_199 : i32 to index
    %swap3A_201 = arith.constant 64 : index
    %swap3A_202 = tpu.vector_load %arg6[%swap3A_200, %swap3A_201] {strides = array<i32>} : memref<50x128xi32, #tpu.memory_space<vmem>>, vector<16xi32>,
    tpu.vector_store %arg6[%swap3A_200, %swap3A_201], %gather3A_198 {strides = array<i32>} : memref<50x128xi32, #tpu.memory_space<vmem>>, vector<16xi32>,
    %add3A_203 = arith.constant 4002 : i32
    %add3A_204 = vector.broadcast %add3A_203 : i32 to vector<16xi32>
    %add3A_205 = arith.addi %mul3A_7, %add3A_204 : vector<16xi32>
    %gather3A_206 = tpu.vector_load_idx %arg5[%add3A_205] : memref<6400xi32, #tpu.memory_space<vmem>>[vector<16xi32>], vector<16xi32>,
    %swap3A_207 = arith.constant 2 : i32
    %swap3A_208 = arith.index_cast %swap3A_207 : i32 to index
    %swap3A_209 = arith.constant 80 : index
    %swap3A_210 = tpu.vector_load %arg6[%swap3A_208, %swap3A_209] {strides = array<i32>} : memref<50x128xi32, #tpu.memory_space<vmem>>, vector<16xi32>,
    tpu.vector_store %arg6[%swap3A_208, %swap3A_209], %gather3A_206 {strides = array<i32>} : memref<50x128xi32, #tpu.memory_space<vmem>>, vector<16xi32>,
    %add3A_211 = arith.constant 4802 : i32
    %add3A_212 = vector.broadcast %add3A_211 : i32 to vector<16xi32>
    %add3A_213 = arith.addi %mul3A_7, %add3A_212 : vector<16xi32>
    %gather3A_214 = tpu.vector_load_idx %arg5[%add3A_213] : memref<6400xi32, #tpu.memory_space<vmem>>[vector<16xi32>], vector<16xi32>,
    %swap3A_215 = arith.constant 2 : i32
    %swap3A_216 = arith.index_cast %swap3A_215 : i32 to index
    %swap3A_217 = arith.constant 96 : index
    %swap3A_218 = tpu.vector_load %arg6[%swap3A_216, %swap3A_217] {strides = array<i32>} : memref<50x128xi32, #tpu.memory_space<vmem>>, vector<16xi32>,
    tpu.vector_store %arg6[%swap3A_216, %swap3A_217], %gather3A_214 {strides = array<i32>} : memref<50x128xi32, #tpu.memory_space<vmem>>, vector<16xi32>,
    %add3A_219 = arith.constant 5602 : i32
    %add3A_220 = vector.broadcast %add3A_219 : i32 to vector<16xi32>
    %add3A_221 = arith.addi %mul3A_7, %add3A_220 : vector<16xi32>
    %gather3A_222 = tpu.vector_load_idx %arg5[%add3A_221] : memref<6400xi32, #tpu.memory_space<vmem>>[vector<16xi32>], vector<16xi32>,
    %swap3A_223 = arith.constant 2 : i32
    %swap3A_224 = arith.index_cast %swap3A_223 : i32 to index
    %swap3A_225 = arith.constant 112 : index
    %swap3A_226 = tpu.vector_load %arg6[%swap3A_224, %swap3A_225] {strides = array<i32>} : memref<50x128xi32, #tpu.memory_space<vmem>>, vector<16xi32>,
    tpu.vector_store %arg6[%swap3A_224, %swap3A_225], %gather3A_222 {strides = array<i32>} : memref<50x128xi32, #tpu.memory_space<vmem>>, vector<16xi32>,
    %dma_start3A_227 = arith.constant 2 : i32
    %dma_start3A_228 = arith.constant 2 : i32
    %dma_start3A_229 = arith.constant 2 : i32
    %dma_start3A_230 = arith.constant 0 : i32
    %dma_start3A_231 = arith.constant 0 : i32
    %dma_start3A_232 = tpu.memref_slice %arg7[%dma_start3A_228, %dma_start3A_230, %dma_start3A_231] : memref<5x128x128xf32, #tpu.memory_space<vmem>> -> memref<1x128x128xf32, #tpu.memory_space<vmem>>
    %dma_start3A_233 = tpu.memref_squeeze %dma_start3A_232 : memref<1x128x128xf32, #tpu.memory_space<vmem>> -> memref<128x128xf32, #tpu.memory_space<vmem>>
    %dma_start3A_234 = arith.constant 0 : i32
    %dma_start3A_235 = tpu.memref_slice %arg6[%dma_start3A_227, %dma_start3A_234] : memref<50x128xi32, #tpu.memory_space<vmem>> -> memref<1x128xi32, #tpu.memory_space<vmem>>
    %dma_start3A_236 = tpu.memref_squeeze %dma_start3A_235 : memref<1x128xi32, #tpu.memory_space<vmem>> -> memref<128xi32, #tpu.memory_space<vmem>>
    %dma_start3A_237 = arith.constant 0 : i32
    %dma_start3A_238 = arith.constant 0 : i32
    %dma_start3A_239 = tpu.memref_slice %arg3[%dma_start3A_237, %dma_start3A_238] : memref<100000x128xf32, #tpu.memory_space<hbm>> -> memref<100000x128xf32, #tpu.memory_space<hbm>>
    %dma_start3A_240 = tpu.memref_slice %arg8[%dma_start3A_229] : memref<5x!tpu.dma_semaphore, #tpu.memory_space<semaphore_mem>> -> memref<1x!tpu.dma_semaphore, #tpu.memory_space<semaphore_mem>>
    %dma_start3A_241 = tpu.memref_squeeze %dma_start3A_240 : memref<1x!tpu.dma_semaphore, #tpu.memory_space<semaphore_mem>> -> memref<!tpu.dma_semaphore, #tpu.memory_space<semaphore_mem>>
    tpu.enqueue_indirect_dma source(%dma_start3A_239 : memref<100000x128xf32, #tpu.memory_space<hbm>>) target(%dma_start3A_233 : memref<128x128xf32, #tpu.memory_space<vmem>>) offsets(%dma_start3A_236 : memref<128xi32, #tpu.memory_space<vmem>>) semaphore(%dma_start3A_241 : memref<!tpu.dma_semaphore, #tpu.memory_space<semaphore_mem>>)
    %scan3A = arith.constant 0 : i32
    %scan3A_242 = arith.constant 3 : i32
    %scan3A_243 = arith.constant 47 : i32
    %scan3A_244 = arith.addi %scan3A_242, %scan3A_243 : i32
    %scan3A_245 = arith.constant 1 : i32
    scf.for %scan3A_302 = %scan3A_242 to %scan3A_244 step %scan3A_245  : i32 {
      %add3A_303 = arith.constant 0 : i32
      %add3A_304 = arith.addi %add3A_303, %scan3A_302 : i32
      %add3A_305 = vector.broadcast %add3A_304 : i32 to vector<16xi32>
      %add3A_306 = arith.addi %mul3A_7, %add3A_305 : vector<16xi32>
      %gather3A_307 = tpu.vector_load_idx %arg5[%add3A_306] : memref<6400xi32, #tpu.memory_space<vmem>>[vector<16xi32>], vector<16xi32>,
      %swap3A_308 = arith.index_cast %scan3A_302 : i32 to index
      %swap3A_309 = arith.constant 0 : index
      %swap3A_310 = tpu.vector_load %arg6[%swap3A_308, %swap3A_309] {strides = array<i32>} : memref<50x128xi32, #tpu.memory_space<vmem>>, vector<16xi32>,
      tpu.vector_store %arg6[%swap3A_308, %swap3A_309], %gather3A_307 {strides = array<i32>} : memref<50x128xi32, #tpu.memory_space<vmem>>, vector<16xi32>,
      %add3A_311 = arith.constant 800 : i32
      %add3A_312 = arith.addi %add3A_311, %scan3A_302 : i32
      %add3A_313 = vector.broadcast %add3A_312 : i32 to vector<16xi32>
      %add3A_314 = arith.addi %mul3A_7, %add3A_313 : vector<16xi32>
      %gather3A_315 = tpu.vector_load_idx %arg5[%add3A_314] : memref<6400xi32, #tpu.memory_space<vmem>>[vector<16xi32>], vector<16xi32>,
      %swap3A_316 = arith.index_cast %scan3A_302 : i32 to index
      %swap3A_317 = arith.constant 16 : index
      %swap3A_318 = tpu.vector_load %arg6[%swap3A_316, %swap3A_317] {strides = array<i32>} : memref<50x128xi32, #tpu.memory_space<vmem>>, vector<16xi32>,
      tpu.vector_store %arg6[%swap3A_316, %swap3A_317], %gather3A_315 {strides = array<i32>} : memref<50x128xi32, #tpu.memory_space<vmem>>, vector<16xi32>,
      %add3A_319 = arith.constant 1600 : i32
      %add3A_320 = arith.addi %add3A_319, %scan3A_302 : i32
      %add3A_321 = vector.broadcast %add3A_320 : i32 to vector<16xi32>
      %add3A_322 = arith.addi %mul3A_7, %add3A_321 : vector<16xi32>
      %gather3A_323 = tpu.vector_load_idx %arg5[%add3A_322] : memref<6400xi32, #tpu.memory_space<vmem>>[vector<16xi32>], vector<16xi32>,
      %swap3A_324 = arith.index_cast %scan3A_302 : i32 to index
      %swap3A_325 = arith.constant 32 : index
      %swap3A_326 = tpu.vector_load %arg6[%swap3A_324, %swap3A_325] {strides = array<i32>} : memref<50x128xi32, #tpu.memory_space<vmem>>, vector<16xi32>,
      tpu.vector_store %arg6[%swap3A_324, %swap3A_325], %gather3A_323 {strides = array<i32>} : memref<50x128xi32, #tpu.memory_space<vmem>>, vector<16xi32>,
      %add3A_327 = arith.constant 2400 : i32
      %add3A_328 = arith.addi %add3A_327, %scan3A_302 : i32
      %add3A_329 = vector.broadcast %add3A_328 : i32 to vector<16xi32>
      %add3A_330 = arith.addi %mul3A_7, %add3A_329 : vector<16xi32>
      %gather3A_331 = tpu.vector_load_idx %arg5[%add3A_330] : memref<6400xi32, #tpu.memory_space<vmem>>[vector<16xi32>], vector<16xi32>,
      %swap3A_332 = arith.index_cast %scan3A_302 : i32 to index
      %swap3A_333 = arith.constant 48 : index
      %swap3A_334 = tpu.vector_load %arg6[%swap3A_332, %swap3A_333] {strides = array<i32>} : memref<50x128xi32, #tpu.memory_space<vmem>>, vector<16xi32>,
      tpu.vector_store %arg6[%swap3A_332, %swap3A_333], %gather3A_331 {strides = array<i32>} : memref<50x128xi32, #tpu.memory_space<vmem>>, vector<16xi32>,
      %add3A_335 = arith.constant 3200 : i32
      %add3A_336 = arith.addi %add3A_335, %scan3A_302 : i32
      %add3A_337 = vector.broadcast %add3A_336 : i32 to vector<16xi32>
      %add3A_338 = arith.addi %mul3A_7, %add3A_337 : vector<16xi32>
      %gather3A_339 = tpu.vector_load_idx %arg5[%add3A_338] : memref<6400xi32, #tpu.memory_space<vmem>>[vector<16xi32>], vector<16xi32>,
      %swap3A_340 = arith.index_cast %scan3A_302 : i32 to index
      %swap3A_341 = arith.constant 64 : index
      %swap3A_342 = tpu.vector_load %arg6[%swap3A_340, %swap3A_341] {strides = array<i32>} : memref<50x128xi32, #tpu.memory_space<vmem>>, vector<16xi32>,
      tpu.vector_store %arg6[%swap3A_340, %swap3A_341], %gather3A_339 {strides = array<i32>} : memref<50x128xi32, #tpu.memory_space<vmem>>, vector<16xi32>,
      %add3A_343 = arith.constant 4000 : i32
      %add3A_344 = arith.addi %add3A_343, %scan3A_302 : i32
      %add3A_345 = vector.broadcast %add3A_344 : i32 to vector<16xi32>
      %add3A_346 = arith.addi %mul3A_7, %add3A_345 : vector<16xi32>
      %gather3A_347 = tpu.vector_load_idx %arg5[%add3A_346] : memref<6400xi32, #tpu.memory_space<vmem>>[vector<16xi32>], vector<16xi32>,
      %swap3A_348 = arith.index_cast %scan3A_302 : i32 to index
      %swap3A_349 = arith.constant 80 : index
      %swap3A_350 = tpu.vector_load %arg6[%swap3A_348, %swap3A_349] {strides = array<i32>} : memref<50x128xi32, #tpu.memory_space<vmem>>, vector<16xi32>,
      tpu.vector_store %arg6[%swap3A_348, %swap3A_349], %gather3A_347 {strides = array<i32>} : memref<50x128xi32, #tpu.memory_space<vmem>>, vector<16xi32>,
      %add3A_351 = arith.constant 4800 : i32
      %add3A_352 = arith.addi %add3A_351, %scan3A_302 : i32
      %add3A_353 = vector.broadcast %add3A_352 : i32 to vector<16xi32>
      %add3A_354 = arith.addi %mul3A_7, %add3A_353 : vector<16xi32>
      %gather3A_355 = tpu.vector_load_idx %arg5[%add3A_354] : memref<6400xi32, #tpu.memory_space<vmem>>[vector<16xi32>], vector<16xi32>,
      %swap3A_356 = arith.index_cast %scan3A_302 : i32 to index
      %swap3A_357 = arith.constant 96 : index
      %swap3A_358 = tpu.vector_load %arg6[%swap3A_356, %swap3A_357] {strides = array<i32>} : memref<50x128xi32, #tpu.memory_space<vmem>>, vector<16xi32>,
      tpu.vector_store %arg6[%swap3A_356, %swap3A_357], %gather3A_355 {strides = array<i32>} : memref<50x128xi32, #tpu.memory_space<vmem>>, vector<16xi32>,
      %add3A_359 = arith.constant 5600 : i32
      %add3A_360 = arith.addi %add3A_359, %scan3A_302 : i32
      %add3A_361 = vector.broadcast %add3A_360 : i32 to vector<16xi32>
      %add3A_362 = arith.addi %mul3A_7, %add3A_361 : vector<16xi32>
      %gather3A_363 = tpu.vector_load_idx %arg5[%add3A_362] : memref<6400xi32, #tpu.memory_space<vmem>>[vector<16xi32>], vector<16xi32>,
      %swap3A_364 = arith.index_cast %scan3A_302 : i32 to index
      %swap3A_365 = arith.constant 112 : index
      %swap3A_366 = tpu.vector_load %arg6[%swap3A_364, %swap3A_365] {strides = array<i32>} : memref<50x128xi32, #tpu.memory_space<vmem>>, vector<16xi32>,
      tpu.vector_store %arg6[%swap3A_364, %swap3A_365], %gather3A_363 {strides = array<i32>} : memref<50x128xi32, #tpu.memory_space<vmem>>, vector<16xi32>,
    }
    %scan3A_246 = arith.constant 47 : i32
    %scan3A_247 = arith.constant 0 : i32
    %scan3A_248 = arith.constant 0 : i32
    %scan3A_249 = arith.constant 10 : i32
    %scan3A_250 = arith.addi %scan3A_248, %scan3A_249 : i32
    %scan3A_251 = arith.constant 1 : i32
    scf.for %scan3A_302 = %scan3A_248 to %scan3A_250 step %scan3A_251  : i32 {
      %mul3A_303 = arith.constant 5 : i32
      %mul3A_304 = arith.muli %scan3A_302, %mul3A_303 : i32
      %add3A_305 = arith.constant 0 : i32
      %add3A_306 = arith.addi %mul3A_304, %add3A_305 : i32
      %dma_wait3A_307 = arith.constant 0 : i32
      %dma_wait3A_308 = arith.constant 0 : i32
      %dma_wait3A_309 = arith.constant 0 : i32
      %dma_wait3A_310 = arith.constant 0 : i32
      %dma_wait3A_311 = tpu.memref_slice %arg7[%dma_wait3A_307, %dma_wait3A_309, %dma_wait3A_310] : memref<5x128x128xf32, #tpu.memory_space<vmem>> -> memref<1x128x128xf32, #tpu.memory_space<vmem>>
      %dma_wait3A_312 = tpu.memref_squeeze %dma_wait3A_311 : memref<1x128x128xf32, #tpu.memory_space<vmem>> -> memref<128x128xf32, #tpu.memory_space<vmem>>
      %dma_wait3A_313 = arith.constant 0 : i32
      %dma_wait3A_314 = tpu.memref_slice %arg6[%add3A_306, %dma_wait3A_313] : memref<50x128xi32, #tpu.memory_space<vmem>> -> memref<1x128xi32, #tpu.memory_space<vmem>>
      %dma_wait3A_315 = tpu.memref_squeeze %dma_wait3A_314 : memref<1x128xi32, #tpu.memory_space<vmem>> -> memref<128xi32, #tpu.memory_space<vmem>>
      %dma_wait3A_316 = arith.constant 0 : i32
      %dma_wait3A_317 = arith.constant 0 : i32
      %dma_wait3A_318 = tpu.memref_slice %arg3[%dma_wait3A_316, %dma_wait3A_317] : memref<100000x128xf32, #tpu.memory_space<hbm>> -> memref<100000x128xf32, #tpu.memory_space<hbm>>
      %dma_wait3A_319 = tpu.memref_slice %arg8[%dma_wait3A_308] : memref<5x!tpu.dma_semaphore, #tpu.memory_space<semaphore_mem>> -> memref<1x!tpu.dma_semaphore, #tpu.memory_space<semaphore_mem>>
      %dma_wait3A_320 = tpu.memref_squeeze %dma_wait3A_319 : memref<1x!tpu.dma_semaphore, #tpu.memory_space<semaphore_mem>> -> memref<!tpu.dma_semaphore, #tpu.memory_space<semaphore_mem>>
      tpu.wait_indirect_dma semaphore(%dma_wait3A_320 : memref<!tpu.dma_semaphore, #tpu.memory_space<semaphore_mem>>) src(%dma_wait3A_318 : memref<100000x128xf32, #tpu.memory_space<hbm>>) dst(%dma_wait3A_312 : memref<128x128xf32, #tpu.memory_space<vmem>>)
      %scan3A_321 = arith.constant 0 : i32
      %scan3A_322 = arith.constant 0 : i32
      %scan3A_323 = arith.constant 64 : i32
      %scan3A_324 = arith.addi %scan3A_322, %scan3A_323 : i32
      %scan3A_325 = arith.constant 1 : i32
      scf.for %scan3A_599 = %scan3A_322 to %scan3A_324 step %scan3A_325  : i32 {
        %mul3A_600 = arith.constant 2 : i32
        %mul3A_601 = arith.muli %scan3A_599, %mul3A_600 : i32
        %add3A_602 = arith.constant 0 : i32
        %add3A_603 = arith.addi %mul3A_601, %add3A_602 : i32
        %get3A = arith.constant 0 : i32
        %get3A_604 = arith.index_cast %get3A : i32 to index
        %get3A_605 = arith.index_cast %add3A_603 : i32 to index
        %get3A_606 = arith.constant 0 : index
        %get3A_607 = tpu.vector_load %arg7[%get3A_604, %get3A_605, %get3A_606] {strides = array<i32>} : memref<5x128x128xf32, #tpu.memory_space<vmem>>, vector<16xf32>,
        %mul3A_608 = arith.constant 11.3137083 : f32
        %mul3A_609 = vector.broadcast %mul3A_608 : f32 to vector<16xf32>
        %mul3A_610 = arith.mulf %get3A_607, %mul3A_609 : vector<16xf32>
        %mul3A_611 = arith.constant 2 : i32
        %mul3A_612 = arith.muli %scan3A_599, %mul3A_611 : i32
        %add3A_613 = arith.constant 0 : i32
        %add3A_614 = arith.addi %mul3A_612, %add3A_613 : i32
        %swap3A_615 = arith.constant 0 : i32
        %swap3A_616 = arith.index_cast %swap3A_615 : i32 to index
        %swap3A_617 = arith.index_cast %add3A_614 : i32 to index
        %swap3A_618 = arith.constant 0 : index
        %swap3A_619 = tpu.vector_load %arg7[%swap3A_616, %swap3A_617, %swap3A_618] {strides = array<i32>} : memref<5x128x128xf32, #tpu.memory_space<vmem>>, vector<16xf32>,
        tpu.vector_store %arg7[%swap3A_616, %swap3A_617, %swap3A_618], %mul3A_610 {strides = array<i32>} : memref<5x128x128xf32, #tpu.memory_space<vmem>>, vector<16xf32>,
        %mul3A_620 = arith.constant 2 : i32
        %mul3A_621 = arith.muli %scan3A_599, %mul3A_620 : i32
        %add3A_622 = arith.constant 0 : i32
        %add3A_623 = arith.addi %mul3A_621, %add3A_622 : i32
        %get3A_624 = arith.constant 0 : i32
        %get3A_625 = arith.index_cast %get3A_624 : i32 to index
        %get3A_626 = arith.index_cast %add3A_623 : i32 to index
        %get3A_627 = arith.constant 16 : index
        %get3A_628 = tpu.vector_load %arg7[%get3A_625, %get3A_626, %get3A_627] {strides = array<i32>} : memref<5x128x128xf32, #tpu.memory_space<vmem>>, vector<16xf32>,
        %mul3A_629 = arith.constant 11.3137083 : f32
        %mul3A_630 = vector.broadcast %mul3A_629 : f32 to vector<16xf32>
        %mul3A_631 = arith.mulf %get3A_628, %mul3A_630 : vector<16xf32>
        %mul3A_632 = arith.constant 2 : i32
        %mul3A_633 = arith.muli %scan3A_599, %mul3A_632 : i32
        %add3A_634 = arith.constant 0 : i32
        %add3A_635 = arith.addi %mul3A_633, %add3A_634 : i32
        %swap3A_636 = arith.constant 0 : i32
        %swap3A_637 = arith.index_cast %swap3A_636 : i32 to index
        %swap3A_638 = arith.index_cast %add3A_635 : i32 to index
        %swap3A_639 = arith.constant 16 : index
        %swap3A_640 = tpu.vector_load %arg7[%swap3A_637, %swap3A_638, %swap3A_639] {strides = array<i32>} : memref<5x128x128xf32, #tpu.memory_space<vmem>>, vector<16xf32>,
        tpu.vector_store %arg7[%swap3A_637, %swap3A_638, %swap3A_639], %mul3A_631 {strides = array<i32>} : memref<5x128x128xf32, #tpu.memory_space<vmem>>, vector<16xf32>,
        %mul3A_641 = arith.constant 2 : i32
        %mul3A_642 = arith.muli %scan3A_599, %mul3A_641 : i32
        %add3A_643 = arith.constant 0 : i32
        %add3A_644 = arith.addi %mul3A_642, %add3A_643 : i32
        %get3A_645 = arith.constant 0 : i32
        %get3A_646 = arith.index_cast %get3A_645 : i32 to index
        %get3A_647 = arith.index_cast %add3A_644 : i32 to index
        %get3A_648 = arith.constant 32 : index
        %get3A_649 = tpu.vector_load %arg7[%get3A_646, %get3A_647, %get3A_648] {strides = array<i32>} : memref<5x128x128xf32, #tpu.memory_space<vmem>>, vector<16xf32>,
        %mul3A_650 = arith.constant 11.3137083 : f32
        %mul3A_651 = vector.broadcast %mul3A_650 : f32 to vector<16xf32>
        %mul3A_652 = arith.mulf %get3A_649, %mul3A_651 : vector<16xf32>
        %mul3A_653 = arith.constant 2 : i32
        %mul3A_654 = arith.muli %scan3A_599, %mul3A_653 : i32
        %add3A_655 = arith.constant 0 : i32
        %add3A_656 = arith.addi %mul3A_654, %add3A_655 : i32
        %swap3A_657 = arith.constant 0 : i32
        %swap3A_658 = arith.index_cast %swap3A_657 : i32 to index
        %swap3A_659 = arith.index_cast %add3A_656 : i32 to index
        %swap3A_660 = arith.constant 32 : index
        %swap3A_661 = tpu.vector_load %arg7[%swap3A_658, %swap3A_659, %swap3A_660] {strides = array<i32>} : memref<5x128x128xf32, #tpu.memory_space<vmem>>, vector<16xf32>,
        tpu.vector_store %arg7[%swap3A_658, %swap3A_659, %swap3A_660], %mul3A_652 {strides = array<i32>} : memref<5x128x128xf32, #tpu.memory_space<vmem>>, vector<16xf32>,
        %mul3A_662 = arith.constant 2 : i32
        %mul3A_663 = arith.muli %scan3A_599, %mul3A_662 : i32
        %add3A_664 = arith.constant 0 : i32
        %add3A_665 = arith.addi %mul3A_663, %add3A_664 : i32
        %get3A_666 = arith.constant 0 : i32
        %get3A_667 = arith.index_cast %get3A_666 : i32 to index
        %get3A_668 = arith.index_cast %add3A_665 : i32 to index
        %get3A_669 = arith.constant 48 : index
        %get3A_670 = tpu.vector_load %arg7[%get3A_667, %get3A_668, %get3A_669] {strides = array<i32>} : memref<5x128x128xf32, #tpu.memory_space<vmem>>, vector<16xf32>,
        %mul3A_671 = arith.constant 11.3137083 : f32
        %mul3A_672 = vector.broadcast %mul3A_671 : f32 to vector<16xf32>
        %mul3A_673 = arith.mulf %get3A_670, %mul3A_672 : vector<16xf32>
        %mul3A_674 = arith.constant 2 : i32
        %mul3A_675 = arith.muli %scan3A_599, %mul3A_674 : i32
        %add3A_676 = arith.constant 0 : i32
        %add3A_677 = arith.addi %mul3A_675, %add3A_676 : i32
        %swap3A_678 = arith.constant 0 : i32
        %swap3A_679 = arith.index_cast %swap3A_678 : i32 to index
        %swap3A_680 = arith.index_cast %add3A_677 : i32 to index
        %swap3A_681 = arith.constant 48 : index
        %swap3A_682 = tpu.vector_load %arg7[%swap3A_679, %swap3A_680, %swap3A_681] {strides = array<i32>} : memref<5x128x128xf32, #tpu.memory_space<vmem>>, vector<16xf32>,
        tpu.vector_store %arg7[%swap3A_679, %swap3A_680, %swap3A_681], %mul3A_673 {strides = array<i32>} : memref<5x128x128xf32, #tpu.memory_space<vmem>>, vector<16xf32>,
        %mul3A_683 = arith.constant 2 : i32
        %mul3A_684 = arith.muli %scan3A_599, %mul3A_683 : i32
        %add3A_685 = arith.constant 0 : i32
        %add3A_686 = arith.addi %mul3A_684, %add3A_685 : i32
        %get3A_687 = arith.constant 0 : i32
        %get3A_688 = arith.index_cast %get3A_687 : i32 to index
        %get3A_689 = arith.index_cast %add3A_686 : i32 to index
        %get3A_690 = arith.constant 64 : index
        %get3A_691 = tpu.vector_load %arg7[%get3A_688, %get3A_689, %get3A_690] {strides = array<i32>} : memref<5x128x128xf32, #tpu.memory_space<vmem>>, vector<16xf32>,
        %mul3A_692 = arith.constant 11.3137083 : f32
        %mul3A_693 = vector.broadcast %mul3A_692 : f32 to vector<16xf32>
        %mul3A_694 = arith.mulf %get3A_691, %mul3A_693 : vector<16xf32>
        %mul3A_695 = arith.constant 2 : i32
        %mul3A_696 = arith.muli %scan3A_599, %mul3A_695 : i32
        %add3A_697 = arith.constant 0 : i32
        %add3A_698 = arith.addi %mul3A_696, %add3A_697 : i32
        %swap3A_699 = arith.constant 0 : i32
        %swap3A_700 = arith.index_cast %swap3A_699 : i32 to index
        %swap3A_701 = arith.index_cast %add3A_698 : i32 to index
        %swap3A_702 = arith.constant 64 : index
        %swap3A_703 = tpu.vector_load %arg7[%swap3A_700, %swap3A_701, %swap3A_702] {strides = array<i32>} : memref<5x128x128xf32, #tpu.memory_space<vmem>>, vector<16xf32>,
        tpu.vector_store %arg7[%swap3A_700, %swap3A_701, %swap3A_702], %mul3A_694 {strides = array<i32>} : memref<5x128x128xf32, #tpu.memory_space<vmem>>, vector<16xf32>,
        %mul3A_704 = arith.constant 2 : i32
        %mul3A_705 = arith.muli %scan3A_599, %mul3A_704 : i32
        %add3A_706 = arith.constant 0 : i32
        %add3A_707 = arith.addi %mul3A_705, %add3A_706 : i32
        %get3A_708 = arith.constant 0 : i32
        %get3A_709 = arith.index_cast %get3A_708 : i32 to index
        %get3A_710 = arith.index_cast %add3A_707 : i32 to index
        %get3A_711 = arith.constant 80 : index
        %get3A_712 = tpu.vector_load %arg7[%get3A_709, %get3A_710, %get3A_711] {strides = array<i32>} : memref<5x128x128xf32, #tpu.memory_space<vmem>>, vector<16xf32>,
        %mul3A_713 = arith.constant 11.3137083 : f32
        %mul3A_714 = vector.broadcast %mul3A_713 : f32 to vector<16xf32>
        %mul3A_715 = arith.mulf %get3A_712, %mul3A_714 : vector<16xf32>
        %mul3A_716 = arith.constant 2 : i32
        %mul3A_717 = arith.muli %scan3A_599, %mul3A_716 : i32
        %add3A_718 = arith.constant 0 : i32
        %add3A_719 = arith.addi %mul3A_717, %add3A_718 : i32
        %swap3A_720 = arith.constant 0 : i32
        %swap3A_721 = arith.index_cast %swap3A_720 : i32 to index
        %swap3A_722 = arith.index_cast %add3A_719 : i32 to index
        %swap3A_723 = arith.constant 80 : index
        %swap3A_724 = tpu.vector_load %arg7[%swap3A_721, %swap3A_722, %swap3A_723] {strides = array<i32>} : memref<5x128x128xf32, #tpu.memory_space<vmem>>, vector<16xf32>,
        tpu.vector_store %arg7[%swap3A_721, %swap3A_722, %swap3A_723], %mul3A_715 {strides = array<i32>} : memref<5x128x128xf32, #tpu.memory_space<vmem>>, vector<16xf32>,
        %mul3A_725 = arith.constant 2 : i32
        %mul3A_726 = arith.muli %scan3A_599, %mul3A_725 : i32
        %add3A_727 = arith.constant 0 : i32
        %add3A_728 = arith.addi %mul3A_726, %add3A_727 : i32
        %get3A_729 = arith.constant 0 : i32
        %get3A_730 = arith.index_cast %get3A_729 : i32 to index
        %get3A_731 = arith.index_cast %add3A_728 : i32 to index
        %get3A_732 = arith.constant 96 : index
        %get3A_733 = tpu.vector_load %arg7[%get3A_730, %get3A_731, %get3A_732] {strides = array<i32>} : memref<5x128x128xf32, #tpu.memory_space<vmem>>, vector<16xf32>,
        %mul3A_734 = arith.constant 11.3137083 : f32
        %mul3A_735 = vector.broadcast %mul3A_734 : f32 to vector<16xf32>
        %mul3A_736 = arith.mulf %get3A_733, %mul3A_735 : vector<16xf32>
        %mul3A_737 = arith.constant 2 : i32
        %mul3A_738 = arith.muli %scan3A_599, %mul3A_737 : i32
        %add3A_739 = arith.constant 0 : i32
        %add3A_740 = arith.addi %mul3A_738, %add3A_739 : i32
        %swap3A_741 = arith.constant 0 : i32
        %swap3A_742 = arith.index_cast %swap3A_741 : i32 to index
        %swap3A_743 = arith.index_cast %add3A_740 : i32 to index
        %swap3A_744 = arith.constant 96 : index
        %swap3A_745 = tpu.vector_load %arg7[%swap3A_742, %swap3A_743, %swap3A_744] {strides = array<i32>} : memref<5x128x128xf32, #tpu.memory_space<vmem>>, vector<16xf32>,
        tpu.vector_store %arg7[%swap3A_742, %swap3A_743, %swap3A_744], %mul3A_736 {strides = array<i32>} : memref<5x128x128xf32, #tpu.memory_space<vmem>>, vector<16xf32>,
        %mul3A_746 = arith.constant 2 : i32
        %mul3A_747 = arith.muli %scan3A_599, %mul3A_746 : i32
        %add3A_748 = arith.constant 0 : i32
        %add3A_749 = arith.addi %mul3A_747, %add3A_748 : i32
        %get3A_750 = arith.constant 0 : i32
        %get3A_751 = arith.index_cast %get3A_750 : i32 to index
        %get3A_752 = arith.index_cast %add3A_749 : i32 to index
        %get3A_753 = arith.constant 112 : index
        %get3A_754 = tpu.vector_load %arg7[%get3A_751, %get3A_752, %get3A_753] {strides = array<i32>} : memref<5x128x128xf32, #tpu.memory_space<vmem>>, vector<16xf32>,
        %mul3A_755 = arith.constant 11.3137083 : f32
        %mul3A_756 = vector.broadcast %mul3A_755 : f32 to vector<16xf32>
        %mul3A_757 = arith.mulf %get3A_754, %mul3A_756 : vector<16xf32>
        %mul3A_758 = arith.constant 2 : i32
        %mul3A_759 = arith.muli %scan3A_599, %mul3A_758 : i32
        %add3A_760 = arith.constant 0 : i32
        %add3A_761 = arith.addi %mul3A_759, %add3A_760 : i32
        %swap3A_762 = arith.constant 0 : i32
        %swap3A_763 = arith.index_cast %swap3A_762 : i32 to index
        %swap3A_764 = arith.index_cast %add3A_761 : i32 to index
        %swap3A_765 = arith.constant 112 : index
        %swap3A_766 = tpu.vector_load %arg7[%swap3A_763, %swap3A_764, %swap3A_765] {strides = array<i32>} : memref<5x128x128xf32, #tpu.memory_space<vmem>>, vector<16xf32>,
        tpu.vector_store %arg7[%swap3A_763, %swap3A_764, %swap3A_765], %mul3A_757 {strides = array<i32>} : memref<5x128x128xf32, #tpu.memory_space<vmem>>, vector<16xf32>,
        %mul3A_767 = arith.constant 2 : i32
        %mul3A_768 = arith.muli %scan3A_599, %mul3A_767 : i32
        %add3A_769 = arith.constant 1 : i32
        %add3A_770 = arith.addi %mul3A_768, %add3A_769 : i32
        %get3A_771 = arith.constant 0 : i32
        %get3A_772 = arith.index_cast %get3A_771 : i32 to index
        %get3A_773 = arith.index_cast %add3A_770 : i32 to index
        %get3A_774 = arith.constant 0 : index
        %get3A_775 = tpu.vector_load %arg7[%get3A_772, %get3A_773, %get3A_774] {strides = array<i32>} : memref<5x128x128xf32, #tpu.memory_space<vmem>>, vector<16xf32>,
        %mul3A_776 = arith.constant 11.3137083 : f32
        %mul3A_777 = vector.broadcast %mul3A_776 : f32 to vector<16xf32>
        %mul3A_778 = arith.mulf %get3A_775, %mul3A_777 : vector<16xf32>
        %mul3A_779 = arith.constant 2 : i32
        %mul3A_780 = arith.muli %scan3A_599, %mul3A_779 : i32
        %add3A_781 = arith.constant 1 : i32
        %add3A_782 = arith.addi %mul3A_780, %add3A_781 : i32
        %swap3A_783 = arith.constant 0 : i32
        %swap3A_784 = arith.index_cast %swap3A_783 : i32 to index
        %swap3A_785 = arith.index_cast %add3A_782 : i32 to index
        %swap3A_786 = arith.constant 0 : index
        %swap3A_787 = tpu.vector_load %arg7[%swap3A_784, %swap3A_785, %swap3A_786] {strides = array<i32>} : memref<5x128x128xf32, #tpu.memory_space<vmem>>, vector<16xf32>,
        tpu.vector_store %arg7[%swap3A_784, %swap3A_785, %swap3A_786], %mul3A_778 {strides = array<i32>} : memref<5x128x128xf32, #tpu.memory_space<vmem>>, vector<16xf32>,
        %mul3A_788 = arith.constant 2 : i32
        %mul3A_789 = arith.muli %scan3A_599, %mul3A_788 : i32
        %add3A_790 = arith.constant 1 : i32
        %add3A_791 = arith.addi %mul3A_789, %add3A_790 : i32
        %get3A_792 = arith.constant 0 : i32
        %get3A_793 = arith.index_cast %get3A_792 : i32 to index
        %get3A_794 = arith.index_cast %add3A_791 : i32 to index
        %get3A_795 = arith.constant 16 : index
        %get3A_796 = tpu.vector_load %arg7[%get3A_793, %get3A_794, %get3A_795] {strides = array<i32>} : memref<5x128x128xf32, #tpu.memory_space<vmem>>, vector<16xf32>,
        %mul3A_797 = arith.constant 11.3137083 : f32
        %mul3A_798 = vector.broadcast %mul3A_797 : f32 to vector<16xf32>
        %mul3A_799 = arith.mulf %get3A_796, %mul3A_798 : vector<16xf32>
        %mul3A_800 = arith.constant 2 : i32
        %mul3A_801 = arith.muli %scan3A_599, %mul3A_800 : i32
        %add3A_802 = arith.constant 1 : i32
        %add3A_803 = arith.addi %mul3A_801, %add3A_802 : i32
        %swap3A_804 = arith.constant 0 : i32
        %swap3A_805 = arith.index_cast %swap3A_804 : i32 to index
        %swap3A_806 = arith.index_cast %add3A_803 : i32 to index
        %swap3A_807 = arith.constant 16 : index
        %swap3A_808 = tpu.vector_load %arg7[%swap3A_805, %swap3A_806, %swap3A_807] {strides = array<i32>} : memref<5x128x128xf32, #tpu.memory_space<vmem>>, vector<16xf32>,
        tpu.vector_store %arg7[%swap3A_805, %swap3A_806, %swap3A_807], %mul3A_799 {strides = array<i32>} : memref<5x128x128xf32, #tpu.memory_space<vmem>>, vector<16xf32>,
        %mul3A_809 = arith.constant 2 : i32
        %mul3A_810 = arith.muli %scan3A_599, %mul3A_809 : i32
        %add3A_811 = arith.constant 1 : i32
        %add3A_812 = arith.addi %mul3A_810, %add3A_811 : i32
        %get3A_813 = arith.constant 0 : i32
        %get3A_814 = arith.index_cast %get3A_813 : i32 to index
        %get3A_815 = arith.index_cast %add3A_812 : i32 to index
        %get3A_816 = arith.constant 32 : index
        %get3A_817 = tpu.vector_load %arg7[%get3A_814, %get3A_815, %get3A_816] {strides = array<i32>} : memref<5x128x128xf32, #tpu.memory_space<vmem>>, vector<16xf32>,
        %mul3A_818 = arith.constant 11.3137083 : f32
        %mul3A_819 = vector.broadcast %mul3A_818 : f32 to vector<16xf32>
        %mul3A_820 = arith.mulf %get3A_817, %mul3A_819 : vector<16xf32>
        %mul3A_821 = arith.constant 2 : i32
        %mul3A_822 = arith.muli %scan3A_599, %mul3A_821 : i32
        %add3A_823 = arith.constant 1 : i32
        %add3A_824 = arith.addi %mul3A_822, %add3A_823 : i32
        %swap3A_825 = arith.constant 0 : i32
        %swap3A_826 = arith.index_cast %swap3A_825 : i32 to index
        %swap3A_827 = arith.index_cast %add3A_824 : i32 to index
        %swap3A_828 = arith.constant 32 : index
        %swap3A_829 = tpu.vector_load %arg7[%swap3A_826, %swap3A_827, %swap3A_828] {strides = array<i32>} : memref<5x128x128xf32, #tpu.memory_space<vmem>>, vector<16xf32>,
        tpu.vector_store %arg7[%swap3A_826, %swap3A_827, %swap3A_828], %mul3A_820 {strides = array<i32>} : memref<5x128x128xf32, #tpu.memory_space<vmem>>, vector<16xf32>,
        %mul3A_830 = arith.constant 2 : i32
        %mul3A_831 = arith.muli %scan3A_599, %mul3A_830 : i32
        %add3A_832 = arith.constant 1 : i32
        %add3A_833 = arith.addi %mul3A_831, %add3A_832 : i32
        %get3A_834 = arith.constant 0 : i32
        %get3A_835 = arith.index_cast %get3A_834 : i32 to index
        %get3A_836 = arith.index_cast %add3A_833 : i32 to index
        %get3A_837 = arith.constant 48 : index
        %get3A_838 = tpu.vector_load %arg7[%get3A_835, %get3A_836, %get3A_837] {strides = array<i32>} : memref<5x128x128xf32, #tpu.memory_space<vmem>>, vector<16xf32>,
        %mul3A_839 = arith.constant 11.3137083 : f32
        %mul3A_840 = vector.broadcast %mul3A_839 : f32 to vector<16xf32>
        %mul3A_841 = arith.mulf %get3A_838, %mul3A_840 : vector<16xf32>
        %mul3A_842 = arith.constant 2 : i32
        %mul3A_843 = arith.muli %scan3A_599, %mul3A_842 : i32
        %add3A_844 = arith.constant 1 : i32
        %add3A_845 = arith.addi %mul3A_843, %add3A_844 : i32
        %swap3A_846 = arith.constant 0 : i32
        %swap3A_847 = arith.index_cast %swap3A_846 : i32 to index
        %swap3A_848 = arith.index_cast %add3A_845 : i32 to index
        %swap3A_849 = arith.constant 48 : index
        %swap3A_850 = tpu.vector_load %arg7[%swap3A_847, %swap3A_848, %swap3A_849] {strides = array<i32>} : memref<5x128x128xf32, #tpu.memory_space<vmem>>, vector<16xf32>,
        tpu.vector_store %arg7[%swap3A_847, %swap3A_848, %swap3A_849], %mul3A_841 {strides = array<i32>} : memref<5x128x128xf32, #tpu.memory_space<vmem>>, vector<16xf32>,
        %mul3A_851 = arith.constant 2 : i32
        %mul3A_852 = arith.muli %scan3A_599, %mul3A_851 : i32
        %add3A_853 = arith.constant 1 : i32
        %add3A_854 = arith.addi %mul3A_852, %add3A_853 : i32
        %get3A_855 = arith.constant 0 : i32
        %get3A_856 = arith.index_cast %get3A_855 : i32 to index
        %get3A_857 = arith.index_cast %add3A_854 : i32 to index
        %get3A_858 = arith.constant 64 : index
        %get3A_859 = tpu.vector_load %arg7[%get3A_856, %get3A_857, %get3A_858] {strides = array<i32>} : memref<5x128x128xf32, #tpu.memory_space<vmem>>, vector<16xf32>,
        %mul3A_860 = arith.constant 11.3137083 : f32
        %mul3A_861 = vector.broadcast %mul3A_860 : f32 to vector<16xf32>
        %mul3A_862 = arith.mulf %get3A_859, %mul3A_861 : vector<16xf32>
        %mul3A_863 = arith.constant 2 : i32
        %mul3A_864 = arith.muli %scan3A_599, %mul3A_863 : i32
        %add3A_865 = arith.constant 1 : i32
        %add3A_866 = arith.addi %mul3A_864, %add3A_865 : i32
        %swap3A_867 = arith.constant 0 : i32
        %swap3A_868 = arith.index_cast %swap3A_867 : i32 to index
        %swap3A_869 = arith.index_cast %add3A_866 : i32 to index
        %swap3A_870 = arith.constant 64 : index
        %swap3A_871 = tpu.vector_load %arg7[%swap3A_868, %swap3A_869, %swap3A_870] {strides = array<i32>} : memref<5x128x128xf32, #tpu.memory_space<vmem>>, vector<16xf32>,
        tpu.vector_store %arg7[%swap3A_868, %swap3A_869, %swap3A_870], %mul3A_862 {strides = array<i32>} : memref<5x128x128xf32, #tpu.memory_space<vmem>>, vector<16xf32>,
        %mul3A_872 = arith.constant 2 : i32
        %mul3A_873 = arith.muli %scan3A_599, %mul3A_872 : i32
        %add3A_874 = arith.constant 1 : i32
        %add3A_875 = arith.addi %mul3A_873, %add3A_874 : i32
        %get3A_876 = arith.constant 0 : i32
        %get3A_877 = arith.index_cast %get3A_876 : i32 to index
        %get3A_878 = arith.index_cast %add3A_875 : i32 to index
        %get3A_879 = arith.constant 80 : index
        %get3A_880 = tpu.vector_load %arg7[%get3A_877, %get3A_878, %get3A_879] {strides = array<i32>} : memref<5x128x128xf32, #tpu.memory_space<vmem>>, vector<16xf32>,
        %mul3A_881 = arith.constant 11.3137083 : f32
        %mul3A_882 = vector.broadcast %mul3A_881 : f32 to vector<16xf32>
        %mul3A_883 = arith.mulf %get3A_880, %mul3A_882 : vector<16xf32>
        %mul3A_884 = arith.constant 2 : i32
        %mul3A_885 = arith.muli %scan3A_599, %mul3A_884 : i32
        %add3A_886 = arith.constant 1 : i32
        %add3A_887 = arith.addi %mul3A_885, %add3A_886 : i32
        %swap3A_888 = arith.constant 0 : i32
        %swap3A_889 = arith.index_cast %swap3A_888 : i32 to index
        %swap3A_890 = arith.index_cast %add3A_887 : i32 to index
        %swap3A_891 = arith.constant 80 : index
        %swap3A_892 = tpu.vector_load %arg7[%swap3A_889, %swap3A_890, %swap3A_891] {strides = array<i32>} : memref<5x128x128xf32, #tpu.memory_space<vmem>>, vector<16xf32>,
        tpu.vector_store %arg7[%swap3A_889, %swap3A_890, %swap3A_891], %mul3A_883 {strides = array<i32>} : memref<5x128x128xf32, #tpu.memory_space<vmem>>, vector<16xf32>,
        %mul3A_893 = arith.constant 2 : i32
        %mul3A_894 = arith.muli %scan3A_599, %mul3A_893 : i32
        %add3A_895 = arith.constant 1 : i32
        %add3A_896 = arith.addi %mul3A_894, %add3A_895 : i32
        %get3A_897 = arith.constant 0 : i32
        %get3A_898 = arith.index_cast %get3A_897 : i32 to index
        %get3A_899 = arith.index_cast %add3A_896 : i32 to index
        %get3A_900 = arith.constant 96 : index
        %get3A_901 = tpu.vector_load %arg7[%get3A_898, %get3A_899, %get3A_900] {strides = array<i32>} : memref<5x128x128xf32, #tpu.memory_space<vmem>>, vector<16xf32>,
        %mul3A_902 = arith.constant 11.3137083 : f32
        %mul3A_903 = vector.broadcast %mul3A_902 : f32 to vector<16xf32>
        %mul3A_904 = arith.mulf %get3A_901, %mul3A_903 : vector<16xf32>
        %mul3A_905 = arith.constant 2 : i32
        %mul3A_906 = arith.muli %scan3A_599, %mul3A_905 : i32
        %add3A_907 = arith.constant 1 : i32
        %add3A_908 = arith.addi %mul3A_906, %add3A_907 : i32
        %swap3A_909 = arith.constant 0 : i32
        %swap3A_910 = arith.index_cast %swap3A_909 : i32 to index
        %swap3A_911 = arith.index_cast %add3A_908 : i32 to index
        %swap3A_912 = arith.constant 96 : index
        %swap3A_913 = tpu.vector_load %arg7[%swap3A_910, %swap3A_911, %swap3A_912] {strides = array<i32>} : memref<5x128x128xf32, #tpu.memory_space<vmem>>, vector<16xf32>,
        tpu.vector_store %arg7[%swap3A_910, %swap3A_911, %swap3A_912], %mul3A_904 {strides = array<i32>} : memref<5x128x128xf32, #tpu.memory_space<vmem>>, vector<16xf32>,
        %mul3A_914 = arith.constant 2 : i32
        %mul3A_915 = arith.muli %scan3A_599, %mul3A_914 : i32
        %add3A_916 = arith.constant 1 : i32
        %add3A_917 = arith.addi %mul3A_915, %add3A_916 : i32
        %get3A_918 = arith.constant 0 : i32
        %get3A_919 = arith.index_cast %get3A_918 : i32 to index
        %get3A_920 = arith.index_cast %add3A_917 : i32 to index
        %get3A_921 = arith.constant 112 : index
        %get3A_922 = tpu.vector_load %arg7[%get3A_919, %get3A_920, %get3A_921] {strides = array<i32>} : memref<5x128x128xf32, #tpu.memory_space<vmem>>, vector<16xf32>,
        %mul3A_923 = arith.constant 11.3137083 : f32
        %mul3A_924 = vector.broadcast %mul3A_923 : f32 to vector<16xf32>
        %mul3A_925 = arith.mulf %get3A_922, %mul3A_924 : vector<16xf32>
        %mul3A_926 = arith.constant 2 : i32
        %mul3A_927 = arith.muli %scan3A_599, %mul3A_926 : i32
        %add3A_928 = arith.constant 1 : i32
        %add3A_929 = arith.addi %mul3A_927, %add3A_928 : i32
        %swap3A_930 = arith.constant 0 : i32
        %swap3A_931 = arith.index_cast %swap3A_930 : i32 to index
        %swap3A_932 = arith.index_cast %add3A_929 : i32 to index
        %swap3A_933 = arith.constant 112 : index
        %swap3A_934 = tpu.vector_load %arg7[%swap3A_931, %swap3A_932, %swap3A_933] {strides = array<i32>} : memref<5x128x128xf32, #tpu.memory_space<vmem>>, vector<16xf32>,
        tpu.vector_store %arg7[%swap3A_931, %swap3A_932, %swap3A_933], %mul3A_925 {strides = array<i32>} : memref<5x128x128xf32, #tpu.memory_space<vmem>>, vector<16xf32>,
      }
      %scan3A_326 = arith.constant 64 : i32
      %dma_start3A_327 = arith.constant 0 : i32
      %dma_start3A_328 = arith.constant 0 : i32
      %dma_start3A_329 = arith.constant 0 : i32
      %dma_start3A_330 = arith.constant 0 : i32
      %dma_start3A_331 = tpu.memref_slice %arg7[%dma_start3A_327, %dma_start3A_329, %dma_start3A_330] : memref<5x128x128xf32, #tpu.memory_space<vmem>> -> memref<1x128x128xf32, #tpu.memory_space<vmem>>
      %dma_start3A_332 = tpu.memref_squeeze %dma_start3A_331 : memref<1x128x128xf32, #tpu.memory_space<vmem>> -> memref<128x128xf32, #tpu.memory_space<vmem>>
      %dma_start3A_333 = arith.constant 0 : i32
      %dma_start3A_334 = arith.constant 0 : i32
      %dma_start3A_335 = tpu.memref_slice %arg4[%add3A_306, %dma_start3A_333, %dma_start3A_334] : memref<50x4096x128xf32, #tpu.memory_space<hbm>> -> memref<1x4096x128xf32, #tpu.memory_space<hbm>>
      %dma_start3A_336 = tpu.memref_squeeze %dma_start3A_335 : memref<1x4096x128xf32, #tpu.memory_space<hbm>> -> memref<4096x128xf32, #tpu.memory_space<hbm>>
      %dma_start3A_337 = arith.constant 0 : i32
      %dma_start3A_338 = tpu.memref_slice %dma_start3A_336[%mul3A_4, %dma_start3A_337] : memref<4096x128xf32, #tpu.memory_space<hbm>> -> memref<128x128xf32, #tpu.memory_space<hbm>>
      %dma_start3A_339 = tpu.memref_slice %arg9[%dma_start3A_328] : memref<5x!tpu.dma_semaphore, #tpu.memory_space<semaphore_mem>> -> memref<1x!tpu.dma_semaphore, #tpu.memory_space<semaphore_mem>>
      %dma_start3A_340 = tpu.memref_squeeze %dma_start3A_339 : memref<1x!tpu.dma_semaphore, #tpu.memory_space<semaphore_mem>> -> memref<!tpu.dma_semaphore, #tpu.memory_space<semaphore_mem>>
      %dma_start3A_341 = arith.constant 0 : i32
      %dma_start3A_342 = arith.constant 0 : i32
      %dma_start3A_343 = tpu.memref_slice %arg4[%add3A_306, %dma_start3A_341, %dma_start3A_342] : memref<50x4096x128xf32, #tpu.memory_space<hbm>> -> memref<1x4096x128xf32, #tpu.memory_space<hbm>>
      %dma_start3A_344 = tpu.memref_squeeze %dma_start3A_343 : memref<1x4096x128xf32, #tpu.memory_space<hbm>> -> memref<4096x128xf32, #tpu.memory_space<hbm>>
      %dma_start3A_345 = arith.constant 0 : i32
      %dma_start3A_346 = tpu.memref_slice %dma_start3A_344[%mul3A_4, %dma_start3A_345] : memref<4096x128xf32, #tpu.memory_space<hbm>> -> memref<128x128xf32, #tpu.memory_space<hbm>>
      %dma_start3A_347 = arith.constant 0 : i32
      %dma_start3A_348 = arith.constant 0 : i32
      %dma_start3A_349 = tpu.memref_slice %arg7[%dma_start3A_327, %dma_start3A_347, %dma_start3A_348] : memref<5x128x128xf32, #tpu.memory_space<vmem>> -> memref<1x128x128xf32, #tpu.memory_space<vmem>>
      %dma_start3A_350 = tpu.memref_squeeze %dma_start3A_349 : memref<1x128x128xf32, #tpu.memory_space<vmem>> -> memref<128x128xf32, #tpu.memory_space<vmem>>
      tpu.enqueue_dma source(%dma_start3A_350 : memref<128x128xf32, #tpu.memory_space<vmem>>) target(%dma_start3A_346 : memref<128x128xf32, #tpu.memory_space<hbm>>) target_semaphore(%dma_start3A_340 : memref<!tpu.dma_semaphore, #tpu.memory_space<semaphore_mem>>)
      %ge3A = arith.constant 2 : i32
      %ge3A_351 = arith.cmpi sge, %add3A_306, %ge3A : i32
      %convert_element_type3A = arith.extui %ge3A_351 : i1 to i32
      %cond3A = arith.constant 0 : i32
      %cond3A_352 = arith.cmpi ne, %convert_element_type3A, %cond3A : i32
      scf.if %cond3A_352 {
        %sub3A = arith.constant 2 : i32
        %sub3A_599 = arith.subi %add3A_306, %sub3A : i32
        %dma_wait3A_600 = arith.constant 3 : i32
        %dma_wait3A_601 = arith.constant 3 : i32
        %dma_wait3A_602 = arith.constant 0 : i32
        %dma_wait3A_603 = arith.constant 0 : i32
        %dma_wait3A_604 = tpu.memref_slice %arg7[%dma_wait3A_600, %dma_wait3A_602, %dma_wait3A_603] : memref<5x128x128xf32, #tpu.memory_space<vmem>> -> memref<1x128x128xf32, #tpu.memory_space<vmem>>
        %dma_wait3A_605 = tpu.memref_squeeze %dma_wait3A_604 : memref<1x128x128xf32, #tpu.memory_space<vmem>> -> memref<128x128xf32, #tpu.memory_space<vmem>>
        %dma_wait3A_606 = arith.constant 0 : i32
        %dma_wait3A_607 = arith.constant 0 : i32
        %dma_wait3A_608 = tpu.memref_slice %arg4[%sub3A_599, %dma_wait3A_606, %dma_wait3A_607] : memref<50x4096x128xf32, #tpu.memory_space<hbm>> -> memref<1x4096x128xf32, #tpu.memory_space<hbm>>
        %dma_wait3A_609 = tpu.memref_squeeze %dma_wait3A_608 : memref<1x4096x128xf32, #tpu.memory_space<hbm>> -> memref<4096x128xf32, #tpu.memory_space<hbm>>
        %dma_wait3A_610 = arith.constant 0 : i32
        %dma_wait3A_611 = tpu.memref_slice %dma_wait3A_609[%mul3A_4, %dma_wait3A_610] : memref<4096x128xf32, #tpu.memory_space<hbm>> -> memref<128x128xf32, #tpu.memory_space<hbm>>
        %dma_wait3A_612 = tpu.memref_slice %arg9[%dma_wait3A_601] : memref<5x!tpu.dma_semaphore, #tpu.memory_space<semaphore_mem>> -> memref<1x!tpu.dma_semaphore, #tpu.memory_space<semaphore_mem>>
        %dma_wait3A_613 = tpu.memref_squeeze %dma_wait3A_612 : memref<1x!tpu.dma_semaphore, #tpu.memory_space<semaphore_mem>> -> memref<!tpu.dma_semaphore, #tpu.memory_space<semaphore_mem>>
        %dma_wait3A_614 = arith.constant 0 : i32
        %dma_wait3A_615 = arith.constant 0 : i32
        %dma_wait3A_616 = tpu.memref_slice %arg4[%sub3A_599, %dma_wait3A_614, %dma_wait3A_615] : memref<50x4096x128xf32, #tpu.memory_space<hbm>> -> memref<1x4096x128xf32, #tpu.memory_space<hbm>>
        %dma_wait3A_617 = tpu.memref_squeeze %dma_wait3A_616 : memref<1x4096x128xf32, #tpu.memory_space<hbm>> -> memref<4096x128xf32, #tpu.memory_space<hbm>>
        %dma_wait3A_618 = arith.constant 0 : i32
        %dma_wait3A_619 = tpu.memref_slice %dma_wait3A_617[%mul3A_4, %dma_wait3A_618] : memref<4096x128xf32, #tpu.memory_space<hbm>> -> memref<128x128xf32, #tpu.memory_space<hbm>>
        %dma_wait3A_620 = arith.constant 0 : i32
        %dma_wait3A_621 = arith.constant 0 : i32
        %dma_wait3A_622 = tpu.memref_slice %arg7[%dma_wait3A_600, %dma_wait3A_620, %dma_wait3A_621] : memref<5x128x128xf32, #tpu.memory_space<vmem>> -> memref<1x128x128xf32, #tpu.memory_space<vmem>>
        %dma_wait3A_623 = tpu.memref_squeeze %dma_wait3A_622 : memref<1x128x128xf32, #tpu.memory_space<vmem>> -> memref<128x128xf32, #tpu.memory_space<vmem>>
        tpu.wait_dma2 semaphore(%dma_wait3A_613 : memref<!tpu.dma_semaphore, #tpu.memory_space<semaphore_mem>>) src(%dma_wait3A_623 : memref<128x128xf32, #tpu.memory_space<vmem>>) dst(%dma_wait3A_619 : memref<128x128xf32, #tpu.memory_space<hbm>>)
      } else {
      }
      %add3A_353 = arith.constant 3 : i32
      %add3A_354 = arith.addi %add3A_306, %add3A_353 : i32
      %lt3A = arith.constant 50 : i32
      %lt3A_355 = arith.cmpi slt, %add3A_354, %lt3A : i32
      %convert_element_type3A_356 = arith.extui %lt3A_355 : i1 to i32
      %cond3A_357 = arith.constant 0 : i32
      %cond3A_358 = arith.cmpi ne, %convert_element_type3A_356, %cond3A_357 : i32
      scf.if %cond3A_358 {
        %add3A_599 = arith.constant 3 : i32
        %add3A_600 = arith.addi %add3A_306, %add3A_599 : i32
        %dma_start3A_601 = arith.constant 3 : i32
        %dma_start3A_602 = arith.constant 3 : i32
        %dma_start3A_603 = arith.constant 0 : i32
        %dma_start3A_604 = arith.constant 0 : i32
        %dma_start3A_605 = tpu.memref_slice %arg7[%dma_start3A_601, %dma_start3A_603, %dma_start3A_604] : memref<5x128x128xf32, #tpu.memory_space<vmem>> -> memref<1x128x128xf32, #tpu.memory_space<vmem>>
        %dma_start3A_606 = tpu.memref_squeeze %dma_start3A_605 : memref<1x128x128xf32, #tpu.memory_space<vmem>> -> memref<128x128xf32, #tpu.memory_space<vmem>>
        %dma_start3A_607 = arith.constant 0 : i32
        %dma_start3A_608 = tpu.memref_slice %arg6[%add3A_600, %dma_start3A_607] : memref<50x128xi32, #tpu.memory_space<vmem>> -> memref<1x128xi32, #tpu.memory_space<vmem>>
        %dma_start3A_609 = tpu.memref_squeeze %dma_start3A_608 : memref<1x128xi32, #tpu.memory_space<vmem>> -> memref<128xi32, #tpu.memory_space<vmem>>
        %dma_start3A_610 = arith.constant 0 : i32
        %dma_start3A_611 = arith.constant 0 : i32
        %dma_start3A_612 = tpu.memref_slice %arg3[%dma_start3A_610, %dma_start3A_611] : memref<100000x128xf32, #tpu.memory_space<hbm>> -> memref<100000x128xf32, #tpu.memory_space<hbm>>
        %dma_start3A_613 = tpu.memref_slice %arg8[%dma_start3A_602] : memref<5x!tpu.dma_semaphore, #tpu.memory_space<semaphore_mem>> -> memref<1x!tpu.dma_semaphore, #tpu.memory_space<semaphore_mem>>
        %dma_start3A_614 = tpu.memref_squeeze %dma_start3A_613 : memref<1x!tpu.dma_semaphore, #tpu.memory_space<semaphore_mem>> -> memref<!tpu.dma_semaphore, #tpu.memory_space<semaphore_mem>>
        tpu.enqueue_indirect_dma source(%dma_start3A_612 : memref<100000x128xf32, #tpu.memory_space<hbm>>) target(%dma_start3A_606 : memref<128x128xf32, #tpu.memory_space<vmem>>) offsets(%dma_start3A_609 : memref<128xi32, #tpu.memory_space<vmem>>) semaphore(%dma_start3A_614 : memref<!tpu.dma_semaphore, #tpu.memory_space<semaphore_mem>>)
      } else {
      }
      %mul3A_359 = arith.constant 5 : i32
      %mul3A_360 = arith.muli %scan3A_302, %mul3A_359 : i32
      %add3A_361 = arith.constant 1 : i32
      %add3A_362 = arith.addi %mul3A_360, %add3A_361 : i32
      %dma_wait3A_363 = arith.constant 1 : i32
      %dma_wait3A_364 = arith.constant 1 : i32
      %dma_wait3A_365 = arith.constant 0 : i32
      %dma_wait3A_366 = arith.constant 0 : i32
      %dma_wait3A_367 = tpu.memref_slice %arg7[%dma_wait3A_363, %dma_wait3A_365, %dma_wait3A_366] : memref<5x128x128xf32, #tpu.memory_space<vmem>> -> memref<1x128x128xf32, #tpu.memory_space<vmem>>
      %dma_wait3A_368 = tpu.memref_squeeze %dma_wait3A_367 : memref<1x128x128xf32, #tpu.memory_space<vmem>> -> memref<128x128xf32, #tpu.memory_space<vmem>>
      %dma_wait3A_369 = arith.constant 0 : i32
      %dma_wait3A_370 = tpu.memref_slice %arg6[%add3A_362, %dma_wait3A_369] : memref<50x128xi32, #tpu.memory_space<vmem>> -> memref<1x128xi32, #tpu.memory_space<vmem>>
      %dma_wait3A_371 = tpu.memref_squeeze %dma_wait3A_370 : memref<1x128xi32, #tpu.memory_space<vmem>> -> memref<128xi32, #tpu.memory_space<vmem>>
      %dma_wait3A_372 = arith.constant 0 : i32
      %dma_wait3A_373 = arith.constant 0 : i32
      %dma_wait3A_374 = tpu.memref_slice %arg3[%dma_wait3A_372, %dma_wait3A_373] : memref<100000x128xf32, #tpu.memory_space<hbm>> -> memref<100000x128xf32, #tpu.memory_space<hbm>>
      %dma_wait3A_375 = tpu.memref_slice %arg8[%dma_wait3A_364] : memref<5x!tpu.dma_semaphore, #tpu.memory_space<semaphore_mem>> -> memref<1x!tpu.dma_semaphore, #tpu.memory_space<semaphore_mem>>
      %dma_wait3A_376 = tpu.memref_squeeze %dma_wait3A_375 : memref<1x!tpu.dma_semaphore, #tpu.memory_space<semaphore_mem>> -> memref<!tpu.dma_semaphore, #tpu.memory_space<semaphore_mem>>
      tpu.wait_indirect_dma semaphore(%dma_wait3A_376 : memref<!tpu.dma_semaphore, #tpu.memory_space<semaphore_mem>>) src(%dma_wait3A_374 : memref<100000x128xf32, #tpu.memory_space<hbm>>) dst(%dma_wait3A_368 : memref<128x128xf32, #tpu.memory_space<vmem>>)
      %scan3A_377 = arith.constant 0 : i32
      %scan3A_378 = arith.constant 0 : i32
      %scan3A_379 = arith.constant 64 : i32
      %scan3A_380 = arith.addi %scan3A_378, %scan3A_379 : i32
      %scan3A_381 = arith.constant 1 : i32
      scf.for %scan3A_599 = %scan3A_378 to %scan3A_380 step %scan3A_381  : i32 {
        %mul3A_600 = arith.constant 2 : i32
        %mul3A_601 = arith.muli %scan3A_599, %mul3A_600 : i32
        %add3A_602 = arith.constant 0 : i32
        %add3A_603 = arith.addi %mul3A_601, %add3A_602 : i32
        %get3A = arith.constant 1 : i32
        %get3A_604 = arith.index_cast %get3A : i32 to index
        %get3A_605 = arith.index_cast %add3A_603 : i32 to index
        %get3A_606 = arith.constant 0 : index
        %get3A_607 = tpu.vector_load %arg7[%get3A_604, %get3A_605, %get3A_606] {strides = array<i32>} : memref<5x128x128xf32, #tpu.memory_space<vmem>>, vector<16xf32>,
        %mul3A_608 = arith.constant 11.3137083 : f32
        %mul3A_609 = vector.broadcast %mul3A_608 : f32 to vector<16xf32>
        %mul3A_610 = arith.mulf %get3A_607, %mul3A_609 : vector<16xf32>
        %mul3A_611 = arith.constant 2 : i32
        %mul3A_612 = arith.muli %scan3A_599, %mul3A_611 : i32
        %add3A_613 = arith.constant 0 : i32
        %add3A_614 = arith.addi %mul3A_612, %add3A_613 : i32
        %swap3A_615 = arith.constant 1 : i32
        %swap3A_616 = arith.index_cast %swap3A_615 : i32 to index
        %swap3A_617 = arith.index_cast %add3A_614 : i32 to index
        %swap3A_618 = arith.constant 0 : index
        %swap3A_619 = tpu.vector_load %arg7[%swap3A_616, %swap3A_617, %swap3A_618] {strides = array<i32>} : memref<5x128x128xf32, #tpu.memory_space<vmem>>, vector<16xf32>,
        tpu.vector_store %arg7[%swap3A_616, %swap3A_617, %swap3A_618], %mul3A_610 {strides = array<i32>} : memref<5x128x128xf32, #tpu.memory_space<vmem>>, vector<16xf32>,
        %mul3A_620 = arith.constant 2 : i32
        %mul3A_621 = arith.muli %scan3A_599, %mul3A_620 : i32
        %add3A_622 = arith.constant 0 : i32
        %add3A_623 = arith.addi %mul3A_621, %add3A_622 : i32
        %get3A_624 = arith.constant 1 : i32
        %get3A_625 = arith.index_cast %get3A_624 : i32 to index
        %get3A_626 = arith.index_cast %add3A_623 : i32 to index
        %get3A_627 = arith.constant 16 : index
        %get3A_628 = tpu.vector_load %arg7[%get3A_625, %get3A_626, %get3A_627] {strides = array<i32>} : memref<5x128x128xf32, #tpu.memory_space<vmem>>, vector<16xf32>,
        %mul3A_629 = arith.constant 11.3137083 : f32
        %mul3A_630 = vector.broadcast %mul3A_629 : f32 to vector<16xf32>
        %mul3A_631 = arith.mulf %get3A_628, %mul3A_630 : vector<16xf32>
        %mul3A_632 = arith.constant 2 : i32
        %mul3A_633 = arith.muli %scan3A_599, %mul3A_632 : i32
        %add3A_634 = arith.constant 0 : i32
        %add3A_635 = arith.addi %mul3A_633, %add3A_634 : i32
        %swap3A_636 = arith.constant 1 : i32
        %swap3A_637 = arith.index_cast %swap3A_636 : i32 to index
        %swap3A_638 = arith.index_cast %add3A_635 : i32 to index
        %swap3A_639 = arith.constant 16 : index
        %swap3A_640 = tpu.vector_load %arg7[%swap3A_637, %swap3A_638, %swap3A_639] {strides = array<i32>} : memref<5x128x128xf32, #tpu.memory_space<vmem>>, vector<16xf32>,
        tpu.vector_store %arg7[%swap3A_637, %swap3A_638, %swap3A_639], %mul3A_631 {strides = array<i32>} : memref<5x128x128xf32, #tpu.memory_space<vmem>>, vector<16xf32>,
        %mul3A_641 = arith.constant 2 : i32
        %mul3A_642 = arith.muli %scan3A_599, %mul3A_641 : i32
        %add3A_643 = arith.constant 0 : i32
        %add3A_644 = arith.addi %mul3A_642, %add3A_643 : i32
        %get3A_645 = arith.constant 1 : i32
        %get3A_646 = arith.index_cast %get3A_645 : i32 to index
        %get3A_647 = arith.index_cast %add3A_644 : i32 to index
        %get3A_648 = arith.constant 32 : index
        %get3A_649 = tpu.vector_load %arg7[%get3A_646, %get3A_647, %get3A_648] {strides = array<i32>} : memref<5x128x128xf32, #tpu.memory_space<vmem>>, vector<16xf32>,
        %mul3A_650 = arith.constant 11.3137083 : f32
        %mul3A_651 = vector.broadcast %mul3A_650 : f32 to vector<16xf32>
        %mul3A_652 = arith.mulf %get3A_649, %mul3A_651 : vector<16xf32>
        %mul3A_653 = arith.constant 2 : i32
        %mul3A_654 = arith.muli %scan3A_599, %mul3A_653 : i32
        %add3A_655 = arith.constant 0 : i32
        %add3A_656 = arith.addi %mul3A_654, %add3A_655 : i32
        %swap3A_657 = arith.constant 1 : i32
        %swap3A_658 = arith.index_cast %swap3A_657 : i32 to index
        %swap3A_659 = arith.index_cast %add3A_656 : i32 to index
        %swap3A_660 = arith.constant 32 : index
        %swap3A_661 = tpu.vector_load %arg7[%swap3A_658, %swap3A_659, %swap3A_660] {strides = array<i32>} : memref<5x128x128xf32, #tpu.memory_space<vmem>>, vector<16xf32>,
        tpu.vector_store %arg7[%swap3A_658, %swap3A_659, %swap3A_660], %mul3A_652 {strides = array<i32>} : memref<5x128x128xf32, #tpu.memory_space<vmem>>, vector<16xf32>,
        %mul3A_662 = arith.constant 2 : i32
        %mul3A_663 = arith.muli %scan3A_599, %mul3A_662 : i32
        %add3A_664 = arith.constant 0 : i32
        %add3A_665 = arith.addi %mul3A_663, %add3A_664 : i32
        %get3A_666 = arith.constant 1 : i32
        %get3A_667 = arith.index_cast %get3A_666 : i32 to index
        %get3A_668 = arith.index_cast %add3A_665 : i32 to index
        %get3A_669 = arith.constant 48 : index
        %get3A_670 = tpu.vector_load %arg7[%get3A_667, %get3A_668, %get3A_669] {strides = array<i32>} : memref<5x128x128xf32, #tpu.memory_space<vmem>>, vector<16xf32>,
        %mul3A_671 = arith.constant 11.3137083 : f32
        %mul3A_672 = vector.broadcast %mul3A_671 : f32 to vector<16xf32>
        %mul3A_673 = arith.mulf %get3A_670, %mul3A_672 : vector<16xf32>
        %mul3A_674 = arith.constant 2 : i32
        %mul3A_675 = arith.muli %scan3A_599, %mul3A_674 : i32
        %add3A_676 = arith.constant 0 : i32
        %add3A_677 = arith.addi %mul3A_675, %add3A_676 : i32
        %swap3A_678 = arith.constant 1 : i32
        %swap3A_679 = arith.index_cast %swap3A_678 : i32 to index
        %swap3A_680 = arith.index_cast %add3A_677 : i32 to index
        %swap3A_681 = arith.constant 48 : index
        %swap3A_682 = tpu.vector_load %arg7[%swap3A_679, %swap3A_680, %swap3A_681] {strides = array<i32>} : memref<5x128x128xf32, #tpu.memory_space<vmem>>, vector<16xf32>,
        tpu.vector_store %arg7[%swap3A_679, %swap3A_680, %swap3A_681], %mul3A_673 {strides = array<i32>} : memref<5x128x128xf32, #tpu.memory_space<vmem>>, vector<16xf32>,
        %mul3A_683 = arith.constant 2 : i32
        %mul3A_684 = arith.muli %scan3A_599, %mul3A_683 : i32
        %add3A_685 = arith.constant 0 : i32
        %add3A_686 = arith.addi %mul3A_684, %add3A_685 : i32
        %get3A_687 = arith.constant 1 : i32
        %get3A_688 = arith.index_cast %get3A_687 : i32 to index
        %get3A_689 = arith.index_cast %add3A_686 : i32 to index
        %get3A_690 = arith.constant 64 : index
        %get3A_691 = tpu.vector_load %arg7[%get3A_688, %get3A_689, %get3A_690] {strides = array<i32>} : memref<5x128x128xf32, #tpu.memory_space<vmem>>, vector<16xf32>,
        %mul3A_692 = arith.constant 11.3137083 : f32
        %mul3A_693 = vector.broadcast %mul3A_692 : f32 to vector<16xf32>
        %mul3A_694 = arith.mulf %get3A_691, %mul3A_693 : vector<16xf32>
        %mul3A_695 = arith.constant 2 : i32
        %mul3A_696 = arith.muli %scan3A_599, %mul3A_695 : i32
        %add3A_697 = arith.constant 0 : i32
        %add3A_698 = arith.addi %mul3A_696, %add3A_697 : i32
        %swap3A_699 = arith.constant 1 : i32
        %swap3A_700 = arith.index_cast %swap3A_699 : i32 to index
        %swap3A_701 = arith.index_cast %add3A_698 : i32 to index
        %swap3A_702 = arith.constant 64 : index
        %swap3A_703 = tpu.vector_load %arg7[%swap3A_700, %swap3A_701, %swap3A_702] {strides = array<i32>} : memref<5x128x128xf32, #tpu.memory_space<vmem>>, vector<16xf32>,
        tpu.vector_store %arg7[%swap3A_700, %swap3A_701, %swap3A_702], %mul3A_694 {strides = array<i32>} : memref<5x128x128xf32, #tpu.memory_space<vmem>>, vector<16xf32>,
        %mul3A_704 = arith.constant 2 : i32
        %mul3A_705 = arith.muli %scan3A_599, %mul3A_704 : i32
        %add3A_706 = arith.constant 0 : i32
        %add3A_707 = arith.addi %mul3A_705, %add3A_706 : i32
        %get3A_708 = arith.constant 1 : i32
        %get3A_709 = arith.index_cast %get3A_708 : i32 to index
        %get3A_710 = arith.index_cast %add3A_707 : i32 to index
        %get3A_711 = arith.constant 80 : index
        %get3A_712 = tpu.vector_load %arg7[%get3A_709, %get3A_710, %get3A_711] {strides = array<i32>} : memref<5x128x128xf32, #tpu.memory_space<vmem>>, vector<16xf32>,
        %mul3A_713 = arith.constant 11.3137083 : f32
        %mul3A_714 = vector.broadcast %mul3A_713 : f32 to vector<16xf32>
        %mul3A_715 = arith.mulf %get3A_712, %mul3A_714 : vector<16xf32>
        %mul3A_716 = arith.constant 2 : i32
        %mul3A_717 = arith.muli %scan3A_599, %mul3A_716 : i32
        %add3A_718 = arith.constant 0 : i32
        %add3A_719 = arith.addi %mul3A_717, %add3A_718 : i32
        %swap3A_720 = arith.constant 1 : i32
        %swap3A_721 = arith.index_cast %swap3A_720 : i32 to index
        %swap3A_722 = arith.index_cast %add3A_719 : i32 to index
        %swap3A_723 = arith.constant 80 : index
        %swap3A_724 = tpu.vector_load %arg7[%swap3A_721, %swap3A_722, %swap3A_723] {strides = array<i32>} : memref<5x128x128xf32, #tpu.memory_space<vmem>>, vector<16xf32>,
        tpu.vector_store %arg7[%swap3A_721, %swap3A_722, %swap3A_723], %mul3A_715 {strides = array<i32>} : memref<5x128x128xf32, #tpu.memory_space<vmem>>, vector<16xf32>,
        %mul3A_725 = arith.constant 2 : i32
        %mul3A_726 = arith.muli %scan3A_599, %mul3A_725 : i32
        %add3A_727 = arith.constant 0 : i32
        %add3A_728 = arith.addi %mul3A_726, %add3A_727 : i32
        %get3A_729 = arith.constant 1 : i32
        %get3A_730 = arith.index_cast %get3A_729 : i32 to index
        %get3A_731 = arith.index_cast %add3A_728 : i32 to index
        %get3A_732 = arith.constant 96 : index
        %get3A_733 = tpu.vector_load %arg7[%get3A_730, %get3A_731, %get3A_732] {strides = array<i32>} : memref<5x128x128xf32, #tpu.memory_space<vmem>>, vector<16xf32>,
        %mul3A_734 = arith.constant 11.3137083 : f32
        %mul3A_735 = vector.broadcast %mul3A_734 : f32 to vector<16xf32>
        %mul3A_736 = arith.mulf %get3A_733, %mul3A_735 : vector<16xf32>
        %mul3A_737 = arith.constant 2 : i32
        %mul3A_738 = arith.muli %scan3A_599, %mul3A_737 : i32
        %add3A_739 = arith.constant 0 : i32
        %add3A_740 = arith.addi %mul3A_738, %add3A_739 : i32
        %swap3A_741 = arith.constant 1 : i32
        %swap3A_742 = arith.index_cast %swap3A_741 : i32 to index
        %swap3A_743 = arith.index_cast %add3A_740 : i32 to index
        %swap3A_744 = arith.constant 96 : index
        %swap3A_745 = tpu.vector_load %arg7[%swap3A_742, %swap3A_743, %swap3A_744] {strides = array<i32>} : memref<5x128x128xf32, #tpu.memory_space<vmem>>, vector<16xf32>,
        tpu.vector_store %arg7[%swap3A_742, %swap3A_743, %swap3A_744], %mul3A_736 {strides = array<i32>} : memref<5x128x128xf32, #tpu.memory_space<vmem>>, vector<16xf32>,
        %mul3A_746 = arith.constant 2 : i32
        %mul3A_747 = arith.muli %scan3A_599, %mul3A_746 : i32
        %add3A_748 = arith.constant 0 : i32
        %add3A_749 = arith.addi %mul3A_747, %add3A_748 : i32
        %get3A_750 = arith.constant 1 : i32
        %get3A_751 = arith.index_cast %get3A_750 : i32 to index
        %get3A_752 = arith.index_cast %add3A_749 : i32 to index
        %get3A_753 = arith.constant 112 : index
        %get3A_754 = tpu.vector_load %arg7[%get3A_751, %get3A_752, %get3A_753] {strides = array<i32>} : memref<5x128x128xf32, #tpu.memory_space<vmem>>, vector<16xf32>,
        %mul3A_755 = arith.constant 11.3137083 : f32
        %mul3A_756 = vector.broadcast %mul3A_755 : f32 to vector<16xf32>
        %mul3A_757 = arith.mulf %get3A_754, %mul3A_756 : vector<16xf32>
        %mul3A_758 = arith.constant 2 : i32
        %mul3A_759 = arith.muli %scan3A_599, %mul3A_758 : i32
        %add3A_760 = arith.constant 0 : i32
        %add3A_761 = arith.addi %mul3A_759, %add3A_760 : i32
        %swap3A_762 = arith.constant 1 : i32
        %swap3A_763 = arith.index_cast %swap3A_762 : i32 to index
        %swap3A_764 = arith.index_cast %add3A_761 : i32 to index
        %swap3A_765 = arith.constant 112 : index
        %swap3A_766 = tpu.vector_load %arg7[%swap3A_763, %swap3A_764, %swap3A_765] {strides = array<i32>} : memref<5x128x128xf32, #tpu.memory_space<vmem>>, vector<16xf32>,
        tpu.vector_store %arg7[%swap3A_763, %swap3A_764, %swap3A_765], %mul3A_757 {strides = array<i32>} : memref<5x128x128xf32, #tpu.memory_space<vmem>>, vector<16xf32>,
        %mul3A_767 = arith.constant 2 : i32
        %mul3A_768 = arith.muli %scan3A_599, %mul3A_767 : i32
        %add3A_769 = arith.constant 1 : i32
        %add3A_770 = arith.addi %mul3A_768, %add3A_769 : i32
        %get3A_771 = arith.constant 1 : i32
        %get3A_772 = arith.index_cast %get3A_771 : i32 to index
        %get3A_773 = arith.index_cast %add3A_770 : i32 to index
        %get3A_774 = arith.constant 0 : index
        %get3A_775 = tpu.vector_load %arg7[%get3A_772, %get3A_773, %get3A_774] {strides = array<i32>} : memref<5x128x128xf32, #tpu.memory_space<vmem>>, vector<16xf32>,
        %mul3A_776 = arith.constant 11.3137083 : f32
        %mul3A_777 = vector.broadcast %mul3A_776 : f32 to vector<16xf32>
        %mul3A_778 = arith.mulf %get3A_775, %mul3A_777 : vector<16xf32>
        %mul3A_779 = arith.constant 2 : i32
        %mul3A_780 = arith.muli %scan3A_599, %mul3A_779 : i32
        %add3A_781 = arith.constant 1 : i32
        %add3A_782 = arith.addi %mul3A_780, %add3A_781 : i32
        %swap3A_783 = arith.constant 1 : i32
        %swap3A_784 = arith.index_cast %swap3A_783 : i32 to index
        %swap3A_785 = arith.index_cast %add3A_782 : i32 to index
        %swap3A_786 = arith.constant 0 : index
        %swap3A_787 = tpu.vector_load %arg7[%swap3A_784, %swap3A_785, %swap3A_786] {strides = array<i32>} : memref<5x128x128xf32, #tpu.memory_space<vmem>>, vector<16xf32>,
        tpu.vector_store %arg7[%swap3A_784, %swap3A_785, %swap3A_786], %mul3A_778 {strides = array<i32>} : memref<5x128x128xf32, #tpu.memory_space<vmem>>, vector<16xf32>,
        %mul3A_788 = arith.constant 2 : i32
        %mul3A_789 = arith.muli %scan3A_599, %mul3A_788 : i32
        %add3A_790 = arith.constant 1 : i32
        %add3A_791 = arith.addi %mul3A_789, %add3A_790 : i32
        %get3A_792 = arith.constant 1 : i32
        %get3A_793 = arith.index_cast %get3A_792 : i32 to index
        %get3A_794 = arith.index_cast %add3A_791 : i32 to index
        %get3A_795 = arith.constant 16 : index
        %get3A_796 = tpu.vector_load %arg7[%get3A_793, %get3A_794, %get3A_795] {strides = array<i32>} : memref<5x128x128xf32, #tpu.memory_space<vmem>>, vector<16xf32>,
        %mul3A_797 = arith.constant 11.3137083 : f32
        %mul3A_798 = vector.broadcast %mul3A_797 : f32 to vector<16xf32>
        %mul3A_799 = arith.mulf %get3A_796, %mul3A_798 : vector<16xf32>
        %mul3A_800 = arith.constant 2 : i32
        %mul3A_801 = arith.muli %scan3A_599, %mul3A_800 : i32
        %add3A_802 = arith.constant 1 : i32
        %add3A_803 = arith.addi %mul3A_801, %add3A_802 : i32
        %swap3A_804 = arith.constant 1 : i32
        %swap3A_805 = arith.index_cast %swap3A_804 : i32 to index
        %swap3A_806 = arith.index_cast %add3A_803 : i32 to index
        %swap3A_807 = arith.constant 16 : index
        %swap3A_808 = tpu.vector_load %arg7[%swap3A_805, %swap3A_806, %swap3A_807] {strides = array<i32>} : memref<5x128x128xf32, #tpu.memory_space<vmem>>, vector<16xf32>,
        tpu.vector_store %arg7[%swap3A_805, %swap3A_806, %swap3A_807], %mul3A_799 {strides = array<i32>} : memref<5x128x128xf32, #tpu.memory_space<vmem>>, vector<16xf32>,
        %mul3A_809 = arith.constant 2 : i32
        %mul3A_810 = arith.muli %scan3A_599, %mul3A_809 : i32
        %add3A_811 = arith.constant 1 : i32
        %add3A_812 = arith.addi %mul3A_810, %add3A_811 : i32
        %get3A_813 = arith.constant 1 : i32
        %get3A_814 = arith.index_cast %get3A_813 : i32 to index
        %get3A_815 = arith.index_cast %add3A_812 : i32 to index
        %get3A_816 = arith.constant 32 : index
        %get3A_817 = tpu.vector_load %arg7[%get3A_814, %get3A_815, %get3A_816] {strides = array<i32>} : memref<5x128x128xf32, #tpu.memory_space<vmem>>, vector<16xf32>,
        %mul3A_818 = arith.constant 11.3137083 : f32
        %mul3A_819 = vector.broadcast %mul3A_818 : f32 to vector<16xf32>
        %mul3A_820 = arith.mulf %get3A_817, %mul3A_819 : vector<16xf32>
        %mul3A_821 = arith.constant 2 : i32
        %mul3A_822 = arith.muli %scan3A_599, %mul3A_821 : i32
        %add3A_823 = arith.constant 1 : i32
        %add3A_824 = arith.addi %mul3A_822, %add3A_823 : i32
        %swap3A_825 = arith.constant 1 : i32
        %swap3A_826 = arith.index_cast %swap3A_825 : i32 to index
        %swap3A_827 = arith.index_cast %add3A_824 : i32 to index
        %swap3A_828 = arith.constant 32 : index
        %swap3A_829 = tpu.vector_load %arg7[%swap3A_826, %swap3A_827, %swap3A_828] {strides = array<i32>} : memref<5x128x128xf32, #tpu.memory_space<vmem>>, vector<16xf32>,
        tpu.vector_store %arg7[%swap3A_826, %swap3A_827, %swap3A_828], %mul3A_820 {strides = array<i32>} : memref<5x128x128xf32, #tpu.memory_space<vmem>>, vector<16xf32>,
        %mul3A_830 = arith.constant 2 : i32
        %mul3A_831 = arith.muli %scan3A_599, %mul3A_830 : i32
        %add3A_832 = arith.constant 1 : i32
        %add3A_833 = arith.addi %mul3A_831, %add3A_832 : i32
        %get3A_834 = arith.constant 1 : i32
        %get3A_835 = arith.index_cast %get3A_834 : i32 to index
        %get3A_836 = arith.index_cast %add3A_833 : i32 to index
        %get3A_837 = arith.constant 48 : index
        %get3A_838 = tpu.vector_load %arg7[%get3A_835, %get3A_836, %get3A_837] {strides = array<i32>} : memref<5x128x128xf32, #tpu.memory_space<vmem>>, vector<16xf32>,
        %mul3A_839 = arith.constant 11.3137083 : f32
        %mul3A_840 = vector.broadcast %mul3A_839 : f32 to vector<16xf32>
        %mul3A_841 = arith.mulf %get3A_838, %mul3A_840 : vector<16xf32>
        %mul3A_842 = arith.constant 2 : i32
        %mul3A_843 = arith.muli %scan3A_599, %mul3A_842 : i32
        %add3A_844 = arith.constant 1 : i32
        %add3A_845 = arith.addi %mul3A_843, %add3A_844 : i32
        %swap3A_846 = arith.constant 1 : i32
        %swap3A_847 = arith.index_cast %swap3A_846 : i32 to index
        %swap3A_848 = arith.index_cast %add3A_845 : i32 to index
        %swap3A_849 = arith.constant 48 : index
        %swap3A_850 = tpu.vector_load %arg7[%swap3A_847, %swap3A_848, %swap3A_849] {strides = array<i32>} : memref<5x128x128xf32, #tpu.memory_space<vmem>>, vector<16xf32>,
        tpu.vector_store %arg7[%swap3A_847, %swap3A_848, %swap3A_849], %mul3A_841 {strides = array<i32>} : memref<5x128x128xf32, #tpu.memory_space<vmem>>, vector<16xf32>,
        %mul3A_851 = arith.constant 2 : i32
        %mul3A_852 = arith.muli %scan3A_599, %mul3A_851 : i32
        %add3A_853 = arith.constant 1 : i32
        %add3A_854 = arith.addi %mul3A_852, %add3A_853 : i32
        %get3A_855 = arith.constant 1 : i32
        %get3A_856 = arith.index_cast %get3A_855 : i32 to index
        %get3A_857 = arith.index_cast %add3A_854 : i32 to index
        %get3A_858 = arith.constant 64 : index
        %get3A_859 = tpu.vector_load %arg7[%get3A_856, %get3A_857, %get3A_858] {strides = array<i32>} : memref<5x128x128xf32, #tpu.memory_space<vmem>>, vector<16xf32>,
        %mul3A_860 = arith.constant 11.3137083 : f32
        %mul3A_861 = vector.broadcast %mul3A_860 : f32 to vector<16xf32>
        %mul3A_862 = arith.mulf %get3A_859, %mul3A_861 : vector<16xf32>
        %mul3A_863 = arith.constant 2 : i32
        %mul3A_864 = arith.muli %scan3A_599, %mul3A_863 : i32
        %add3A_865 = arith.constant 1 : i32
        %add3A_866 = arith.addi %mul3A_864, %add3A_865 : i32
        %swap3A_867 = arith.constant 1 : i32
        %swap3A_868 = arith.index_cast %swap3A_867 : i32 to index
        %swap3A_869 = arith.index_cast %add3A_866 : i32 to index
        %swap3A_870 = arith.constant 64 : index
        %swap3A_871 = tpu.vector_load %arg7[%swap3A_868, %swap3A_869, %swap3A_870] {strides = array<i32>} : memref<5x128x128xf32, #tpu.memory_space<vmem>>, vector<16xf32>,
        tpu.vector_store %arg7[%swap3A_868, %swap3A_869, %swap3A_870], %mul3A_862 {strides = array<i32>} : memref<5x128x128xf32, #tpu.memory_space<vmem>>, vector<16xf32>,
        %mul3A_872 = arith.constant 2 : i32
        %mul3A_873 = arith.muli %scan3A_599, %mul3A_872 : i32
        %add3A_874 = arith.constant 1 : i32
        %add3A_875 = arith.addi %mul3A_873, %add3A_874 : i32
        %get3A_876 = arith.constant 1 : i32
        %get3A_877 = arith.index_cast %get3A_876 : i32 to index
        %get3A_878 = arith.index_cast %add3A_875 : i32 to index
        %get3A_879 = arith.constant 80 : index
        %get3A_880 = tpu.vector_load %arg7[%get3A_877, %get3A_878, %get3A_879] {strides = array<i32>} : memref<5x128x128xf32, #tpu.memory_space<vmem>>, vector<16xf32>,
        %mul3A_881 = arith.constant 11.3137083 : f32
        %mul3A_882 = vector.broadcast %mul3A_881 : f32 to vector<16xf32>
        %mul3A_883 = arith.mulf %get3A_880, %mul3A_882 : vector<16xf32>
        %mul3A_884 = arith.constant 2 : i32
        %mul3A_885 = arith.muli %scan3A_599, %mul3A_884 : i32
        %add3A_886 = arith.constant 1 : i32
        %add3A_887 = arith.addi %mul3A_885, %add3A_886 : i32
        %swap3A_888 = arith.constant 1 : i32
        %swap3A_889 = arith.index_cast %swap3A_888 : i32 to index
        %swap3A_890 = arith.index_cast %add3A_887 : i32 to index
        %swap3A_891 = arith.constant 80 : index
        %swap3A_892 = tpu.vector_load %arg7[%swap3A_889, %swap3A_890, %swap3A_891] {strides = array<i32>} : memref<5x128x128xf32, #tpu.memory_space<vmem>>, vector<16xf32>,
        tpu.vector_store %arg7[%swap3A_889, %swap3A_890, %swap3A_891], %mul3A_883 {strides = array<i32>} : memref<5x128x128xf32, #tpu.memory_space<vmem>>, vector<16xf32>,
        %mul3A_893 = arith.constant 2 : i32
        %mul3A_894 = arith.muli %scan3A_599, %mul3A_893 : i32
        %add3A_895 = arith.constant 1 : i32
        %add3A_896 = arith.addi %mul3A_894, %add3A_895 : i32
        %get3A_897 = arith.constant 1 : i32
        %get3A_898 = arith.index_cast %get3A_897 : i32 to index
        %get3A_899 = arith.index_cast %add3A_896 : i32 to index
        %get3A_900 = arith.constant 96 : index
        %get3A_901 = tpu.vector_load %arg7[%get3A_898, %get3A_899, %get3A_900] {strides = array<i32>} : memref<5x128x128xf32, #tpu.memory_space<vmem>>, vector<16xf32>,
        %mul3A_902 = arith.constant 11.3137083 : f32
        %mul3A_903 = vector.broadcast %mul3A_902 : f32 to vector<16xf32>
        %mul3A_904 = arith.mulf %get3A_901, %mul3A_903 : vector<16xf32>
        %mul3A_905 = arith.constant 2 : i32
        %mul3A_906 = arith.muli %scan3A_599, %mul3A_905 : i32
        %add3A_907 = arith.constant 1 : i32
        %add3A_908 = arith.addi %mul3A_906, %add3A_907 : i32
        %swap3A_909 = arith.constant 1 : i32
        %swap3A_910 = arith.index_cast %swap3A_909 : i32 to index
        %swap3A_911 = arith.index_cast %add3A_908 : i32 to index
        %swap3A_912 = arith.constant 96 : index
        %swap3A_913 = tpu.vector_load %arg7[%swap3A_910, %swap3A_911, %swap3A_912] {strides = array<i32>} : memref<5x128x128xf32, #tpu.memory_space<vmem>>, vector<16xf32>,
        tpu.vector_store %arg7[%swap3A_910, %swap3A_911, %swap3A_912], %mul3A_904 {strides = array<i32>} : memref<5x128x128xf32, #tpu.memory_space<vmem>>, vector<16xf32>,
        %mul3A_914 = arith.constant 2 : i32
        %mul3A_915 = arith.muli %scan3A_599, %mul3A_914 : i32
        %add3A_916 = arith.constant 1 : i32
        %add3A_917 = arith.addi %mul3A_915, %add3A_916 : i32
        %get3A_918 = arith.constant 1 : i32
        %get3A_919 = arith.index_cast %get3A_918 : i32 to index
        %get3A_920 = arith.index_cast %add3A_917 : i32 to index
        %get3A_921 = arith.constant 112 : index
        %get3A_922 = tpu.vector_load %arg7[%get3A_919, %get3A_920, %get3A_921] {strides = array<i32>} : memref<5x128x128xf32, #tpu.memory_space<vmem>>, vector<16xf32>,
        %mul3A_923 = arith.constant 11.3137083 : f32
        %mul3A_924 = vector.broadcast %mul3A_923 : f32 to vector<16xf32>
        %mul3A_925 = arith.mulf %get3A_922, %mul3A_924 : vector<16xf32>
        %mul3A_926 = arith.constant 2 : i32
        %mul3A_927 = arith.muli %scan3A_599, %mul3A_926 : i32
        %add3A_928 = arith.constant 1 : i32
        %add3A_929 = arith.addi %mul3A_927, %add3A_928 : i32
        %swap3A_930 = arith.constant 1 : i32
        %swap3A_931 = arith.index_cast %swap3A_930 : i32 to index
        %swap3A_932 = arith.index_cast %add3A_929 : i32 to index
        %swap3A_933 = arith.constant 112 : index
        %swap3A_934 = tpu.vector_load %arg7[%swap3A_931, %swap3A_932, %swap3A_933] {strides = array<i32>} : memref<5x128x128xf32, #tpu.memory_space<vmem>>, vector<16xf32>,
        tpu.vector_store %arg7[%swap3A_931, %swap3A_932, %swap3A_933], %mul3A_925 {strides = array<i32>} : memref<5x128x128xf32, #tpu.memory_space<vmem>>, vector<16xf32>,
      }
      %scan3A_382 = arith.constant 64 : i32
      %dma_start3A_383 = arith.constant 1 : i32
      %dma_start3A_384 = arith.constant 1 : i32
      %dma_start3A_385 = arith.constant 0 : i32
      %dma_start3A_386 = arith.constant 0 : i32
      %dma_start3A_387 = tpu.memref_slice %arg7[%dma_start3A_383, %dma_start3A_385, %dma_start3A_386] : memref<5x128x128xf32, #tpu.memory_space<vmem>> -> memref<1x128x128xf32, #tpu.memory_space<vmem>>
      %dma_start3A_388 = tpu.memref_squeeze %dma_start3A_387 : memref<1x128x128xf32, #tpu.memory_space<vmem>> -> memref<128x128xf32, #tpu.memory_space<vmem>>
      %dma_start3A_389 = arith.constant 0 : i32
      %dma_start3A_390 = arith.constant 0 : i32
      %dma_start3A_391 = tpu.memref_slice %arg4[%add3A_362, %dma_start3A_389, %dma_start3A_390] : memref<50x4096x128xf32, #tpu.memory_space<hbm>> -> memref<1x4096x128xf32, #tpu.memory_space<hbm>>
      %dma_start3A_392 = tpu.memref_squeeze %dma_start3A_391 : memref<1x4096x128xf32, #tpu.memory_space<hbm>> -> memref<4096x128xf32, #tpu.memory_space<hbm>>
      %dma_start3A_393 = arith.constant 0 : i32
      %dma_start3A_394 = tpu.memref_slice %dma_start3A_392[%mul3A_4, %dma_start3A_393] : memref<4096x128xf32, #tpu.memory_space<hbm>> -> memref<128x128xf32, #tpu.memory_space<hbm>>
      %dma_start3A_395 = tpu.memref_slice %arg9[%dma_start3A_384] : memref<5x!tpu.dma_semaphore, #tpu.memory_space<semaphore_mem>> -> memref<1x!tpu.dma_semaphore, #tpu.memory_space<semaphore_mem>>
      %dma_start3A_396 = tpu.memref_squeeze %dma_start3A_395 : memref<1x!tpu.dma_semaphore, #tpu.memory_space<semaphore_mem>> -> memref<!tpu.dma_semaphore, #tpu.memory_space<semaphore_mem>>
      %dma_start3A_397 = arith.constant 0 : i32
      %dma_start3A_398 = arith.constant 0 : i32
      %dma_start3A_399 = tpu.memref_slice %arg4[%add3A_362, %dma_start3A_397, %dma_start3A_398] : memref<50x4096x128xf32, #tpu.memory_space<hbm>> -> memref<1x4096x128xf32, #tpu.memory_space<hbm>>
      %dma_start3A_400 = tpu.memref_squeeze %dma_start3A_399 : memref<1x4096x128xf32, #tpu.memory_space<hbm>> -> memref<4096x128xf32, #tpu.memory_space<hbm>>
      %dma_start3A_401 = arith.constant 0 : i32
      %dma_start3A_402 = tpu.memref_slice %dma_start3A_400[%mul3A_4, %dma_start3A_401] : memref<4096x128xf32, #tpu.memory_space<hbm>> -> memref<128x128xf32, #tpu.memory_space<hbm>>
      %dma_start3A_403 = arith.constant 0 : i32
      %dma_start3A_404 = arith.constant 0 : i32
      %dma_start3A_405 = tpu.memref_slice %arg7[%dma_start3A_383, %dma_start3A_403, %dma_start3A_404] : memref<5x128x128xf32, #tpu.memory_space<vmem>> -> memref<1x128x128xf32, #tpu.memory_space<vmem>>
      %dma_start3A_406 = tpu.memref_squeeze %dma_start3A_405 : memref<1x128x128xf32, #tpu.memory_space<vmem>> -> memref<128x128xf32, #tpu.memory_space<vmem>>
      tpu.enqueue_dma source(%dma_start3A_406 : memref<128x128xf32, #tpu.memory_space<vmem>>) target(%dma_start3A_402 : memref<128x128xf32, #tpu.memory_space<hbm>>) target_semaphore(%dma_start3A_396 : memref<!tpu.dma_semaphore, #tpu.memory_space<semaphore_mem>>)
      %ge3A_407 = arith.constant 2 : i32
      %ge3A_408 = arith.cmpi sge, %add3A_362, %ge3A_407 : i32
      %convert_element_type3A_409 = arith.extui %ge3A_408 : i1 to i32
      %cond3A_410 = arith.constant 0 : i32
      %cond3A_411 = arith.cmpi ne, %convert_element_type3A_409, %cond3A_410 : i32
      scf.if %cond3A_411 {
        %sub3A = arith.constant 2 : i32
        %sub3A_599 = arith.subi %add3A_362, %sub3A : i32
        %dma_wait3A_600 = arith.constant 4 : i32
        %dma_wait3A_601 = arith.constant 4 : i32
        %dma_wait3A_602 = arith.constant 0 : i32
        %dma_wait3A_603 = arith.constant 0 : i32
        %dma_wait3A_604 = tpu.memref_slice %arg7[%dma_wait3A_600, %dma_wait3A_602, %dma_wait3A_603] : memref<5x128x128xf32, #tpu.memory_space<vmem>> -> memref<1x128x128xf32, #tpu.memory_space<vmem>>
        %dma_wait3A_605 = tpu.memref_squeeze %dma_wait3A_604 : memref<1x128x128xf32, #tpu.memory_space<vmem>> -> memref<128x128xf32, #tpu.memory_space<vmem>>
        %dma_wait3A_606 = arith.constant 0 : i32
        %dma_wait3A_607 = arith.constant 0 : i32
        %dma_wait3A_608 = tpu.memref_slice %arg4[%sub3A_599, %dma_wait3A_606, %dma_wait3A_607] : memref<50x4096x128xf32, #tpu.memory_space<hbm>> -> memref<1x4096x128xf32, #tpu.memory_space<hbm>>
        %dma_wait3A_609 = tpu.memref_squeeze %dma_wait3A_608 : memref<1x4096x128xf32, #tpu.memory_space<hbm>> -> memref<4096x128xf32, #tpu.memory_space<hbm>>
        %dma_wait3A_610 = arith.constant 0 : i32
        %dma_wait3A_611 = tpu.memref_slice %dma_wait3A_609[%mul3A_4, %dma_wait3A_610] : memref<4096x128xf32, #tpu.memory_space<hbm>> -> memref<128x128xf32, #tpu.memory_space<hbm>>
        %dma_wait3A_612 = tpu.memref_slice %arg9[%dma_wait3A_601] : memref<5x!tpu.dma_semaphore, #tpu.memory_space<semaphore_mem>> -> memref<1x!tpu.dma_semaphore, #tpu.memory_space<semaphore_mem>>
        %dma_wait3A_613 = tpu.memref_squeeze %dma_wait3A_612 : memref<1x!tpu.dma_semaphore, #tpu.memory_space<semaphore_mem>> -> memref<!tpu.dma_semaphore, #tpu.memory_space<semaphore_mem>>
        %dma_wait3A_614 = arith.constant 0 : i32
        %dma_wait3A_615 = arith.constant 0 : i32
        %dma_wait3A_616 = tpu.memref_slice %arg4[%sub3A_599, %dma_wait3A_614, %dma_wait3A_615] : memref<50x4096x128xf32, #tpu.memory_space<hbm>> -> memref<1x4096x128xf32, #tpu.memory_space<hbm>>
        %dma_wait3A_617 = tpu.memref_squeeze %dma_wait3A_616 : memref<1x4096x128xf32, #tpu.memory_space<hbm>> -> memref<4096x128xf32, #tpu.memory_space<hbm>>
        %dma_wait3A_618 = arith.constant 0 : i32
        %dma_wait3A_619 = tpu.memref_slice %dma_wait3A_617[%mul3A_4, %dma_wait3A_618] : memref<4096x128xf32, #tpu.memory_space<hbm>> -> memref<128x128xf32, #tpu.memory_space<hbm>>
        %dma_wait3A_620 = arith.constant 0 : i32
        %dma_wait3A_621 = arith.constant 0 : i32
        %dma_wait3A_622 = tpu.memref_slice %arg7[%dma_wait3A_600, %dma_wait3A_620, %dma_wait3A_621] : memref<5x128x128xf32, #tpu.memory_space<vmem>> -> memref<1x128x128xf32, #tpu.memory_space<vmem>>
        %dma_wait3A_623 = tpu.memref_squeeze %dma_wait3A_622 : memref<1x128x128xf32, #tpu.memory_space<vmem>> -> memref<128x128xf32, #tpu.memory_space<vmem>>
        tpu.wait_dma2 semaphore(%dma_wait3A_613 : memref<!tpu.dma_semaphore, #tpu.memory_space<semaphore_mem>>) src(%dma_wait3A_623 : memref<128x128xf32, #tpu.memory_space<vmem>>) dst(%dma_wait3A_619 : memref<128x128xf32, #tpu.memory_space<hbm>>)
      } else {
      }
      %add3A_412 = arith.constant 3 : i32
      %add3A_413 = arith.addi %add3A_362, %add3A_412 : i32
      %lt3A_414 = arith.constant 50 : i32
      %lt3A_415 = arith.cmpi slt, %add3A_413, %lt3A_414 : i32
      %convert_element_type3A_416 = arith.extui %lt3A_415 : i1 to i32
      %cond3A_417 = arith.constant 0 : i32
      %cond3A_418 = arith.cmpi ne, %convert_element_type3A_416, %cond3A_417 : i32
      scf.if %cond3A_418 {
        %add3A_599 = arith.constant 3 : i32
        %add3A_600 = arith.addi %add3A_362, %add3A_599 : i32
        %dma_start3A_601 = arith.constant 4 : i32
        %dma_start3A_602 = arith.constant 4 : i32
        %dma_start3A_603 = arith.constant 0 : i32
        %dma_start3A_604 = arith.constant 0 : i32
        %dma_start3A_605 = tpu.memref_slice %arg7[%dma_start3A_601, %dma_start3A_603, %dma_start3A_604] : memref<5x128x128xf32, #tpu.memory_space<vmem>> -> memref<1x128x128xf32, #tpu.memory_space<vmem>>
        %dma_start3A_606 = tpu.memref_squeeze %dma_start3A_605 : memref<1x128x128xf32, #tpu.memory_space<vmem>> -> memref<128x128xf32, #tpu.memory_space<vmem>>
        %dma_start3A_607 = arith.constant 0 : i32
        %dma_start3A_608 = tpu.memref_slice %arg6[%add3A_600, %dma_start3A_607] : memref<50x128xi32, #tpu.memory_space<vmem>> -> memref<1x128xi32, #tpu.memory_space<vmem>>
        %dma_start3A_609 = tpu.memref_squeeze %dma_start3A_608 : memref<1x128xi32, #tpu.memory_space<vmem>> -> memref<128xi32, #tpu.memory_space<vmem>>
        %dma_start3A_610 = arith.constant 0 : i32
        %dma_start3A_611 = arith.constant 0 : i32
        %dma_start3A_612 = tpu.memref_slice %arg3[%dma_start3A_610, %dma_start3A_611] : memref<100000x128xf32, #tpu.memory_space<hbm>> -> memref<100000x128xf32, #tpu.memory_space<hbm>>
        %dma_start3A_613 = tpu.memref_slice %arg8[%dma_start3A_602] : memref<5x!tpu.dma_semaphore, #tpu.memory_space<semaphore_mem>> -> memref<1x!tpu.dma_semaphore, #tpu.memory_space<semaphore_mem>>
        %dma_start3A_614 = tpu.memref_squeeze %dma_start3A_613 : memref<1x!tpu.dma_semaphore, #tpu.memory_space<semaphore_mem>> -> memref<!tpu.dma_semaphore, #tpu.memory_space<semaphore_mem>>
        tpu.enqueue_indirect_dma source(%dma_start3A_612 : memref<100000x128xf32, #tpu.memory_space<hbm>>) target(%dma_start3A_606 : memref<128x128xf32, #tpu.memory_space<vmem>>) offsets(%dma_start3A_609 : memref<128xi32, #tpu.memory_space<vmem>>) semaphore(%dma_start3A_614 : memref<!tpu.dma_semaphore, #tpu.memory_space<semaphore_mem>>)
      } else {
      }
      %mul3A_419 = arith.constant 5 : i32
      %mul3A_420 = arith.muli %scan3A_302, %mul3A_419 : i32
      %add3A_421 = arith.constant 2 : i32
      %add3A_422 = arith.addi %mul3A_420, %add3A_421 : i32
      %dma_wait3A_423 = arith.constant 2 : i32
      %dma_wait3A_424 = arith.constant 2 : i32
      %dma_wait3A_425 = arith.constant 0 : i32
      %dma_wait3A_426 = arith.constant 0 : i32
      %dma_wait3A_427 = tpu.memref_slice %arg7[%dma_wait3A_423, %dma_wait3A_425, %dma_wait3A_426] : memref<5x128x128xf32, #tpu.memory_space<vmem>> -> memref<1x128x128xf32, #tpu.memory_space<vmem>>
      %dma_wait3A_428 = tpu.memref_squeeze %dma_wait3A_427 : memref<1x128x128xf32, #tpu.memory_space<vmem>> -> memref<128x128xf32, #tpu.memory_space<vmem>>
      %dma_wait3A_429 = arith.constant 0 : i32
      %dma_wait3A_430 = tpu.memref_slice %arg6[%add3A_422, %dma_wait3A_429] : memref<50x128xi32, #tpu.memory_space<vmem>> -> memref<1x128xi32, #tpu.memory_space<vmem>>
      %dma_wait3A_431 = tpu.memref_squeeze %dma_wait3A_430 : memref<1x128xi32, #tpu.memory_space<vmem>> -> memref<128xi32, #tpu.memory_space<vmem>>
      %dma_wait3A_432 = arith.constant 0 : i32
      %dma_wait3A_433 = arith.constant 0 : i32
      %dma_wait3A_434 = tpu.memref_slice %arg3[%dma_wait3A_432, %dma_wait3A_433] : memref<100000x128xf32, #tpu.memory_space<hbm>> -> memref<100000x128xf32, #tpu.memory_space<hbm>>
      %dma_wait3A_435 = tpu.memref_slice %arg8[%dma_wait3A_424] : memref<5x!tpu.dma_semaphore, #tpu.memory_space<semaphore_mem>> -> memref<1x!tpu.dma_semaphore, #tpu.memory_space<semaphore_mem>>
      %dma_wait3A_436 = tpu.memref_squeeze %dma_wait3A_435 : memref<1x!tpu.dma_semaphore, #tpu.memory_space<semaphore_mem>> -> memref<!tpu.dma_semaphore, #tpu.memory_space<semaphore_mem>>
      tpu.wait_indirect_dma semaphore(%dma_wait3A_436 : memref<!tpu.dma_semaphore, #tpu.memory_space<semaphore_mem>>) src(%dma_wait3A_434 : memref<100000x128xf32, #tpu.memory_space<hbm>>) dst(%dma_wait3A_428 : memref<128x128xf32, #tpu.memory_space<vmem>>)
      %scan3A_437 = arith.constant 0 : i32
      %scan3A_438 = arith.constant 0 : i32
      %scan3A_439 = arith.constant 64 : i32
      %scan3A_440 = arith.addi %scan3A_438, %scan3A_439 : i32
      %scan3A_441 = arith.constant 1 : i32
      scf.for %scan3A_599 = %scan3A_438 to %scan3A_440 step %scan3A_441  : i32 {
        %mul3A_600 = arith.constant 2 : i32
        %mul3A_601 = arith.muli %scan3A_599, %mul3A_600 : i32
        %add3A_602 = arith.constant 0 : i32
        %add3A_603 = arith.addi %mul3A_601, %add3A_602 : i32
        %get3A = arith.constant 2 : i32
        %get3A_604 = arith.index_cast %get3A : i32 to index
        %get3A_605 = arith.index_cast %add3A_603 : i32 to index
        %get3A_606 = arith.constant 0 : index
        %get3A_607 = tpu.vector_load %arg7[%get3A_604, %get3A_605, %get3A_606] {strides = array<i32>} : memref<5x128x128xf32, #tpu.memory_space<vmem>>, vector<16xf32>,
        %mul3A_608 = arith.constant 11.3137083 : f32
        %mul3A_609 = vector.broadcast %mul3A_608 : f32 to vector<16xf32>
        %mul3A_610 = arith.mulf %get3A_607, %mul3A_609 : vector<16xf32>
        %mul3A_611 = arith.constant 2 : i32
        %mul3A_612 = arith.muli %scan3A_599, %mul3A_611 : i32
        %add3A_613 = arith.constant 0 : i32
        %add3A_614 = arith.addi %mul3A_612, %add3A_613 : i32
        %swap3A_615 = arith.constant 2 : i32
        %swap3A_616 = arith.index_cast %swap3A_615 : i32 to index
        %swap3A_617 = arith.index_cast %add3A_614 : i32 to index
        %swap3A_618 = arith.constant 0 : index
        %swap3A_619 = tpu.vector_load %arg7[%swap3A_616, %swap3A_617, %swap3A_618] {strides = array<i32>} : memref<5x128x128xf32, #tpu.memory_space<vmem>>, vector<16xf32>,
        tpu.vector_store %arg7[%swap3A_616, %swap3A_617, %swap3A_618], %mul3A_610 {strides = array<i32>} : memref<5x128x128xf32, #tpu.memory_space<vmem>>, vector<16xf32>,
        %mul3A_620 = arith.constant 2 : i32
        %mul3A_621 = arith.muli %scan3A_599, %mul3A_620 : i32
        %add3A_622 = arith.constant 0 : i32
        %add3A_623 = arith.addi %mul3A_621, %add3A_622 : i32
        %get3A_624 = arith.constant 2 : i32
        %get3A_625 = arith.index_cast %get3A_624 : i32 to index
        %get3A_626 = arith.index_cast %add3A_623 : i32 to index
        %get3A_627 = arith.constant 16 : index
        %get3A_628 = tpu.vector_load %arg7[%get3A_625, %get3A_626, %get3A_627] {strides = array<i32>} : memref<5x128x128xf32, #tpu.memory_space<vmem>>, vector<16xf32>,
        %mul3A_629 = arith.constant 11.3137083 : f32
        %mul3A_630 = vector.broadcast %mul3A_629 : f32 to vector<16xf32>
        %mul3A_631 = arith.mulf %get3A_628, %mul3A_630 : vector<16xf32>
        %mul3A_632 = arith.constant 2 : i32
        %mul3A_633 = arith.muli %scan3A_599, %mul3A_632 : i32
        %add3A_634 = arith.constant 0 : i32
        %add3A_635 = arith.addi %mul3A_633, %add3A_634 : i32
        %swap3A_636 = arith.constant 2 : i32
        %swap3A_637 = arith.index_cast %swap3A_636 : i32 to index
        %swap3A_638 = arith.index_cast %add3A_635 : i32 to index
        %swap3A_639 = arith.constant 16 : index
        %swap3A_640 = tpu.vector_load %arg7[%swap3A_637, %swap3A_638, %swap3A_639] {strides = array<i32>} : memref<5x128x128xf32, #tpu.memory_space<vmem>>, vector<16xf32>,
        tpu.vector_store %arg7[%swap3A_637, %swap3A_638, %swap3A_639], %mul3A_631 {strides = array<i32>} : memref<5x128x128xf32, #tpu.memory_space<vmem>>, vector<16xf32>,
        %mul3A_641 = arith.constant 2 : i32
        %mul3A_642 = arith.muli %scan3A_599, %mul3A_641 : i32
        %add3A_643 = arith.constant 0 : i32
        %add3A_644 = arith.addi %mul3A_642, %add3A_643 : i32
        %get3A_645 = arith.constant 2 : i32
        %get3A_646 = arith.index_cast %get3A_645 : i32 to index
        %get3A_647 = arith.index_cast %add3A_644 : i32 to index
        %get3A_648 = arith.constant 32 : index
        %get3A_649 = tpu.vector_load %arg7[%get3A_646, %get3A_647, %get3A_648] {strides = array<i32>} : memref<5x128x128xf32, #tpu.memory_space<vmem>>, vector<16xf32>,
        %mul3A_650 = arith.constant 11.3137083 : f32
        %mul3A_651 = vector.broadcast %mul3A_650 : f32 to vector<16xf32>
        %mul3A_652 = arith.mulf %get3A_649, %mul3A_651 : vector<16xf32>
        %mul3A_653 = arith.constant 2 : i32
        %mul3A_654 = arith.muli %scan3A_599, %mul3A_653 : i32
        %add3A_655 = arith.constant 0 : i32
        %add3A_656 = arith.addi %mul3A_654, %add3A_655 : i32
        %swap3A_657 = arith.constant 2 : i32
        %swap3A_658 = arith.index_cast %swap3A_657 : i32 to index
        %swap3A_659 = arith.index_cast %add3A_656 : i32 to index
        %swap3A_660 = arith.constant 32 : index
        %swap3A_661 = tpu.vector_load %arg7[%swap3A_658, %swap3A_659, %swap3A_660] {strides = array<i32>} : memref<5x128x128xf32, #tpu.memory_space<vmem>>, vector<16xf32>,
        tpu.vector_store %arg7[%swap3A_658, %swap3A_659, %swap3A_660], %mul3A_652 {strides = array<i32>} : memref<5x128x128xf32, #tpu.memory_space<vmem>>, vector<16xf32>,
        %mul3A_662 = arith.constant 2 : i32
        %mul3A_663 = arith.muli %scan3A_599, %mul3A_662 : i32
        %add3A_664 = arith.constant 0 : i32
        %add3A_665 = arith.addi %mul3A_663, %add3A_664 : i32
        %get3A_666 = arith.constant 2 : i32
        %get3A_667 = arith.index_cast %get3A_666 : i32 to index
        %get3A_668 = arith.index_cast %add3A_665 : i32 to index
        %get3A_669 = arith.constant 48 : index
        %get3A_670 = tpu.vector_load %arg7[%get3A_667, %get3A_668, %get3A_669] {strides = array<i32>} : memref<5x128x128xf32, #tpu.memory_space<vmem>>, vector<16xf32>,
        %mul3A_671 = arith.constant 11.3137083 : f32
        %mul3A_672 = vector.broadcast %mul3A_671 : f32 to vector<16xf32>
        %mul3A_673 = arith.mulf %get3A_670, %mul3A_672 : vector<16xf32>
        %mul3A_674 = arith.constant 2 : i32
        %mul3A_675 = arith.muli %scan3A_599, %mul3A_674 : i32
        %add3A_676 = arith.constant 0 : i32
        %add3A_677 = arith.addi %mul3A_675, %add3A_676 : i32
        %swap3A_678 = arith.constant 2 : i32
        %swap3A_679 = arith.index_cast %swap3A_678 : i32 to index
        %swap3A_680 = arith.index_cast %add3A_677 : i32 to index
        %swap3A_681 = arith.constant 48 : index
        %swap3A_682 = tpu.vector_load %arg7[%swap3A_679, %swap3A_680, %swap3A_681] {strides = array<i32>} : memref<5x128x128xf32, #tpu.memory_space<vmem>>, vector<16xf32>,
        tpu.vector_store %arg7[%swap3A_679, %swap3A_680, %swap3A_681], %mul3A_673 {strides = array<i32>} : memref<5x128x128xf32, #tpu.memory_space<vmem>>, vector<16xf32>,
        %mul3A_683 = arith.constant 2 : i32
        %mul3A_684 = arith.muli %scan3A_599, %mul3A_683 : i32
        %add3A_685 = arith.constant 0 : i32
        %add3A_686 = arith.addi %mul3A_684, %add3A_685 : i32
        %get3A_687 = arith.constant 2 : i32
        %get3A_688 = arith.index_cast %get3A_687 : i32 to index
        %get3A_689 = arith.index_cast %add3A_686 : i32 to index
        %get3A_690 = arith.constant 64 : index
        %get3A_691 = tpu.vector_load %arg7[%get3A_688, %get3A_689, %get3A_690] {strides = array<i32>} : memref<5x128x128xf32, #tpu.memory_space<vmem>>, vector<16xf32>,
        %mul3A_692 = arith.constant 11.3137083 : f32
        %mul3A_693 = vector.broadcast %mul3A_692 : f32 to vector<16xf32>
        %mul3A_694 = arith.mulf %get3A_691, %mul3A_693 : vector<16xf32>
        %mul3A_695 = arith.constant 2 : i32
        %mul3A_696 = arith.muli %scan3A_599, %mul3A_695 : i32
        %add3A_697 = arith.constant 0 : i32
        %add3A_698 = arith.addi %mul3A_696, %add3A_697 : i32
        %swap3A_699 = arith.constant 2 : i32
        %swap3A_700 = arith.index_cast %swap3A_699 : i32 to index
        %swap3A_701 = arith.index_cast %add3A_698 : i32 to index
        %swap3A_702 = arith.constant 64 : index
        %swap3A_703 = tpu.vector_load %arg7[%swap3A_700, %swap3A_701, %swap3A_702] {strides = array<i32>} : memref<5x128x128xf32, #tpu.memory_space<vmem>>, vector<16xf32>,
        tpu.vector_store %arg7[%swap3A_700, %swap3A_701, %swap3A_702], %mul3A_694 {strides = array<i32>} : memref<5x128x128xf32, #tpu.memory_space<vmem>>, vector<16xf32>,
        %mul3A_704 = arith.constant 2 : i32
        %mul3A_705 = arith.muli %scan3A_599, %mul3A_704 : i32
        %add3A_706 = arith.constant 0 : i32
        %add3A_707 = arith.addi %mul3A_705, %add3A_706 : i32
        %get3A_708 = arith.constant 2 : i32
        %get3A_709 = arith.index_cast %get3A_708 : i32 to index
        %get3A_710 = arith.index_cast %add3A_707 : i32 to index
        %get3A_711 = arith.constant 80 : index
        %get3A_712 = tpu.vector_load %arg7[%get3A_709, %get3A_710, %get3A_711] {strides = array<i32>} : memref<5x128x128xf32, #tpu.memory_space<vmem>>, vector<16xf32>,
        %mul3A_713 = arith.constant 11.3137083 : f32
        %mul3A_714 = vector.broadcast %mul3A_713 : f32 to vector<16xf32>
        %mul3A_715 = arith.mulf %get3A_712, %mul3A_714 : vector<16xf32>
        %mul3A_716 = arith.constant 2 : i32
        %mul3A_717 = arith.muli %scan3A_599, %mul3A_716 : i32
        %add3A_718 = arith.constant 0 : i32
        %add3A_719 = arith.addi %mul3A_717, %add3A_718 : i32
        %swap3A_720 = arith.constant 2 : i32
        %swap3A_721 = arith.index_cast %swap3A_720 : i32 to index
        %swap3A_722 = arith.index_cast %add3A_719 : i32 to index
        %swap3A_723 = arith.constant 80 : index
        %swap3A_724 = tpu.vector_load %arg7[%swap3A_721, %swap3A_722, %swap3A_723] {strides = array<i32>} : memref<5x128x128xf32, #tpu.memory_space<vmem>>, vector<16xf32>,
        tpu.vector_store %arg7[%swap3A_721, %swap3A_722, %swap3A_723], %mul3A_715 {strides = array<i32>} : memref<5x128x128xf32, #tpu.memory_space<vmem>>, vector<16xf32>,
        %mul3A_725 = arith.constant 2 : i32
        %mul3A_726 = arith.muli %scan3A_599, %mul3A_725 : i32
        %add3A_727 = arith.constant 0 : i32
        %add3A_728 = arith.addi %mul3A_726, %add3A_727 : i32
        %get3A_729 = arith.constant 2 : i32
        %get3A_730 = arith.index_cast %get3A_729 : i32 to index
        %get3A_731 = arith.index_cast %add3A_728 : i32 to index
        %get3A_732 = arith.constant 96 : index
        %get3A_733 = tpu.vector_load %arg7[%get3A_730, %get3A_731, %get3A_732] {strides = array<i32>} : memref<5x128x128xf32, #tpu.memory_space<vmem>>, vector<16xf32>,
        %mul3A_734 = arith.constant 11.3137083 : f32
        %mul3A_735 = vector.broadcast %mul3A_734 : f32 to vector<16xf32>
        %mul3A_736 = arith.mulf %get3A_733, %mul3A_735 : vector<16xf32>
        %mul3A_737 = arith.constant 2 : i32
        %mul3A_738 = arith.muli %scan3A_599, %mul3A_737 : i32
        %add3A_739 = arith.constant 0 : i32
        %add3A_740 = arith.addi %mul3A_738, %add3A_739 : i32
        %swap3A_741 = arith.constant 2 : i32
        %swap3A_742 = arith.index_cast %swap3A_741 : i32 to index
        %swap3A_743 = arith.index_cast %add3A_740 : i32 to index
        %swap3A_744 = arith.constant 96 : index
        %swap3A_745 = tpu.vector_load %arg7[%swap3A_742, %swap3A_743, %swap3A_744] {strides = array<i32>} : memref<5x128x128xf32, #tpu.memory_space<vmem>>, vector<16xf32>,
        tpu.vector_store %arg7[%swap3A_742, %swap3A_743, %swap3A_744], %mul3A_736 {strides = array<i32>} : memref<5x128x128xf32, #tpu.memory_space<vmem>>, vector<16xf32>,
        %mul3A_746 = arith.constant 2 : i32
        %mul3A_747 = arith.muli %scan3A_599, %mul3A_746 : i32
        %add3A_748 = arith.constant 0 : i32
        %add3A_749 = arith.addi %mul3A_747, %add3A_748 : i32
        %get3A_750 = arith.constant 2 : i32
        %get3A_751 = arith.index_cast %get3A_750 : i32 to index
        %get3A_752 = arith.index_cast %add3A_749 : i32 to index
        %get3A_753 = arith.constant 112 : index
        %get3A_754 = tpu.vector_load %arg7[%get3A_751, %get3A_752, %get3A_753] {strides = array<i32>} : memref<5x128x128xf32, #tpu.memory_space<vmem>>, vector<16xf32>,
        %mul3A_755 = arith.constant 11.3137083 : f32
        %mul3A_756 = vector.broadcast %mul3A_755 : f32 to vector<16xf32>
        %mul3A_757 = arith.mulf %get3A_754, %mul3A_756 : vector<16xf32>
        %mul3A_758 = arith.constant 2 : i32
        %mul3A_759 = arith.muli %scan3A_599, %mul3A_758 : i32
        %add3A_760 = arith.constant 0 : i32
        %add3A_761 = arith.addi %mul3A_759, %add3A_760 : i32
        %swap3A_762 = arith.constant 2 : i32
        %swap3A_763 = arith.index_cast %swap3A_762 : i32 to index
        %swap3A_764 = arith.index_cast %add3A_761 : i32 to index
        %swap3A_765 = arith.constant 112 : index
        %swap3A_766 = tpu.vector_load %arg7[%swap3A_763, %swap3A_764, %swap3A_765] {strides = array<i32>} : memref<5x128x128xf32, #tpu.memory_space<vmem>>, vector<16xf32>,
        tpu.vector_store %arg7[%swap3A_763, %swap3A_764, %swap3A_765], %mul3A_757 {strides = array<i32>} : memref<5x128x128xf32, #tpu.memory_space<vmem>>, vector<16xf32>,
        %mul3A_767 = arith.constant 2 : i32
        %mul3A_768 = arith.muli %scan3A_599, %mul3A_767 : i32
        %add3A_769 = arith.constant 1 : i32
        %add3A_770 = arith.addi %mul3A_768, %add3A_769 : i32
        %get3A_771 = arith.constant 2 : i32
        %get3A_772 = arith.index_cast %get3A_771 : i32 to index
        %get3A_773 = arith.index_cast %add3A_770 : i32 to index
        %get3A_774 = arith.constant 0 : index
        %get3A_775 = tpu.vector_load %arg7[%get3A_772, %get3A_773, %get3A_774] {strides = array<i32>} : memref<5x128x128xf32, #tpu.memory_space<vmem>>, vector<16xf32>,
        %mul3A_776 = arith.constant 11.3137083 : f32
        %mul3A_777 = vector.broadcast %mul3A_776 : f32 to vector<16xf32>
        %mul3A_778 = arith.mulf %get3A_775, %mul3A_777 : vector<16xf32>
        %mul3A_779 = arith.constant 2 : i32
        %mul3A_780 = arith.muli %scan3A_599, %mul3A_779 : i32
        %add3A_781 = arith.constant 1 : i32
        %add3A_782 = arith.addi %mul3A_780, %add3A_781 : i32
        %swap3A_783 = arith.constant 2 : i32
        %swap3A_784 = arith.index_cast %swap3A_783 : i32 to index
        %swap3A_785 = arith.index_cast %add3A_782 : i32 to index
        %swap3A_786 = arith.constant 0 : index
        %swap3A_787 = tpu.vector_load %arg7[%swap3A_784, %swap3A_785, %swap3A_786] {strides = array<i32>} : memref<5x128x128xf32, #tpu.memory_space<vmem>>, vector<16xf32>,
        tpu.vector_store %arg7[%swap3A_784, %swap3A_785, %swap3A_786], %mul3A_778 {strides = array<i32>} : memref<5x128x128xf32, #tpu.memory_space<vmem>>, vector<16xf32>,
        %mul3A_788 = arith.constant 2 : i32
        %mul3A_789 = arith.muli %scan3A_599, %mul3A_788 : i32
        %add3A_790 = arith.constant 1 : i32
        %add3A_791 = arith.addi %mul3A_789, %add3A_790 : i32
        %get3A_792 = arith.constant 2 : i32
        %get3A_793 = arith.index_cast %get3A_792 : i32 to index
        %get3A_794 = arith.index_cast %add3A_791 : i32 to index
        %get3A_795 = arith.constant 16 : index
        %get3A_796 = tpu.vector_load %arg7[%get3A_793, %get3A_794, %get3A_795] {strides = array<i32>} : memref<5x128x128xf32, #tpu.memory_space<vmem>>, vector<16xf32>,
        %mul3A_797 = arith.constant 11.3137083 : f32
        %mul3A_798 = vector.broadcast %mul3A_797 : f32 to vector<16xf32>
        %mul3A_799 = arith.mulf %get3A_796, %mul3A_798 : vector<16xf32>
        %mul3A_800 = arith.constant 2 : i32
        %mul3A_801 = arith.muli %scan3A_599, %mul3A_800 : i32
        %add3A_802 = arith.constant 1 : i32
        %add3A_803 = arith.addi %mul3A_801, %add3A_802 : i32
        %swap3A_804 = arith.constant 2 : i32
        %swap3A_805 = arith.index_cast %swap3A_804 : i32 to index
        %swap3A_806 = arith.index_cast %add3A_803 : i32 to index
        %swap3A_807 = arith.constant 16 : index
        %swap3A_808 = tpu.vector_load %arg7[%swap3A_805, %swap3A_806, %swap3A_807] {strides = array<i32>} : memref<5x128x128xf32, #tpu.memory_space<vmem>>, vector<16xf32>,
        tpu.vector_store %arg7[%swap3A_805, %swap3A_806, %swap3A_807], %mul3A_799 {strides = array<i32>} : memref<5x128x128xf32, #tpu.memory_space<vmem>>, vector<16xf32>,
        %mul3A_809 = arith.constant 2 : i32
        %mul3A_810 = arith.muli %scan3A_599, %mul3A_809 : i32
        %add3A_811 = arith.constant 1 : i32
        %add3A_812 = arith.addi %mul3A_810, %add3A_811 : i32
        %get3A_813 = arith.constant 2 : i32
        %get3A_814 = arith.index_cast %get3A_813 : i32 to index
        %get3A_815 = arith.index_cast %add3A_812 : i32 to index
        %get3A_816 = arith.constant 32 : index
        %get3A_817 = tpu.vector_load %arg7[%get3A_814, %get3A_815, %get3A_816] {strides = array<i32>} : memref<5x128x128xf32, #tpu.memory_space<vmem>>, vector<16xf32>,
        %mul3A_818 = arith.constant 11.3137083 : f32
        %mul3A_819 = vector.broadcast %mul3A_818 : f32 to vector<16xf32>
        %mul3A_820 = arith.mulf %get3A_817, %mul3A_819 : vector<16xf32>
        %mul3A_821 = arith.constant 2 : i32
        %mul3A_822 = arith.muli %scan3A_599, %mul3A_821 : i32
        %add3A_823 = arith.constant 1 : i32
        %add3A_824 = arith.addi %mul3A_822, %add3A_823 : i32
        %swap3A_825 = arith.constant 2 : i32
        %swap3A_826 = arith.index_cast %swap3A_825 : i32 to index
        %swap3A_827 = arith.index_cast %add3A_824 : i32 to index
        %swap3A_828 = arith.constant 32 : index
        %swap3A_829 = tpu.vector_load %arg7[%swap3A_826, %swap3A_827, %swap3A_828] {strides = array<i32>} : memref<5x128x128xf32, #tpu.memory_space<vmem>>, vector<16xf32>,
        tpu.vector_store %arg7[%swap3A_826, %swap3A_827, %swap3A_828], %mul3A_820 {strides = array<i32>} : memref<5x128x128xf32, #tpu.memory_space<vmem>>, vector<16xf32>,
        %mul3A_830 = arith.constant 2 : i32
        %mul3A_831 = arith.muli %scan3A_599, %mul3A_830 : i32
        %add3A_832 = arith.constant 1 : i32
        %add3A_833 = arith.addi %mul3A_831, %add3A_832 : i32
        %get3A_834 = arith.constant 2 : i32
        %get3A_835 = arith.index_cast %get3A_834 : i32 to index
        %get3A_836 = arith.index_cast %add3A_833 : i32 to index
        %get3A_837 = arith.constant 48 : index
        %get3A_838 = tpu.vector_load %arg7[%get3A_835, %get3A_836, %get3A_837] {strides = array<i32>} : memref<5x128x128xf32, #tpu.memory_space<vmem>>, vector<16xf32>,
        %mul3A_839 = arith.constant 11.3137083 : f32
        %mul3A_840 = vector.broadcast %mul3A_839 : f32 to vector<16xf32>
        %mul3A_841 = arith.mulf %get3A_838, %mul3A_840 : vector<16xf32>
        %mul3A_842 = arith.constant 2 : i32
        %mul3A_843 = arith.muli %scan3A_599, %mul3A_842 : i32
        %add3A_844 = arith.constant 1 : i32
        %add3A_845 = arith.addi %mul3A_843, %add3A_844 : i32
        %swap3A_846 = arith.constant 2 : i32
        %swap3A_847 = arith.index_cast %swap3A_846 : i32 to index
        %swap3A_848 = arith.index_cast %add3A_845 : i32 to index
        %swap3A_849 = arith.constant 48 : index
        %swap3A_850 = tpu.vector_load %arg7[%swap3A_847, %swap3A_848, %swap3A_849] {strides = array<i32>} : memref<5x128x128xf32, #tpu.memory_space<vmem>>, vector<16xf32>,
        tpu.vector_store %arg7[%swap3A_847, %swap3A_848, %swap3A_849], %mul3A_841 {strides = array<i32>} : memref<5x128x128xf32, #tpu.memory_space<vmem>>, vector<16xf32>,
        %mul3A_851 = arith.constant 2 : i32
        %mul3A_852 = arith.muli %scan3A_599, %mul3A_851 : i32
        %add3A_853 = arith.constant 1 : i32
        %add3A_854 = arith.addi %mul3A_852, %add3A_853 : i32
        %get3A_855 = arith.constant 2 : i32
        %get3A_856 = arith.index_cast %get3A_855 : i32 to index
        %get3A_857 = arith.index_cast %add3A_854 : i32 to index
        %get3A_858 = arith.constant 64 : index
        %get3A_859 = tpu.vector_load %arg7[%get3A_856, %get3A_857, %get3A_858] {strides = array<i32>} : memref<5x128x128xf32, #tpu.memory_space<vmem>>, vector<16xf32>,
        %mul3A_860 = arith.constant 11.3137083 : f32
        %mul3A_861 = vector.broadcast %mul3A_860 : f32 to vector<16xf32>
        %mul3A_862 = arith.mulf %get3A_859, %mul3A_861 : vector<16xf32>
        %mul3A_863 = arith.constant 2 : i32
        %mul3A_864 = arith.muli %scan3A_599, %mul3A_863 : i32
        %add3A_865 = arith.constant 1 : i32
        %add3A_866 = arith.addi %mul3A_864, %add3A_865 : i32
        %swap3A_867 = arith.constant 2 : i32
        %swap3A_868 = arith.index_cast %swap3A_867 : i32 to index
        %swap3A_869 = arith.index_cast %add3A_866 : i32 to index
        %swap3A_870 = arith.constant 64 : index
        %swap3A_871 = tpu.vector_load %arg7[%swap3A_868, %swap3A_869, %swap3A_870] {strides = array<i32>} : memref<5x128x128xf32, #tpu.memory_space<vmem>>, vector<16xf32>,
        tpu.vector_store %arg7[%swap3A_868, %swap3A_869, %swap3A_870], %mul3A_862 {strides = array<i32>} : memref<5x128x128xf32, #tpu.memory_space<vmem>>, vector<16xf32>,
        %mul3A_872 = arith.constant 2 : i32
        %mul3A_873 = arith.muli %scan3A_599, %mul3A_872 : i32
        %add3A_874 = arith.constant 1 : i32
        %add3A_875 = arith.addi %mul3A_873, %add3A_874 : i32
        %get3A_876 = arith.constant 2 : i32
        %get3A_877 = arith.index_cast %get3A_876 : i32 to index
        %get3A_878 = arith.index_cast %add3A_875 : i32 to index
        %get3A_879 = arith.constant 80 : index
        %get3A_880 = tpu.vector_load %arg7[%get3A_877, %get3A_878, %get3A_879] {strides = array<i32>} : memref<5x128x128xf32, #tpu.memory_space<vmem>>, vector<16xf32>,
        %mul3A_881 = arith.constant 11.3137083 : f32
        %mul3A_882 = vector.broadcast %mul3A_881 : f32 to vector<16xf32>
        %mul3A_883 = arith.mulf %get3A_880, %mul3A_882 : vector<16xf32>
        %mul3A_884 = arith.constant 2 : i32
        %mul3A_885 = arith.muli %scan3A_599, %mul3A_884 : i32
        %add3A_886 = arith.constant 1 : i32
        %add3A_887 = arith.addi %mul3A_885, %add3A_886 : i32
        %swap3A_888 = arith.constant 2 : i32
        %swap3A_889 = arith.index_cast %swap3A_888 : i32 to index
        %swap3A_890 = arith.index_cast %add3A_887 : i32 to index
        %swap3A_891 = arith.constant 80 : index
        %swap3A_892 = tpu.vector_load %arg7[%swap3A_889, %swap3A_890, %swap3A_891] {strides = array<i32>} : memref<5x128x128xf32, #tpu.memory_space<vmem>>, vector<16xf32>,
        tpu.vector_store %arg7[%swap3A_889, %swap3A_890, %swap3A_891], %mul3A_883 {strides = array<i32>} : memref<5x128x128xf32, #tpu.memory_space<vmem>>, vector<16xf32>,
        %mul3A_893 = arith.constant 2 : i32
        %mul3A_894 = arith.muli %scan3A_599, %mul3A_893 : i32
        %add3A_895 = arith.constant 1 : i32
        %add3A_896 = arith.addi %mul3A_894, %add3A_895 : i32
        %get3A_897 = arith.constant 2 : i32
        %get3A_898 = arith.index_cast %get3A_897 : i32 to index
        %get3A_899 = arith.index_cast %add3A_896 : i32 to index
        %get3A_900 = arith.constant 96 : index
        %get3A_901 = tpu.vector_load %arg7[%get3A_898, %get3A_899, %get3A_900] {strides = array<i32>} : memref<5x128x128xf32, #tpu.memory_space<vmem>>, vector<16xf32>,
        %mul3A_902 = arith.constant 11.3137083 : f32
        %mul3A_903 = vector.broadcast %mul3A_902 : f32 to vector<16xf32>
        %mul3A_904 = arith.mulf %get3A_901, %mul3A_903 : vector<16xf32>
        %mul3A_905 = arith.constant 2 : i32
        %mul3A_906 = arith.muli %scan3A_599, %mul3A_905 : i32
        %add3A_907 = arith.constant 1 : i32
        %add3A_908 = arith.addi %mul3A_906, %add3A_907 : i32
        %swap3A_909 = arith.constant 2 : i32
        %swap3A_910 = arith.index_cast %swap3A_909 : i32 to index
        %swap3A_911 = arith.index_cast %add3A_908 : i32 to index
        %swap3A_912 = arith.constant 96 : index
        %swap3A_913 = tpu.vector_load %arg7[%swap3A_910, %swap3A_911, %swap3A_912] {strides = array<i32>} : memref<5x128x128xf32, #tpu.memory_space<vmem>>, vector<16xf32>,
        tpu.vector_store %arg7[%swap3A_910, %swap3A_911, %swap3A_912], %mul3A_904 {strides = array<i32>} : memref<5x128x128xf32, #tpu.memory_space<vmem>>, vector<16xf32>,
        %mul3A_914 = arith.constant 2 : i32
        %mul3A_915 = arith.muli %scan3A_599, %mul3A_914 : i32
        %add3A_916 = arith.constant 1 : i32
        %add3A_917 = arith.addi %mul3A_915, %add3A_916 : i32
        %get3A_918 = arith.constant 2 : i32
        %get3A_919 = arith.index_cast %get3A_918 : i32 to index
        %get3A_920 = arith.index_cast %add3A_917 : i32 to index
        %get3A_921 = arith.constant 112 : index
        %get3A_922 = tpu.vector_load %arg7[%get3A_919, %get3A_920, %get3A_921] {strides = array<i32>} : memref<5x128x128xf32, #tpu.memory_space<vmem>>, vector<16xf32>,
        %mul3A_923 = arith.constant 11.3137083 : f32
        %mul3A_924 = vector.broadcast %mul3A_923 : f32 to vector<16xf32>
        %mul3A_925 = arith.mulf %get3A_922, %mul3A_924 : vector<16xf32>
        %mul3A_926 = arith.constant 2 : i32
        %mul3A_927 = arith.muli %scan3A_599, %mul3A_926 : i32
        %add3A_928 = arith.constant 1 : i32
        %add3A_929 = arith.addi %mul3A_927, %add3A_928 : i32
        %swap3A_930 = arith.constant 2 : i32
        %swap3A_931 = arith.index_cast %swap3A_930 : i32 to index
        %swap3A_932 = arith.index_cast %add3A_929 : i32 to index
        %swap3A_933 = arith.constant 112 : index
        %swap3A_934 = tpu.vector_load %arg7[%swap3A_931, %swap3A_932, %swap3A_933] {strides = array<i32>} : memref<5x128x128xf32, #tpu.memory_space<vmem>>, vector<16xf32>,
        tpu.vector_store %arg7[%swap3A_931, %swap3A_932, %swap3A_933], %mul3A_925 {strides = array<i32>} : memref<5x128x128xf32, #tpu.memory_space<vmem>>, vector<16xf32>,
      }
      %scan3A_442 = arith.constant 64 : i32
      %dma_start3A_443 = arith.constant 2 : i32
      %dma_start3A_444 = arith.constant 2 : i32
      %dma_start3A_445 = arith.constant 0 : i32
      %dma_start3A_446 = arith.constant 0 : i32
      %dma_start3A_447 = tpu.memref_slice %arg7[%dma_start3A_443, %dma_start3A_445, %dma_start3A_446] : memref<5x128x128xf32, #tpu.memory_space<vmem>> -> memref<1x128x128xf32, #tpu.memory_space<vmem>>
      %dma_start3A_448 = tpu.memref_squeeze %dma_start3A_447 : memref<1x128x128xf32, #tpu.memory_space<vmem>> -> memref<128x128xf32, #tpu.memory_space<vmem>>
      %dma_start3A_449 = arith.constant 0 : i32
      %dma_start3A_450 = arith.constant 0 : i32
      %dma_start3A_451 = tpu.memref_slice %arg4[%add3A_422, %dma_start3A_449, %dma_start3A_450] : memref<50x4096x128xf32, #tpu.memory_space<hbm>> -> memref<1x4096x128xf32, #tpu.memory_space<hbm>>
      %dma_start3A_452 = tpu.memref_squeeze %dma_start3A_451 : memref<1x4096x128xf32, #tpu.memory_space<hbm>> -> memref<4096x128xf32, #tpu.memory_space<hbm>>
      %dma_start3A_453 = arith.constant 0 : i32
      %dma_start3A_454 = tpu.memref_slice %dma_start3A_452[%mul3A_4, %dma_start3A_453] : memref<4096x128xf32, #tpu.memory_space<hbm>> -> memref<128x128xf32, #tpu.memory_space<hbm>>
      %dma_start3A_455 = tpu.memref_slice %arg9[%dma_start3A_444] : memref<5x!tpu.dma_semaphore, #tpu.memory_space<semaphore_mem>> -> memref<1x!tpu.dma_semaphore, #tpu.memory_space<semaphore_mem>>
      %dma_start3A_456 = tpu.memref_squeeze %dma_start3A_455 : memref<1x!tpu.dma_semaphore, #tpu.memory_space<semaphore_mem>> -> memref<!tpu.dma_semaphore, #tpu.memory_space<semaphore_mem>>
      %dma_start3A_457 = arith.constant 0 : i32
      %dma_start3A_458 = arith.constant 0 : i32
      %dma_start3A_459 = tpu.memref_slice %arg4[%add3A_422, %dma_start3A_457, %dma_start3A_458] : memref<50x4096x128xf32, #tpu.memory_space<hbm>> -> memref<1x4096x128xf32, #tpu.memory_space<hbm>>
      %dma_start3A_460 = tpu.memref_squeeze %dma_start3A_459 : memref<1x4096x128xf32, #tpu.memory_space<hbm>> -> memref<4096x128xf32, #tpu.memory_space<hbm>>
      %dma_start3A_461 = arith.constant 0 : i32
      %dma_start3A_462 = tpu.memref_slice %dma_start3A_460[%mul3A_4, %dma_start3A_461] : memref<4096x128xf32, #tpu.memory_space<hbm>> -> memref<128x128xf32, #tpu.memory_space<hbm>>
      %dma_start3A_463 = arith.constant 0 : i32
      %dma_start3A_464 = arith.constant 0 : i32
      %dma_start3A_465 = tpu.memref_slice %arg7[%dma_start3A_443, %dma_start3A_463, %dma_start3A_464] : memref<5x128x128xf32, #tpu.memory_space<vmem>> -> memref<1x128x128xf32, #tpu.memory_space<vmem>>
      %dma_start3A_466 = tpu.memref_squeeze %dma_start3A_465 : memref<1x128x128xf32, #tpu.memory_space<vmem>> -> memref<128x128xf32, #tpu.memory_space<vmem>>
      tpu.enqueue_dma source(%dma_start3A_466 : memref<128x128xf32, #tpu.memory_space<vmem>>) target(%dma_start3A_462 : memref<128x128xf32, #tpu.memory_space<hbm>>) target_semaphore(%dma_start3A_456 : memref<!tpu.dma_semaphore, #tpu.memory_space<semaphore_mem>>)
      %ge3A_467 = arith.constant 2 : i32
      %ge3A_468 = arith.cmpi sge, %add3A_422, %ge3A_467 : i32
      %convert_element_type3A_469 = arith.extui %ge3A_468 : i1 to i32
      %cond3A_470 = arith.constant 0 : i32
      %cond3A_471 = arith.cmpi ne, %convert_element_type3A_469, %cond3A_470 : i32
      scf.if %cond3A_471 {
        %sub3A = arith.constant 2 : i32
        %sub3A_599 = arith.subi %add3A_422, %sub3A : i32
        %dma_wait3A_600 = arith.constant 0 : i32
        %dma_wait3A_601 = arith.constant 0 : i32
        %dma_wait3A_602 = arith.constant 0 : i32
        %dma_wait3A_603 = arith.constant 0 : i32
        %dma_wait3A_604 = tpu.memref_slice %arg7[%dma_wait3A_600, %dma_wait3A_602, %dma_wait3A_603] : memref<5x128x128xf32, #tpu.memory_space<vmem>> -> memref<1x128x128xf32, #tpu.memory_space<vmem>>
        %dma_wait3A_605 = tpu.memref_squeeze %dma_wait3A_604 : memref<1x128x128xf32, #tpu.memory_space<vmem>> -> memref<128x128xf32, #tpu.memory_space<vmem>>
        %dma_wait3A_606 = arith.constant 0 : i32
        %dma_wait3A_607 = arith.constant 0 : i32
        %dma_wait3A_608 = tpu.memref_slice %arg4[%sub3A_599, %dma_wait3A_606, %dma_wait3A_607] : memref<50x4096x128xf32, #tpu.memory_space<hbm>> -> memref<1x4096x128xf32, #tpu.memory_space<hbm>>
        %dma_wait3A_609 = tpu.memref_squeeze %dma_wait3A_608 : memref<1x4096x128xf32, #tpu.memory_space<hbm>> -> memref<4096x128xf32, #tpu.memory_space<hbm>>
        %dma_wait3A_610 = arith.constant 0 : i32
        %dma_wait3A_611 = tpu.memref_slice %dma_wait3A_609[%mul3A_4, %dma_wait3A_610] : memref<4096x128xf32, #tpu.memory_space<hbm>> -> memref<128x128xf32, #tpu.memory_space<hbm>>
        %dma_wait3A_612 = tpu.memref_slice %arg9[%dma_wait3A_601] : memref<5x!tpu.dma_semaphore, #tpu.memory_space<semaphore_mem>> -> memref<1x!tpu.dma_semaphore, #tpu.memory_space<semaphore_mem>>
        %dma_wait3A_613 = tpu.memref_squeeze %dma_wait3A_612 : memref<1x!tpu.dma_semaphore, #tpu.memory_space<semaphore_mem>> -> memref<!tpu.dma_semaphore, #tpu.memory_space<semaphore_mem>>
        %dma_wait3A_614 = arith.constant 0 : i32
        %dma_wait3A_615 = arith.constant 0 : i32
        %dma_wait3A_616 = tpu.memref_slice %arg4[%sub3A_599, %dma_wait3A_614, %dma_wait3A_615] : memref<50x4096x128xf32, #tpu.memory_space<hbm>> -> memref<1x4096x128xf32, #tpu.memory_space<hbm>>
        %dma_wait3A_617 = tpu.memref_squeeze %dma_wait3A_616 : memref<1x4096x128xf32, #tpu.memory_space<hbm>> -> memref<4096x128xf32, #tpu.memory_space<hbm>>
        %dma_wait3A_618 = arith.constant 0 : i32
        %dma_wait3A_619 = tpu.memref_slice %dma_wait3A_617[%mul3A_4, %dma_wait3A_618] : memref<4096x128xf32, #tpu.memory_space<hbm>> -> memref<128x128xf32, #tpu.memory_space<hbm>>
        %dma_wait3A_620 = arith.constant 0 : i32
        %dma_wait3A_621 = arith.constant 0 : i32
        %dma_wait3A_622 = tpu.memref_slice %arg7[%dma_wait3A_600, %dma_wait3A_620, %dma_wait3A_621] : memref<5x128x128xf32, #tpu.memory_space<vmem>> -> memref<1x128x128xf32, #tpu.memory_space<vmem>>
        %dma_wait3A_623 = tpu.memref_squeeze %dma_wait3A_622 : memref<1x128x128xf32, #tpu.memory_space<vmem>> -> memref<128x128xf32, #tpu.memory_space<vmem>>
        tpu.wait_dma2 semaphore(%dma_wait3A_613 : memref<!tpu.dma_semaphore, #tpu.memory_space<semaphore_mem>>) src(%dma_wait3A_623 : memref<128x128xf32, #tpu.memory_space<vmem>>) dst(%dma_wait3A_619 : memref<128x128xf32, #tpu.memory_space<hbm>>)
      } else {
      }
      %add3A_472 = arith.constant 3 : i32
      %add3A_473 = arith.addi %add3A_422, %add3A_472 : i32
      %lt3A_474 = arith.constant 50 : i32
      %lt3A_475 = arith.cmpi slt, %add3A_473, %lt3A_474 : i32
      %convert_element_type3A_476 = arith.extui %lt3A_475 : i1 to i32
      %cond3A_477 = arith.constant 0 : i32
      %cond3A_478 = arith.cmpi ne, %convert_element_type3A_476, %cond3A_477 : i32
      scf.if %cond3A_478 {
        %add3A_599 = arith.constant 3 : i32
        %add3A_600 = arith.addi %add3A_422, %add3A_599 : i32
        %dma_start3A_601 = arith.constant 0 : i32
        %dma_start3A_602 = arith.constant 0 : i32
        %dma_start3A_603 = arith.constant 0 : i32
        %dma_start3A_604 = arith.constant 0 : i32
        %dma_start3A_605 = tpu.memref_slice %arg7[%dma_start3A_601, %dma_start3A_603, %dma_start3A_604] : memref<5x128x128xf32, #tpu.memory_space<vmem>> -> memref<1x128x128xf32, #tpu.memory_space<vmem>>
        %dma_start3A_606 = tpu.memref_squeeze %dma_start3A_605 : memref<1x128x128xf32, #tpu.memory_space<vmem>> -> memref<128x128xf32, #tpu.memory_space<vmem>>
        %dma_start3A_607 = arith.constant 0 : i32
        %dma_start3A_608 = tpu.memref_slice %arg6[%add3A_600, %dma_start3A_607] : memref<50x128xi32, #tpu.memory_space<vmem>> -> memref<1x128xi32, #tpu.memory_space<vmem>>
        %dma_start3A_609 = tpu.memref_squeeze %dma_start3A_608 : memref<1x128xi32, #tpu.memory_space<vmem>> -> memref<128xi32, #tpu.memory_space<vmem>>
        %dma_start3A_610 = arith.constant 0 : i32
        %dma_start3A_611 = arith.constant 0 : i32
        %dma_start3A_612 = tpu.memref_slice %arg3[%dma_start3A_610, %dma_start3A_611] : memref<100000x128xf32, #tpu.memory_space<hbm>> -> memref<100000x128xf32, #tpu.memory_space<hbm>>
        %dma_start3A_613 = tpu.memref_slice %arg8[%dma_start3A_602] : memref<5x!tpu.dma_semaphore, #tpu.memory_space<semaphore_mem>> -> memref<1x!tpu.dma_semaphore, #tpu.memory_space<semaphore_mem>>
        %dma_start3A_614 = tpu.memref_squeeze %dma_start3A_613 : memref<1x!tpu.dma_semaphore, #tpu.memory_space<semaphore_mem>> -> memref<!tpu.dma_semaphore, #tpu.memory_space<semaphore_mem>>
        tpu.enqueue_indirect_dma source(%dma_start3A_612 : memref<100000x128xf32, #tpu.memory_space<hbm>>) target(%dma_start3A_606 : memref<128x128xf32, #tpu.memory_space<vmem>>) offsets(%dma_start3A_609 : memref<128xi32, #tpu.memory_space<vmem>>) semaphore(%dma_start3A_614 : memref<!tpu.dma_semaphore, #tpu.memory_space<semaphore_mem>>)
      } else {
      }
      %mul3A_479 = arith.constant 5 : i32
      %mul3A_480 = arith.muli %scan3A_302, %mul3A_479 : i32
      %add3A_481 = arith.constant 3 : i32
      %add3A_482 = arith.addi %mul3A_480, %add3A_481 : i32
      %dma_wait3A_483 = arith.constant 3 : i32
      %dma_wait3A_484 = arith.constant 3 : i32
      %dma_wait3A_485 = arith.constant 0 : i32
      %dma_wait3A_486 = arith.constant 0 : i32
      %dma_wait3A_487 = tpu.memref_slice %arg7[%dma_wait3A_483, %dma_wait3A_485, %dma_wait3A_486] : memref<5x128x128xf32, #tpu.memory_space<vmem>> -> memref<1x128x128xf32, #tpu.memory_space<vmem>>
      %dma_wait3A_488 = tpu.memref_squeeze %dma_wait3A_487 : memref<1x128x128xf32, #tpu.memory_space<vmem>> -> memref<128x128xf32, #tpu.memory_space<vmem>>
      %dma_wait3A_489 = arith.constant 0 : i32
      %dma_wait3A_490 = tpu.memref_slice %arg6[%add3A_482, %dma_wait3A_489] : memref<50x128xi32, #tpu.memory_space<vmem>> -> memref<1x128xi32, #tpu.memory_space<vmem>>
      %dma_wait3A_491 = tpu.memref_squeeze %dma_wait3A_490 : memref<1x128xi32, #tpu.memory_space<vmem>> -> memref<128xi32, #tpu.memory_space<vmem>>
      %dma_wait3A_492 = arith.constant 0 : i32
      %dma_wait3A_493 = arith.constant 0 : i32
      %dma_wait3A_494 = tpu.memref_slice %arg3[%dma_wait3A_492, %dma_wait3A_493] : memref<100000x128xf32, #tpu.memory_space<hbm>> -> memref<100000x128xf32, #tpu.memory_space<hbm>>
      %dma_wait3A_495 = tpu.memref_slice %arg8[%dma_wait3A_484] : memref<5x!tpu.dma_semaphore, #tpu.memory_space<semaphore_mem>> -> memref<1x!tpu.dma_semaphore, #tpu.memory_space<semaphore_mem>>
      %dma_wait3A_496 = tpu.memref_squeeze %dma_wait3A_495 : memref<1x!tpu.dma_semaphore, #tpu.memory_space<semaphore_mem>> -> memref<!tpu.dma_semaphore, #tpu.memory_space<semaphore_mem>>
      tpu.wait_indirect_dma semaphore(%dma_wait3A_496 : memref<!tpu.dma_semaphore, #tpu.memory_space<semaphore_mem>>) src(%dma_wait3A_494 : memref<100000x128xf32, #tpu.memory_space<hbm>>) dst(%dma_wait3A_488 : memref<128x128xf32, #tpu.memory_space<vmem>>)
      %scan3A_497 = arith.constant 0 : i32
      %scan3A_498 = arith.constant 0 : i32
      %scan3A_499 = arith.constant 64 : i32
      %scan3A_500 = arith.addi %scan3A_498, %scan3A_499 : i32
      %scan3A_501 = arith.constant 1 : i32
      scf.for %scan3A_599 = %scan3A_498 to %scan3A_500 step %scan3A_501  : i32 {
        %mul3A_600 = arith.constant 2 : i32
        %mul3A_601 = arith.muli %scan3A_599, %mul3A_600 : i32
        %add3A_602 = arith.constant 0 : i32
        %add3A_603 = arith.addi %mul3A_601, %add3A_602 : i32
        %get3A = arith.constant 3 : i32
        %get3A_604 = arith.index_cast %get3A : i32 to index
        %get3A_605 = arith.index_cast %add3A_603 : i32 to index
        %get3A_606 = arith.constant 0 : index
        %get3A_607 = tpu.vector_load %arg7[%get3A_604, %get3A_605, %get3A_606] {strides = array<i32>} : memref<5x128x128xf32, #tpu.memory_space<vmem>>, vector<16xf32>,
        %mul3A_608 = arith.constant 11.3137083 : f32
        %mul3A_609 = vector.broadcast %mul3A_608 : f32 to vector<16xf32>
        %mul3A_610 = arith.mulf %get3A_607, %mul3A_609 : vector<16xf32>
        %mul3A_611 = arith.constant 2 : i32
        %mul3A_612 = arith.muli %scan3A_599, %mul3A_611 : i32
        %add3A_613 = arith.constant 0 : i32
        %add3A_614 = arith.addi %mul3A_612, %add3A_613 : i32
        %swap3A_615 = arith.constant 3 : i32
        %swap3A_616 = arith.index_cast %swap3A_615 : i32 to index
        %swap3A_617 = arith.index_cast %add3A_614 : i32 to index
        %swap3A_618 = arith.constant 0 : index
        %swap3A_619 = tpu.vector_load %arg7[%swap3A_616, %swap3A_617, %swap3A_618] {strides = array<i32>} : memref<5x128x128xf32, #tpu.memory_space<vmem>>, vector<16xf32>,
        tpu.vector_store %arg7[%swap3A_616, %swap3A_617, %swap3A_618], %mul3A_610 {strides = array<i32>} : memref<5x128x128xf32, #tpu.memory_space<vmem>>, vector<16xf32>,
        %mul3A_620 = arith.constant 2 : i32
        %mul3A_621 = arith.muli %scan3A_599, %mul3A_620 : i32
        %add3A_622 = arith.constant 0 : i32
        %add3A_623 = arith.addi %mul3A_621, %add3A_622 : i32
        %get3A_624 = arith.constant 3 : i32
        %get3A_625 = arith.index_cast %get3A_624 : i32 to index
        %get3A_626 = arith.index_cast %add3A_623 : i32 to index
        %get3A_627 = arith.constant 16 : index
        %get3A_628 = tpu.vector_load %arg7[%get3A_625, %get3A_626, %get3A_627] {strides = array<i32>} : memref<5x128x128xf32, #tpu.memory_space<vmem>>, vector<16xf32>,
        %mul3A_629 = arith.constant 11.3137083 : f32
        %mul3A_630 = vector.broadcast %mul3A_629 : f32 to vector<16xf32>
        %mul3A_631 = arith.mulf %get3A_628, %mul3A_630 : vector<16xf32>
        %mul3A_632 = arith.constant 2 : i32
        %mul3A_633 = arith.muli %scan3A_599, %mul3A_632 : i32
        %add3A_634 = arith.constant 0 : i32
        %add3A_635 = arith.addi %mul3A_633, %add3A_634 : i32
        %swap3A_636 = arith.constant 3 : i32
        %swap3A_637 = arith.index_cast %swap3A_636 : i32 to index
        %swap3A_638 = arith.index_cast %add3A_635 : i32 to index
        %swap3A_639 = arith.constant 16 : index
        %swap3A_640 = tpu.vector_load %arg7[%swap3A_637, %swap3A_638, %swap3A_639] {strides = array<i32>} : memref<5x128x128xf32, #tpu.memory_space<vmem>>, vector<16xf32>,
        tpu.vector_store %arg7[%swap3A_637, %swap3A_638, %swap3A_639], %mul3A_631 {strides = array<i32>} : memref<5x128x128xf32, #tpu.memory_space<vmem>>, vector<16xf32>,
        %mul3A_641 = arith.constant 2 : i32
        %mul3A_642 = arith.muli %scan3A_599, %mul3A_641 : i32
        %add3A_643 = arith.constant 0 : i32
        %add3A_644 = arith.addi %mul3A_642, %add3A_643 : i32
        %get3A_645 = arith.constant 3 : i32
        %get3A_646 = arith.index_cast %get3A_645 : i32 to index
        %get3A_647 = arith.index_cast %add3A_644 : i32 to index
        %get3A_648 = arith.constant 32 : index
        %get3A_649 = tpu.vector_load %arg7[%get3A_646, %get3A_647, %get3A_648] {strides = array<i32>} : memref<5x128x128xf32, #tpu.memory_space<vmem>>, vector<16xf32>,
        %mul3A_650 = arith.constant 11.3137083 : f32
        %mul3A_651 = vector.broadcast %mul3A_650 : f32 to vector<16xf32>
        %mul3A_652 = arith.mulf %get3A_649, %mul3A_651 : vector<16xf32>
        %mul3A_653 = arith.constant 2 : i32
        %mul3A_654 = arith.muli %scan3A_599, %mul3A_653 : i32
        %add3A_655 = arith.constant 0 : i32
        %add3A_656 = arith.addi %mul3A_654, %add3A_655 : i32
        %swap3A_657 = arith.constant 3 : i32
        %swap3A_658 = arith.index_cast %swap3A_657 : i32 to index
        %swap3A_659 = arith.index_cast %add3A_656 : i32 to index
        %swap3A_660 = arith.constant 32 : index
        %swap3A_661 = tpu.vector_load %arg7[%swap3A_658, %swap3A_659, %swap3A_660] {strides = array<i32>} : memref<5x128x128xf32, #tpu.memory_space<vmem>>, vector<16xf32>,
        tpu.vector_store %arg7[%swap3A_658, %swap3A_659, %swap3A_660], %mul3A_652 {strides = array<i32>} : memref<5x128x128xf32, #tpu.memory_space<vmem>>, vector<16xf32>,
        %mul3A_662 = arith.constant 2 : i32
        %mul3A_663 = arith.muli %scan3A_599, %mul3A_662 : i32
        %add3A_664 = arith.constant 0 : i32
        %add3A_665 = arith.addi %mul3A_663, %add3A_664 : i32
        %get3A_666 = arith.constant 3 : i32
        %get3A_667 = arith.index_cast %get3A_666 : i32 to index
        %get3A_668 = arith.index_cast %add3A_665 : i32 to index
        %get3A_669 = arith.constant 48 : index
        %get3A_670 = tpu.vector_load %arg7[%get3A_667, %get3A_668, %get3A_669] {strides = array<i32>} : memref<5x128x128xf32, #tpu.memory_space<vmem>>, vector<16xf32>,
        %mul3A_671 = arith.constant 11.3137083 : f32
        %mul3A_672 = vector.broadcast %mul3A_671 : f32 to vector<16xf32>
        %mul3A_673 = arith.mulf %get3A_670, %mul3A_672 : vector<16xf32>
        %mul3A_674 = arith.constant 2 : i32
        %mul3A_675 = arith.muli %scan3A_599, %mul3A_674 : i32
        %add3A_676 = arith.constant 0 : i32
        %add3A_677 = arith.addi %mul3A_675, %add3A_676 : i32
        %swap3A_678 = arith.constant 3 : i32
        %swap3A_679 = arith.index_cast %swap3A_678 : i32 to index
        %swap3A_680 = arith.index_cast %add3A_677 : i32 to index
        %swap3A_681 = arith.constant 48 : index
        %swap3A_682 = tpu.vector_load %arg7[%swap3A_679, %swap3A_680, %swap3A_681] {strides = array<i32>} : memref<5x128x128xf32, #tpu.memory_space<vmem>>, vector<16xf32>,
        tpu.vector_store %arg7[%swap3A_679, %swap3A_680, %swap3A_681], %mul3A_673 {strides = array<i32>} : memref<5x128x128xf32, #tpu.memory_space<vmem>>, vector<16xf32>,
        %mul3A_683 = arith.constant 2 : i32
        %mul3A_684 = arith.muli %scan3A_599, %mul3A_683 : i32
        %add3A_685 = arith.constant 0 : i32
        %add3A_686 = arith.addi %mul3A_684, %add3A_685 : i32
        %get3A_687 = arith.constant 3 : i32
        %get3A_688 = arith.index_cast %get3A_687 : i32 to index
        %get3A_689 = arith.index_cast %add3A_686 : i32 to index
        %get3A_690 = arith.constant 64 : index
        %get3A_691 = tpu.vector_load %arg7[%get3A_688, %get3A_689, %get3A_690] {strides = array<i32>} : memref<5x128x128xf32, #tpu.memory_space<vmem>>, vector<16xf32>,
        %mul3A_692 = arith.constant 11.3137083 : f32
        %mul3A_693 = vector.broadcast %mul3A_692 : f32 to vector<16xf32>
        %mul3A_694 = arith.mulf %get3A_691, %mul3A_693 : vector<16xf32>
        %mul3A_695 = arith.constant 2 : i32
        %mul3A_696 = arith.muli %scan3A_599, %mul3A_695 : i32
        %add3A_697 = arith.constant 0 : i32
        %add3A_698 = arith.addi %mul3A_696, %add3A_697 : i32
        %swap3A_699 = arith.constant 3 : i32
        %swap3A_700 = arith.index_cast %swap3A_699 : i32 to index
        %swap3A_701 = arith.index_cast %add3A_698 : i32 to index
        %swap3A_702 = arith.constant 64 : index
        %swap3A_703 = tpu.vector_load %arg7[%swap3A_700, %swap3A_701, %swap3A_702] {strides = array<i32>} : memref<5x128x128xf32, #tpu.memory_space<vmem>>, vector<16xf32>,
        tpu.vector_store %arg7[%swap3A_700, %swap3A_701, %swap3A_702], %mul3A_694 {strides = array<i32>} : memref<5x128x128xf32, #tpu.memory_space<vmem>>, vector<16xf32>,
        %mul3A_704 = arith.constant 2 : i32
        %mul3A_705 = arith.muli %scan3A_599, %mul3A_704 : i32
        %add3A_706 = arith.constant 0 : i32
        %add3A_707 = arith.addi %mul3A_705, %add3A_706 : i32
        %get3A_708 = arith.constant 3 : i32
        %get3A_709 = arith.index_cast %get3A_708 : i32 to index
        %get3A_710 = arith.index_cast %add3A_707 : i32 to index
        %get3A_711 = arith.constant 80 : index
        %get3A_712 = tpu.vector_load %arg7[%get3A_709, %get3A_710, %get3A_711] {strides = array<i32>} : memref<5x128x128xf32, #tpu.memory_space<vmem>>, vector<16xf32>,
        %mul3A_713 = arith.constant 11.3137083 : f32
        %mul3A_714 = vector.broadcast %mul3A_713 : f32 to vector<16xf32>
        %mul3A_715 = arith.mulf %get3A_712, %mul3A_714 : vector<16xf32>
        %mul3A_716 = arith.constant 2 : i32
        %mul3A_717 = arith.muli %scan3A_599, %mul3A_716 : i32
        %add3A_718 = arith.constant 0 : i32
        %add3A_719 = arith.addi %mul3A_717, %add3A_718 : i32
        %swap3A_720 = arith.constant 3 : i32
        %swap3A_721 = arith.index_cast %swap3A_720 : i32 to index
        %swap3A_722 = arith.index_cast %add3A_719 : i32 to index
        %swap3A_723 = arith.constant 80 : index
        %swap3A_724 = tpu.vector_load %arg7[%swap3A_721, %swap3A_722, %swap3A_723] {strides = array<i32>} : memref<5x128x128xf32, #tpu.memory_space<vmem>>, vector<16xf32>,
        tpu.vector_store %arg7[%swap3A_721, %swap3A_722, %swap3A_723], %mul3A_715 {strides = array<i32>} : memref<5x128x128xf32, #tpu.memory_space<vmem>>, vector<16xf32>,
        %mul3A_725 = arith.constant 2 : i32
        %mul3A_726 = arith.muli %scan3A_599, %mul3A_725 : i32
        %add3A_727 = arith.constant 0 : i32
        %add3A_728 = arith.addi %mul3A_726, %add3A_727 : i32
        %get3A_729 = arith.constant 3 : i32
        %get3A_730 = arith.index_cast %get3A_729 : i32 to index
        %get3A_731 = arith.index_cast %add3A_728 : i32 to index
        %get3A_732 = arith.constant 96 : index
        %get3A_733 = tpu.vector_load %arg7[%get3A_730, %get3A_731, %get3A_732] {strides = array<i32>} : memref<5x128x128xf32, #tpu.memory_space<vmem>>, vector<16xf32>,
        %mul3A_734 = arith.constant 11.3137083 : f32
        %mul3A_735 = vector.broadcast %mul3A_734 : f32 to vector<16xf32>
        %mul3A_736 = arith.mulf %get3A_733, %mul3A_735 : vector<16xf32>
        %mul3A_737 = arith.constant 2 : i32
        %mul3A_738 = arith.muli %scan3A_599, %mul3A_737 : i32
        %add3A_739 = arith.constant 0 : i32
        %add3A_740 = arith.addi %mul3A_738, %add3A_739 : i32
        %swap3A_741 = arith.constant 3 : i32
        %swap3A_742 = arith.index_cast %swap3A_741 : i32 to index
        %swap3A_743 = arith.index_cast %add3A_740 : i32 to index
        %swap3A_744 = arith.constant 96 : index
        %swap3A_745 = tpu.vector_load %arg7[%swap3A_742, %swap3A_743, %swap3A_744] {strides = array<i32>} : memref<5x128x128xf32, #tpu.memory_space<vmem>>, vector<16xf32>,
        tpu.vector_store %arg7[%swap3A_742, %swap3A_743, %swap3A_744], %mul3A_736 {strides = array<i32>} : memref<5x128x128xf32, #tpu.memory_space<vmem>>, vector<16xf32>,
        %mul3A_746 = arith.constant 2 : i32
        %mul3A_747 = arith.muli %scan3A_599, %mul3A_746 : i32
        %add3A_748 = arith.constant 0 : i32
        %add3A_749 = arith.addi %mul3A_747, %add3A_748 : i32
        %get3A_750 = arith.constant 3 : i32
        %get3A_751 = arith.index_cast %get3A_750 : i32 to index
        %get3A_752 = arith.index_cast %add3A_749 : i32 to index
        %get3A_753 = arith.constant 112 : index
        %get3A_754 = tpu.vector_load %arg7[%get3A_751, %get3A_752, %get3A_753] {strides = array<i32>} : memref<5x128x128xf32, #tpu.memory_space<vmem>>, vector<16xf32>,
        %mul3A_755 = arith.constant 11.3137083 : f32
        %mul3A_756 = vector.broadcast %mul3A_755 : f32 to vector<16xf32>
        %mul3A_757 = arith.mulf %get3A_754, %mul3A_756 : vector<16xf32>
        %mul3A_758 = arith.constant 2 : i32
        %mul3A_759 = arith.muli %scan3A_599, %mul3A_758 : i32
        %add3A_760 = arith.constant 0 : i32
        %add3A_761 = arith.addi %mul3A_759, %add3A_760 : i32
        %swap3A_762 = arith.constant 3 : i32
        %swap3A_763 = arith.index_cast %swap3A_762 : i32 to index
        %swap3A_764 = arith.index_cast %add3A_761 : i32 to index
        %swap3A_765 = arith.constant 112 : index
        %swap3A_766 = tpu.vector_load %arg7[%swap3A_763, %swap3A_764, %swap3A_765] {strides = array<i32>} : memref<5x128x128xf32, #tpu.memory_space<vmem>>, vector<16xf32>,
        tpu.vector_store %arg7[%swap3A_763, %swap3A_764, %swap3A_765], %mul3A_757 {strides = array<i32>} : memref<5x128x128xf32, #tpu.memory_space<vmem>>, vector<16xf32>,
        %mul3A_767 = arith.constant 2 : i32
        %mul3A_768 = arith.muli %scan3A_599, %mul3A_767 : i32
        %add3A_769 = arith.constant 1 : i32
        %add3A_770 = arith.addi %mul3A_768, %add3A_769 : i32
        %get3A_771 = arith.constant 3 : i32
        %get3A_772 = arith.index_cast %get3A_771 : i32 to index
        %get3A_773 = arith.index_cast %add3A_770 : i32 to index
        %get3A_774 = arith.constant 0 : index
        %get3A_775 = tpu.vector_load %arg7[%get3A_772, %get3A_773, %get3A_774] {strides = array<i32>} : memref<5x128x128xf32, #tpu.memory_space<vmem>>, vector<16xf32>,
        %mul3A_776 = arith.constant 11.3137083 : f32
        %mul3A_777 = vector.broadcast %mul3A_776 : f32 to vector<16xf32>
        %mul3A_778 = arith.mulf %get3A_775, %mul3A_777 : vector<16xf32>
        %mul3A_779 = arith.constant 2 : i32
        %mul3A_780 = arith.muli %scan3A_599, %mul3A_779 : i32
        %add3A_781 = arith.constant 1 : i32
        %add3A_782 = arith.addi %mul3A_780, %add3A_781 : i32
        %swap3A_783 = arith.constant 3 : i32
        %swap3A_784 = arith.index_cast %swap3A_783 : i32 to index
        %swap3A_785 = arith.index_cast %add3A_782 : i32 to index
        %swap3A_786 = arith.constant 0 : index
        %swap3A_787 = tpu.vector_load %arg7[%swap3A_784, %swap3A_785, %swap3A_786] {strides = array<i32>} : memref<5x128x128xf32, #tpu.memory_space<vmem>>, vector<16xf32>,
        tpu.vector_store %arg7[%swap3A_784, %swap3A_785, %swap3A_786], %mul3A_778 {strides = array<i32>} : memref<5x128x128xf32, #tpu.memory_space<vmem>>, vector<16xf32>,
        %mul3A_788 = arith.constant 2 : i32
        %mul3A_789 = arith.muli %scan3A_599, %mul3A_788 : i32
        %add3A_790 = arith.constant 1 : i32
        %add3A_791 = arith.addi %mul3A_789, %add3A_790 : i32
        %get3A_792 = arith.constant 3 : i32
        %get3A_793 = arith.index_cast %get3A_792 : i32 to index
        %get3A_794 = arith.index_cast %add3A_791 : i32 to index
        %get3A_795 = arith.constant 16 : index
        %get3A_796 = tpu.vector_load %arg7[%get3A_793, %get3A_794, %get3A_795] {strides = array<i32>} : memref<5x128x128xf32, #tpu.memory_space<vmem>>, vector<16xf32>,
        %mul3A_797 = arith.constant 11.3137083 : f32
        %mul3A_798 = vector.broadcast %mul3A_797 : f32 to vector<16xf32>
        %mul3A_799 = arith.mulf %get3A_796, %mul3A_798 : vector<16xf32>
        %mul3A_800 = arith.constant 2 : i32
        %mul3A_801 = arith.muli %scan3A_599, %mul3A_800 : i32
        %add3A_802 = arith.constant 1 : i32
        %add3A_803 = arith.addi %mul3A_801, %add3A_802 : i32
        %swap3A_804 = arith.constant 3 : i32
        %swap3A_805 = arith.index_cast %swap3A_804 : i32 to index
        %swap3A_806 = arith.index_cast %add3A_803 : i32 to index
        %swap3A_807 = arith.constant 16 : index
        %swap3A_808 = tpu.vector_load %arg7[%swap3A_805, %swap3A_806, %swap3A_807] {strides = array<i32>} : memref<5x128x128xf32, #tpu.memory_space<vmem>>, vector<16xf32>,
        tpu.vector_store %arg7[%swap3A_805, %swap3A_806, %swap3A_807], %mul3A_799 {strides = array<i32>} : memref<5x128x128xf32, #tpu.memory_space<vmem>>, vector<16xf32>,
        %mul3A_809 = arith.constant 2 : i32
        %mul3A_810 = arith.muli %scan3A_599, %mul3A_809 : i32
        %add3A_811 = arith.constant 1 : i32
        %add3A_812 = arith.addi %mul3A_810, %add3A_811 : i32
        %get3A_813 = arith.constant 3 : i32
        %get3A_814 = arith.index_cast %get3A_813 : i32 to index
        %get3A_815 = arith.index_cast %add3A_812 : i32 to index
        %get3A_816 = arith.constant 32 : index
        %get3A_817 = tpu.vector_load %arg7[%get3A_814, %get3A_815, %get3A_816] {strides = array<i32>} : memref<5x128x128xf32, #tpu.memory_space<vmem>>, vector<16xf32>,
        %mul3A_818 = arith.constant 11.3137083 : f32
        %mul3A_819 = vector.broadcast %mul3A_818 : f32 to vector<16xf32>
        %mul3A_820 = arith.mulf %get3A_817, %mul3A_819 : vector<16xf32>
        %mul3A_821 = arith.constant 2 : i32
        %mul3A_822 = arith.muli %scan3A_599, %mul3A_821 : i32
        %add3A_823 = arith.constant 1 : i32
        %add3A_824 = arith.addi %mul3A_822, %add3A_823 : i32
        %swap3A_825 = arith.constant 3 : i32
        %swap3A_826 = arith.index_cast %swap3A_825 : i32 to index
        %swap3A_827 = arith.index_cast %add3A_824 : i32 to index
        %swap3A_828 = arith.constant 32 : index
        %swap3A_829 = tpu.vector_load %arg7[%swap3A_826, %swap3A_827, %swap3A_828] {strides = array<i32>} : memref<5x128x128xf32, #tpu.memory_space<vmem>>, vector<16xf32>,
        tpu.vector_store %arg7[%swap3A_826, %swap3A_827, %swap3A_828], %mul3A_820 {strides = array<i32>} : memref<5x128x128xf32, #tpu.memory_space<vmem>>, vector<16xf32>,
        %mul3A_830 = arith.constant 2 : i32
        %mul3A_831 = arith.muli %scan3A_599, %mul3A_830 : i32
        %add3A_832 = arith.constant 1 : i32
        %add3A_833 = arith.addi %mul3A_831, %add3A_832 : i32
        %get3A_834 = arith.constant 3 : i32
        %get3A_835 = arith.index_cast %get3A_834 : i32 to index
        %get3A_836 = arith.index_cast %add3A_833 : i32 to index
        %get3A_837 = arith.constant 48 : index
        %get3A_838 = tpu.vector_load %arg7[%get3A_835, %get3A_836, %get3A_837] {strides = array<i32>} : memref<5x128x128xf32, #tpu.memory_space<vmem>>, vector<16xf32>,
        %mul3A_839 = arith.constant 11.3137083 : f32
        %mul3A_840 = vector.broadcast %mul3A_839 : f32 to vector<16xf32>
        %mul3A_841 = arith.mulf %get3A_838, %mul3A_840 : vector<16xf32>
        %mul3A_842 = arith.constant 2 : i32
        %mul3A_843 = arith.muli %scan3A_599, %mul3A_842 : i32
        %add3A_844 = arith.constant 1 : i32
        %add3A_845 = arith.addi %mul3A_843, %add3A_844 : i32
        %swap3A_846 = arith.constant 3 : i32
        %swap3A_847 = arith.index_cast %swap3A_846 : i32 to index
        %swap3A_848 = arith.index_cast %add3A_845 : i32 to index
        %swap3A_849 = arith.constant 48 : index
        %swap3A_850 = tpu.vector_load %arg7[%swap3A_847, %swap3A_848, %swap3A_849] {strides = array<i32>} : memref<5x128x128xf32, #tpu.memory_space<vmem>>, vector<16xf32>,
        tpu.vector_store %arg7[%swap3A_847, %swap3A_848, %swap3A_849], %mul3A_841 {strides = array<i32>} : memref<5x128x128xf32, #tpu.memory_space<vmem>>, vector<16xf32>,
        %mul3A_851 = arith.constant 2 : i32
        %mul3A_852 = arith.muli %scan3A_599, %mul3A_851 : i32
        %add3A_853 = arith.constant 1 : i32
        %add3A_854 = arith.addi %mul3A_852, %add3A_853 : i32
        %get3A_855 = arith.constant 3 : i32
        %get3A_856 = arith.index_cast %get3A_855 : i32 to index
        %get3A_857 = arith.index_cast %add3A_854 : i32 to index
        %get3A_858 = arith.constant 64 : index
        %get3A_859 = tpu.vector_load %arg7[%get3A_856, %get3A_857, %get3A_858] {strides = array<i32>} : memref<5x128x128xf32, #tpu.memory_space<vmem>>, vector<16xf32>,
        %mul3A_860 = arith.constant 11.3137083 : f32
        %mul3A_861 = vector.broadcast %mul3A_860 : f32 to vector<16xf32>
        %mul3A_862 = arith.mulf %get3A_859, %mul3A_861 : vector<16xf32>
        %mul3A_863 = arith.constant 2 : i32
        %mul3A_864 = arith.muli %scan3A_599, %mul3A_863 : i32
        %add3A_865 = arith.constant 1 : i32
        %add3A_866 = arith.addi %mul3A_864, %add3A_865 : i32
        %swap3A_867 = arith.constant 3 : i32
        %swap3A_868 = arith.index_cast %swap3A_867 : i32 to index
        %swap3A_869 = arith.index_cast %add3A_866 : i32 to index
        %swap3A_870 = arith.constant 64 : index
        %swap3A_871 = tpu.vector_load %arg7[%swap3A_868, %swap3A_869, %swap3A_870] {strides = array<i32>} : memref<5x128x128xf32, #tpu.memory_space<vmem>>, vector<16xf32>,
        tpu.vector_store %arg7[%swap3A_868, %swap3A_869, %swap3A_870], %mul3A_862 {strides = array<i32>} : memref<5x128x128xf32, #tpu.memory_space<vmem>>, vector<16xf32>,
        %mul3A_872 = arith.constant 2 : i32
        %mul3A_873 = arith.muli %scan3A_599, %mul3A_872 : i32
        %add3A_874 = arith.constant 1 : i32
        %add3A_875 = arith.addi %mul3A_873, %add3A_874 : i32
        %get3A_876 = arith.constant 3 : i32
        %get3A_877 = arith.index_cast %get3A_876 : i32 to index
        %get3A_878 = arith.index_cast %add3A_875 : i32 to index
        %get3A_879 = arith.constant 80 : index
        %get3A_880 = tpu.vector_load %arg7[%get3A_877, %get3A_878, %get3A_879] {strides = array<i32>} : memref<5x128x128xf32, #tpu.memory_space<vmem>>, vector<16xf32>,
        %mul3A_881 = arith.constant 11.3137083 : f32
        %mul3A_882 = vector.broadcast %mul3A_881 : f32 to vector<16xf32>
        %mul3A_883 = arith.mulf %get3A_880, %mul3A_882 : vector<16xf32>
        %mul3A_884 = arith.constant 2 : i32
        %mul3A_885 = arith.muli %scan3A_599, %mul3A_884 : i32
        %add3A_886 = arith.constant 1 : i32
        %add3A_887 = arith.addi %mul3A_885, %add3A_886 : i32
        %swap3A_888 = arith.constant 3 : i32
        %swap3A_889 = arith.index_cast %swap3A_888 : i32 to index
        %swap3A_890 = arith.index_cast %add3A_887 : i32 to index
        %swap3A_891 = arith.constant 80 : index
        %swap3A_892 = tpu.vector_load %arg7[%swap3A_889, %swap3A_890, %swap3A_891] {strides = array<i32>} : memref<5x128x128xf32, #tpu.memory_space<vmem>>, vector<16xf32>,
        tpu.vector_store %arg7[%swap3A_889, %swap3A_890, %swap3A_891], %mul3A_883 {strides = array<i32>} : memref<5x128x128xf32, #tpu.memory_space<vmem>>, vector<16xf32>,
        %mul3A_893 = arith.constant 2 : i32
        %mul3A_894 = arith.muli %scan3A_599, %mul3A_893 : i32
        %add3A_895 = arith.constant 1 : i32
        %add3A_896 = arith.addi %mul3A_894, %add3A_895 : i32
        %get3A_897 = arith.constant 3 : i32
        %get3A_898 = arith.index_cast %get3A_897 : i32 to index
        %get3A_899 = arith.index_cast %add3A_896 : i32 to index
        %get3A_900 = arith.constant 96 : index
        %get3A_901 = tpu.vector_load %arg7[%get3A_898, %get3A_899, %get3A_900] {strides = array<i32>} : memref<5x128x128xf32, #tpu.memory_space<vmem>>, vector<16xf32>,
        %mul3A_902 = arith.constant 11.3137083 : f32
        %mul3A_903 = vector.broadcast %mul3A_902 : f32 to vector<16xf32>
        %mul3A_904 = arith.mulf %get3A_901, %mul3A_903 : vector<16xf32>
        %mul3A_905 = arith.constant 2 : i32
        %mul3A_906 = arith.muli %scan3A_599, %mul3A_905 : i32
        %add3A_907 = arith.constant 1 : i32
        %add3A_908 = arith.addi %mul3A_906, %add3A_907 : i32
        %swap3A_909 = arith.constant 3 : i32
        %swap3A_910 = arith.index_cast %swap3A_909 : i32 to index
        %swap3A_911 = arith.index_cast %add3A_908 : i32 to index
        %swap3A_912 = arith.constant 96 : index
        %swap3A_913 = tpu.vector_load %arg7[%swap3A_910, %swap3A_911, %swap3A_912] {strides = array<i32>} : memref<5x128x128xf32, #tpu.memory_space<vmem>>, vector<16xf32>,
        tpu.vector_store %arg7[%swap3A_910, %swap3A_911, %swap3A_912], %mul3A_904 {strides = array<i32>} : memref<5x128x128xf32, #tpu.memory_space<vmem>>, vector<16xf32>,
        %mul3A_914 = arith.constant 2 : i32
        %mul3A_915 = arith.muli %scan3A_599, %mul3A_914 : i32
        %add3A_916 = arith.constant 1 : i32
        %add3A_917 = arith.addi %mul3A_915, %add3A_916 : i32
        %get3A_918 = arith.constant 3 : i32
        %get3A_919 = arith.index_cast %get3A_918 : i32 to index
        %get3A_920 = arith.index_cast %add3A_917 : i32 to index
        %get3A_921 = arith.constant 112 : index
        %get3A_922 = tpu.vector_load %arg7[%get3A_919, %get3A_920, %get3A_921] {strides = array<i32>} : memref<5x128x128xf32, #tpu.memory_space<vmem>>, vector<16xf32>,
        %mul3A_923 = arith.constant 11.3137083 : f32
        %mul3A_924 = vector.broadcast %mul3A_923 : f32 to vector<16xf32>
        %mul3A_925 = arith.mulf %get3A_922, %mul3A_924 : vector<16xf32>
        %mul3A_926 = arith.constant 2 : i32
        %mul3A_927 = arith.muli %scan3A_599, %mul3A_926 : i32
        %add3A_928 = arith.constant 1 : i32
        %add3A_929 = arith.addi %mul3A_927, %add3A_928 : i32
        %swap3A_930 = arith.constant 3 : i32
        %swap3A_931 = arith.index_cast %swap3A_930 : i32 to index
        %swap3A_932 = arith.index_cast %add3A_929 : i32 to index
        %swap3A_933 = arith.constant 112 : index
        %swap3A_934 = tpu.vector_load %arg7[%swap3A_931, %swap3A_932, %swap3A_933] {strides = array<i32>} : memref<5x128x128xf32, #tpu.memory_space<vmem>>, vector<16xf32>,
        tpu.vector_store %arg7[%swap3A_931, %swap3A_932, %swap3A_933], %mul3A_925 {strides = array<i32>} : memref<5x128x128xf32, #tpu.memory_space<vmem>>, vector<16xf32>,
      }
      %scan3A_502 = arith.constant 64 : i32
      %dma_start3A_503 = arith.constant 3 : i32
      %dma_start3A_504 = arith.constant 3 : i32
      %dma_start3A_505 = arith.constant 0 : i32
      %dma_start3A_506 = arith.constant 0 : i32
      %dma_start3A_507 = tpu.memref_slice %arg7[%dma_start3A_503, %dma_start3A_505, %dma_start3A_506] : memref<5x128x128xf32, #tpu.memory_space<vmem>> -> memref<1x128x128xf32, #tpu.memory_space<vmem>>
      %dma_start3A_508 = tpu.memref_squeeze %dma_start3A_507 : memref<1x128x128xf32, #tpu.memory_space<vmem>> -> memref<128x128xf32, #tpu.memory_space<vmem>>
      %dma_start3A_509 = arith.constant 0 : i32
      %dma_start3A_510 = arith.constant 0 : i32
      %dma_start3A_511 = tpu.memref_slice %arg4[%add3A_482, %dma_start3A_509, %dma_start3A_510] : memref<50x4096x128xf32, #tpu.memory_space<hbm>> -> memref<1x4096x128xf32, #tpu.memory_space<hbm>>
      %dma_start3A_512 = tpu.memref_squeeze %dma_start3A_511 : memref<1x4096x128xf32, #tpu.memory_space<hbm>> -> memref<4096x128xf32, #tpu.memory_space<hbm>>
      %dma_start3A_513 = arith.constant 0 : i32
      %dma_start3A_514 = tpu.memref_slice %dma_start3A_512[%mul3A_4, %dma_start3A_513] : memref<4096x128xf32, #tpu.memory_space<hbm>> -> memref<128x128xf32, #tpu.memory_space<hbm>>
      %dma_start3A_515 = tpu.memref_slice %arg9[%dma_start3A_504] : memref<5x!tpu.dma_semaphore, #tpu.memory_space<semaphore_mem>> -> memref<1x!tpu.dma_semaphore, #tpu.memory_space<semaphore_mem>>
      %dma_start3A_516 = tpu.memref_squeeze %dma_start3A_515 : memref<1x!tpu.dma_semaphore, #tpu.memory_space<semaphore_mem>> -> memref<!tpu.dma_semaphore, #tpu.memory_space<semaphore_mem>>
      %dma_start3A_517 = arith.constant 0 : i32
      %dma_start3A_518 = arith.constant 0 : i32
      %dma_start3A_519 = tpu.memref_slice %arg4[%add3A_482, %dma_start3A_517, %dma_start3A_518] : memref<50x4096x128xf32, #tpu.memory_space<hbm>> -> memref<1x4096x128xf32, #tpu.memory_space<hbm>>
      %dma_start3A_520 = tpu.memref_squeeze %dma_start3A_519 : memref<1x4096x128xf32, #tpu.memory_space<hbm>> -> memref<4096x128xf32, #tpu.memory_space<hbm>>
      %dma_start3A_521 = arith.constant 0 : i32
      %dma_start3A_522 = tpu.memref_slice %dma_start3A_520[%mul3A_4, %dma_start3A_521] : memref<4096x128xf32, #tpu.memory_space<hbm>> -> memref<128x128xf32, #tpu.memory_space<hbm>>
      %dma_start3A_523 = arith.constant 0 : i32
      %dma_start3A_524 = arith.constant 0 : i32
      %dma_start3A_525 = tpu.memref_slice %arg7[%dma_start3A_503, %dma_start3A_523, %dma_start3A_524] : memref<5x128x128xf32, #tpu.memory_space<vmem>> -> memref<1x128x128xf32, #tpu.memory_space<vmem>>
      %dma_start3A_526 = tpu.memref_squeeze %dma_start3A_525 : memref<1x128x128xf32, #tpu.memory_space<vmem>> -> memref<128x128xf32, #tpu.memory_space<vmem>>
      tpu.enqueue_dma source(%dma_start3A_526 : memref<128x128xf32, #tpu.memory_space<vmem>>) target(%dma_start3A_522 : memref<128x128xf32, #tpu.memory_space<hbm>>) target_semaphore(%dma_start3A_516 : memref<!tpu.dma_semaphore, #tpu.memory_space<semaphore_mem>>)
      %ge3A_527 = arith.constant 2 : i32
      %ge3A_528 = arith.cmpi sge, %add3A_482, %ge3A_527 : i32
      %convert_element_type3A_529 = arith.extui %ge3A_528 : i1 to i32
      %cond3A_530 = arith.constant 0 : i32
      %cond3A_531 = arith.cmpi ne, %convert_element_type3A_529, %cond3A_530 : i32
      scf.if %cond3A_531 {
        %sub3A = arith.constant 2 : i32
        %sub3A_599 = arith.subi %add3A_482, %sub3A : i32
        %dma_wait3A_600 = arith.constant 1 : i32
        %dma_wait3A_601 = arith.constant 1 : i32
        %dma_wait3A_602 = arith.constant 0 : i32
        %dma_wait3A_603 = arith.constant 0 : i32
        %dma_wait3A_604 = tpu.memref_slice %arg7[%dma_wait3A_600, %dma_wait3A_602, %dma_wait3A_603] : memref<5x128x128xf32, #tpu.memory_space<vmem>> -> memref<1x128x128xf32, #tpu.memory_space<vmem>>
        %dma_wait3A_605 = tpu.memref_squeeze %dma_wait3A_604 : memref<1x128x128xf32, #tpu.memory_space<vmem>> -> memref<128x128xf32, #tpu.memory_space<vmem>>
        %dma_wait3A_606 = arith.constant 0 : i32
        %dma_wait3A_607 = arith.constant 0 : i32
        %dma_wait3A_608 = tpu.memref_slice %arg4[%sub3A_599, %dma_wait3A_606, %dma_wait3A_607] : memref<50x4096x128xf32, #tpu.memory_space<hbm>> -> memref<1x4096x128xf32, #tpu.memory_space<hbm>>
        %dma_wait3A_609 = tpu.memref_squeeze %dma_wait3A_608 : memref<1x4096x128xf32, #tpu.memory_space<hbm>> -> memref<4096x128xf32, #tpu.memory_space<hbm>>
        %dma_wait3A_610 = arith.constant 0 : i32
        %dma_wait3A_611 = tpu.memref_slice %dma_wait3A_609[%mul3A_4, %dma_wait3A_610] : memref<4096x128xf32, #tpu.memory_space<hbm>> -> memref<128x128xf32, #tpu.memory_space<hbm>>
        %dma_wait3A_612 = tpu.memref_slice %arg9[%dma_wait3A_601] : memref<5x!tpu.dma_semaphore, #tpu.memory_space<semaphore_mem>> -> memref<1x!tpu.dma_semaphore, #tpu.memory_space<semaphore_mem>>
        %dma_wait3A_613 = tpu.memref_squeeze %dma_wait3A_612 : memref<1x!tpu.dma_semaphore, #tpu.memory_space<semaphore_mem>> -> memref<!tpu.dma_semaphore, #tpu.memory_space<semaphore_mem>>
        %dma_wait3A_614 = arith.constant 0 : i32
        %dma_wait3A_615 = arith.constant 0 : i32
        %dma_wait3A_616 = tpu.memref_slice %arg4[%sub3A_599, %dma_wait3A_614, %dma_wait3A_615] : memref<50x4096x128xf32, #tpu.memory_space<hbm>> -> memref<1x4096x128xf32, #tpu.memory_space<hbm>>
        %dma_wait3A_617 = tpu.memref_squeeze %dma_wait3A_616 : memref<1x4096x128xf32, #tpu.memory_space<hbm>> -> memref<4096x128xf32, #tpu.memory_space<hbm>>
        %dma_wait3A_618 = arith.constant 0 : i32
        %dma_wait3A_619 = tpu.memref_slice %dma_wait3A_617[%mul3A_4, %dma_wait3A_618] : memref<4096x128xf32, #tpu.memory_space<hbm>> -> memref<128x128xf32, #tpu.memory_space<hbm>>
        %dma_wait3A_620 = arith.constant 0 : i32
        %dma_wait3A_621 = arith.constant 0 : i32
        %dma_wait3A_622 = tpu.memref_slice %arg7[%dma_wait3A_600, %dma_wait3A_620, %dma_wait3A_621] : memref<5x128x128xf32, #tpu.memory_space<vmem>> -> memref<1x128x128xf32, #tpu.memory_space<vmem>>
        %dma_wait3A_623 = tpu.memref_squeeze %dma_wait3A_622 : memref<1x128x128xf32, #tpu.memory_space<vmem>> -> memref<128x128xf32, #tpu.memory_space<vmem>>
        tpu.wait_dma2 semaphore(%dma_wait3A_613 : memref<!tpu.dma_semaphore, #tpu.memory_space<semaphore_mem>>) src(%dma_wait3A_623 : memref<128x128xf32, #tpu.memory_space<vmem>>) dst(%dma_wait3A_619 : memref<128x128xf32, #tpu.memory_space<hbm>>)
      } else {
      }
      %add3A_532 = arith.constant 3 : i32
      %add3A_533 = arith.addi %add3A_482, %add3A_532 : i32
      %lt3A_534 = arith.constant 50 : i32
      %lt3A_535 = arith.cmpi slt, %add3A_533, %lt3A_534 : i32
      %convert_element_type3A_536 = arith.extui %lt3A_535 : i1 to i32
      %cond3A_537 = arith.constant 0 : i32
      %cond3A_538 = arith.cmpi ne, %convert_element_type3A_536, %cond3A_537 : i32
      scf.if %cond3A_538 {
        %add3A_599 = arith.constant 3 : i32
        %add3A_600 = arith.addi %add3A_482, %add3A_599 : i32
        %dma_start3A_601 = arith.constant 1 : i32
        %dma_start3A_602 = arith.constant 1 : i32
        %dma_start3A_603 = arith.constant 0 : i32
        %dma_start3A_604 = arith.constant 0 : i32
        %dma_start3A_605 = tpu.memref_slice %arg7[%dma_start3A_601, %dma_start3A_603, %dma_start3A_604] : memref<5x128x128xf32, #tpu.memory_space<vmem>> -> memref<1x128x128xf32, #tpu.memory_space<vmem>>
        %dma_start3A_606 = tpu.memref_squeeze %dma_start3A_605 : memref<1x128x128xf32, #tpu.memory_space<vmem>> -> memref<128x128xf32, #tpu.memory_space<vmem>>
        %dma_start3A_607 = arith.constant 0 : i32
        %dma_start3A_608 = tpu.memref_slice %arg6[%add3A_600, %dma_start3A_607] : memref<50x128xi32, #tpu.memory_space<vmem>> -> memref<1x128xi32, #tpu.memory_space<vmem>>
        %dma_start3A_609 = tpu.memref_squeeze %dma_start3A_608 : memref<1x128xi32, #tpu.memory_space<vmem>> -> memref<128xi32, #tpu.memory_space<vmem>>
        %dma_start3A_610 = arith.constant 0 : i32
        %dma_start3A_611 = arith.constant 0 : i32
        %dma_start3A_612 = tpu.memref_slice %arg3[%dma_start3A_610, %dma_start3A_611] : memref<100000x128xf32, #tpu.memory_space<hbm>> -> memref<100000x128xf32, #tpu.memory_space<hbm>>
        %dma_start3A_613 = tpu.memref_slice %arg8[%dma_start3A_602] : memref<5x!tpu.dma_semaphore, #tpu.memory_space<semaphore_mem>> -> memref<1x!tpu.dma_semaphore, #tpu.memory_space<semaphore_mem>>
        %dma_start3A_614 = tpu.memref_squeeze %dma_start3A_613 : memref<1x!tpu.dma_semaphore, #tpu.memory_space<semaphore_mem>> -> memref<!tpu.dma_semaphore, #tpu.memory_space<semaphore_mem>>
        tpu.enqueue_indirect_dma source(%dma_start3A_612 : memref<100000x128xf32, #tpu.memory_space<hbm>>) target(%dma_start3A_606 : memref<128x128xf32, #tpu.memory_space<vmem>>) offsets(%dma_start3A_609 : memref<128xi32, #tpu.memory_space<vmem>>) semaphore(%dma_start3A_614 : memref<!tpu.dma_semaphore, #tpu.memory_space<semaphore_mem>>)
      } else {
      }
      %mul3A_539 = arith.constant 5 : i32
      %mul3A_540 = arith.muli %scan3A_302, %mul3A_539 : i32
      %add3A_541 = arith.constant 4 : i32
      %add3A_542 = arith.addi %mul3A_540, %add3A_541 : i32
      %dma_wait3A_543 = arith.constant 4 : i32
      %dma_wait3A_544 = arith.constant 4 : i32
      %dma_wait3A_545 = arith.constant 0 : i32
      %dma_wait3A_546 = arith.constant 0 : i32
      %dma_wait3A_547 = tpu.memref_slice %arg7[%dma_wait3A_543, %dma_wait3A_545, %dma_wait3A_546] : memref<5x128x128xf32, #tpu.memory_space<vmem>> -> memref<1x128x128xf32, #tpu.memory_space<vmem>>
      %dma_wait3A_548 = tpu.memref_squeeze %dma_wait3A_547 : memref<1x128x128xf32, #tpu.memory_space<vmem>> -> memref<128x128xf32, #tpu.memory_space<vmem>>
      %dma_wait3A_549 = arith.constant 0 : i32
      %dma_wait3A_550 = tpu.memref_slice %arg6[%add3A_542, %dma_wait3A_549] : memref<50x128xi32, #tpu.memory_space<vmem>> -> memref<1x128xi32, #tpu.memory_space<vmem>>
      %dma_wait3A_551 = tpu.memref_squeeze %dma_wait3A_550 : memref<1x128xi32, #tpu.memory_space<vmem>> -> memref<128xi32, #tpu.memory_space<vmem>>
      %dma_wait3A_552 = arith.constant 0 : i32
      %dma_wait3A_553 = arith.constant 0 : i32
      %dma_wait3A_554 = tpu.memref_slice %arg3[%dma_wait3A_552, %dma_wait3A_553] : memref<100000x128xf32, #tpu.memory_space<hbm>> -> memref<100000x128xf32, #tpu.memory_space<hbm>>
      %dma_wait3A_555 = tpu.memref_slice %arg8[%dma_wait3A_544] : memref<5x!tpu.dma_semaphore, #tpu.memory_space<semaphore_mem>> -> memref<1x!tpu.dma_semaphore, #tpu.memory_space<semaphore_mem>>
      %dma_wait3A_556 = tpu.memref_squeeze %dma_wait3A_555 : memref<1x!tpu.dma_semaphore, #tpu.memory_space<semaphore_mem>> -> memref<!tpu.dma_semaphore, #tpu.memory_space<semaphore_mem>>
      tpu.wait_indirect_dma semaphore(%dma_wait3A_556 : memref<!tpu.dma_semaphore, #tpu.memory_space<semaphore_mem>>) src(%dma_wait3A_554 : memref<100000x128xf32, #tpu.memory_space<hbm>>) dst(%dma_wait3A_548 : memref<128x128xf32, #tpu.memory_space<vmem>>)
      %scan3A_557 = arith.constant 0 : i32
      %scan3A_558 = arith.constant 0 : i32
      %scan3A_559 = arith.constant 64 : i32
      %scan3A_560 = arith.addi %scan3A_558, %scan3A_559 : i32
      %scan3A_561 = arith.constant 1 : i32
      scf.for %scan3A_599 = %scan3A_558 to %scan3A_560 step %scan3A_561  : i32 {
        %mul3A_600 = arith.constant 2 : i32
        %mul3A_601 = arith.muli %scan3A_599, %mul3A_600 : i32
        %add3A_602 = arith.constant 0 : i32
        %add3A_603 = arith.addi %mul3A_601, %add3A_602 : i32
        %get3A = arith.constant 4 : i32
        %get3A_604 = arith.index_cast %get3A : i32 to index
        %get3A_605 = arith.index_cast %add3A_603 : i32 to index
        %get3A_606 = arith.constant 0 : index
        %get3A_607 = tpu.vector_load %arg7[%get3A_604, %get3A_605, %get3A_606] {strides = array<i32>} : memref<5x128x128xf32, #tpu.memory_space<vmem>>, vector<16xf32>,
        %mul3A_608 = arith.constant 11.3137083 : f32
        %mul3A_609 = vector.broadcast %mul3A_608 : f32 to vector<16xf32>
        %mul3A_610 = arith.mulf %get3A_607, %mul3A_609 : vector<16xf32>
        %mul3A_611 = arith.constant 2 : i32
        %mul3A_612 = arith.muli %scan3A_599, %mul3A_611 : i32
        %add3A_613 = arith.constant 0 : i32
        %add3A_614 = arith.addi %mul3A_612, %add3A_613 : i32
        %swap3A_615 = arith.constant 4 : i32
        %swap3A_616 = arith.index_cast %swap3A_615 : i32 to index
        %swap3A_617 = arith.index_cast %add3A_614 : i32 to index
        %swap3A_618 = arith.constant 0 : index
        %swap3A_619 = tpu.vector_load %arg7[%swap3A_616, %swap3A_617, %swap3A_618] {strides = array<i32>} : memref<5x128x128xf32, #tpu.memory_space<vmem>>, vector<16xf32>,
        tpu.vector_store %arg7[%swap3A_616, %swap3A_617, %swap3A_618], %mul3A_610 {strides = array<i32>} : memref<5x128x128xf32, #tpu.memory_space<vmem>>, vector<16xf32>,
        %mul3A_620 = arith.constant 2 : i32
        %mul3A_621 = arith.muli %scan3A_599, %mul3A_620 : i32
        %add3A_622 = arith.constant 0 : i32
        %add3A_623 = arith.addi %mul3A_621, %add3A_622 : i32
        %get3A_624 = arith.constant 4 : i32
        %get3A_625 = arith.index_cast %get3A_624 : i32 to index
        %get3A_626 = arith.index_cast %add3A_623 : i32 to index
        %get3A_627 = arith.constant 16 : index
        %get3A_628 = tpu.vector_load %arg7[%get3A_625, %get3A_626, %get3A_627] {strides = array<i32>} : memref<5x128x128xf32, #tpu.memory_space<vmem>>, vector<16xf32>,
        %mul3A_629 = arith.constant 11.3137083 : f32
        %mul3A_630 = vector.broadcast %mul3A_629 : f32 to vector<16xf32>
        %mul3A_631 = arith.mulf %get3A_628, %mul3A_630 : vector<16xf32>
        %mul3A_632 = arith.constant 2 : i32
        %mul3A_633 = arith.muli %scan3A_599, %mul3A_632 : i32
        %add3A_634 = arith.constant 0 : i32
        %add3A_635 = arith.addi %mul3A_633, %add3A_634 : i32
        %swap3A_636 = arith.constant 4 : i32
        %swap3A_637 = arith.index_cast %swap3A_636 : i32 to index
        %swap3A_638 = arith.index_cast %add3A_635 : i32 to index
        %swap3A_639 = arith.constant 16 : index
        %swap3A_640 = tpu.vector_load %arg7[%swap3A_637, %swap3A_638, %swap3A_639] {strides = array<i32>} : memref<5x128x128xf32, #tpu.memory_space<vmem>>, vector<16xf32>,
        tpu.vector_store %arg7[%swap3A_637, %swap3A_638, %swap3A_639], %mul3A_631 {strides = array<i32>} : memref<5x128x128xf32, #tpu.memory_space<vmem>>, vector<16xf32>,
        %mul3A_641 = arith.constant 2 : i32
        %mul3A_642 = arith.muli %scan3A_599, %mul3A_641 : i32
        %add3A_643 = arith.constant 0 : i32
        %add3A_644 = arith.addi %mul3A_642, %add3A_643 : i32
        %get3A_645 = arith.constant 4 : i32
        %get3A_646 = arith.index_cast %get3A_645 : i32 to index
        %get3A_647 = arith.index_cast %add3A_644 : i32 to index
        %get3A_648 = arith.constant 32 : index
        %get3A_649 = tpu.vector_load %arg7[%get3A_646, %get3A_647, %get3A_648] {strides = array<i32>} : memref<5x128x128xf32, #tpu.memory_space<vmem>>, vector<16xf32>,
        %mul3A_650 = arith.constant 11.3137083 : f32
        %mul3A_651 = vector.broadcast %mul3A_650 : f32 to vector<16xf32>
        %mul3A_652 = arith.mulf %get3A_649, %mul3A_651 : vector<16xf32>
        %mul3A_653 = arith.constant 2 : i32
        %mul3A_654 = arith.muli %scan3A_599, %mul3A_653 : i32
        %add3A_655 = arith.constant 0 : i32
        %add3A_656 = arith.addi %mul3A_654, %add3A_655 : i32
        %swap3A_657 = arith.constant 4 : i32
        %swap3A_658 = arith.index_cast %swap3A_657 : i32 to index
        %swap3A_659 = arith.index_cast %add3A_656 : i32 to index
        %swap3A_660 = arith.constant 32 : index
        %swap3A_661 = tpu.vector_load %arg7[%swap3A_658, %swap3A_659, %swap3A_660] {strides = array<i32>} : memref<5x128x128xf32, #tpu.memory_space<vmem>>, vector<16xf32>,
        tpu.vector_store %arg7[%swap3A_658, %swap3A_659, %swap3A_660], %mul3A_652 {strides = array<i32>} : memref<5x128x128xf32, #tpu.memory_space<vmem>>, vector<16xf32>,
        %mul3A_662 = arith.constant 2 : i32
        %mul3A_663 = arith.muli %scan3A_599, %mul3A_662 : i32
        %add3A_664 = arith.constant 0 : i32
        %add3A_665 = arith.addi %mul3A_663, %add3A_664 : i32
        %get3A_666 = arith.constant 4 : i32
        %get3A_667 = arith.index_cast %get3A_666 : i32 to index
        %get3A_668 = arith.index_cast %add3A_665 : i32 to index
        %get3A_669 = arith.constant 48 : index
        %get3A_670 = tpu.vector_load %arg7[%get3A_667, %get3A_668, %get3A_669] {strides = array<i32>} : memref<5x128x128xf32, #tpu.memory_space<vmem>>, vector<16xf32>,
        %mul3A_671 = arith.constant 11.3137083 : f32
        %mul3A_672 = vector.broadcast %mul3A_671 : f32 to vector<16xf32>
        %mul3A_673 = arith.mulf %get3A_670, %mul3A_672 : vector<16xf32>
        %mul3A_674 = arith.constant 2 : i32
        %mul3A_675 = arith.muli %scan3A_599, %mul3A_674 : i32
        %add3A_676 = arith.constant 0 : i32
        %add3A_677 = arith.addi %mul3A_675, %add3A_676 : i32
        %swap3A_678 = arith.constant 4 : i32
        %swap3A_679 = arith.index_cast %swap3A_678 : i32 to index
        %swap3A_680 = arith.index_cast %add3A_677 : i32 to index
        %swap3A_681 = arith.constant 48 : index
        %swap3A_682 = tpu.vector_load %arg7[%swap3A_679, %swap3A_680, %swap3A_681] {strides = array<i32>} : memref<5x128x128xf32, #tpu.memory_space<vmem>>, vector<16xf32>,
        tpu.vector_store %arg7[%swap3A_679, %swap3A_680, %swap3A_681], %mul3A_673 {strides = array<i32>} : memref<5x128x128xf32, #tpu.memory_space<vmem>>, vector<16xf32>,
        %mul3A_683 = arith.constant 2 : i32
        %mul3A_684 = arith.muli %scan3A_599, %mul3A_683 : i32
        %add3A_685 = arith.constant 0 : i32
        %add3A_686 = arith.addi %mul3A_684, %add3A_685 : i32
        %get3A_687 = arith.constant 4 : i32
        %get3A_688 = arith.index_cast %get3A_687 : i32 to index
        %get3A_689 = arith.index_cast %add3A_686 : i32 to index
        %get3A_690 = arith.constant 64 : index
        %get3A_691 = tpu.vector_load %arg7[%get3A_688, %get3A_689, %get3A_690] {strides = array<i32>} : memref<5x128x128xf32, #tpu.memory_space<vmem>>, vector<16xf32>,
        %mul3A_692 = arith.constant 11.3137083 : f32
        %mul3A_693 = vector.broadcast %mul3A_692 : f32 to vector<16xf32>
        %mul3A_694 = arith.mulf %get3A_691, %mul3A_693 : vector<16xf32>
        %mul3A_695 = arith.constant 2 : i32
        %mul3A_696 = arith.muli %scan3A_599, %mul3A_695 : i32
        %add3A_697 = arith.constant 0 : i32
        %add3A_698 = arith.addi %mul3A_696, %add3A_697 : i32
        %swap3A_699 = arith.constant 4 : i32
        %swap3A_700 = arith.index_cast %swap3A_699 : i32 to index
        %swap3A_701 = arith.index_cast %add3A_698 : i32 to index
        %swap3A_702 = arith.constant 64 : index
        %swap3A_703 = tpu.vector_load %arg7[%swap3A_700, %swap3A_701, %swap3A_702] {strides = array<i32>} : memref<5x128x128xf32, #tpu.memory_space<vmem>>, vector<16xf32>,
        tpu.vector_store %arg7[%swap3A_700, %swap3A_701, %swap3A_702], %mul3A_694 {strides = array<i32>} : memref<5x128x128xf32, #tpu.memory_space<vmem>>, vector<16xf32>,
        %mul3A_704 = arith.constant 2 : i32
        %mul3A_705 = arith.muli %scan3A_599, %mul3A_704 : i32
        %add3A_706 = arith.constant 0 : i32
        %add3A_707 = arith.addi %mul3A_705, %add3A_706 : i32
        %get3A_708 = arith.constant 4 : i32
        %get3A_709 = arith.index_cast %get3A_708 : i32 to index
        %get3A_710 = arith.index_cast %add3A_707 : i32 to index
        %get3A_711 = arith.constant 80 : index
        %get3A_712 = tpu.vector_load %arg7[%get3A_709, %get3A_710, %get3A_711] {strides = array<i32>} : memref<5x128x128xf32, #tpu.memory_space<vmem>>, vector<16xf32>,
        %mul3A_713 = arith.constant 11.3137083 : f32
        %mul3A_714 = vector.broadcast %mul3A_713 : f32 to vector<16xf32>
        %mul3A_715 = arith.mulf %get3A_712, %mul3A_714 : vector<16xf32>
        %mul3A_716 = arith.constant 2 : i32
        %mul3A_717 = arith.muli %scan3A_599, %mul3A_716 : i32
        %add3A_718 = arith.constant 0 : i32
        %add3A_719 = arith.addi %mul3A_717, %add3A_718 : i32
        %swap3A_720 = arith.constant 4 : i32
        %swap3A_721 = arith.index_cast %swap3A_720 : i32 to index
        %swap3A_722 = arith.index_cast %add3A_719 : i32 to index
        %swap3A_723 = arith.constant 80 : index
        %swap3A_724 = tpu.vector_load %arg7[%swap3A_721, %swap3A_722, %swap3A_723] {strides = array<i32>} : memref<5x128x128xf32, #tpu.memory_space<vmem>>, vector<16xf32>,
        tpu.vector_store %arg7[%swap3A_721, %swap3A_722, %swap3A_723], %mul3A_715 {strides = array<i32>} : memref<5x128x128xf32, #tpu.memory_space<vmem>>, vector<16xf32>,
        %mul3A_725 = arith.constant 2 : i32
        %mul3A_726 = arith.muli %scan3A_599, %mul3A_725 : i32
        %add3A_727 = arith.constant 0 : i32
        %add3A_728 = arith.addi %mul3A_726, %add3A_727 : i32
        %get3A_729 = arith.constant 4 : i32
        %get3A_730 = arith.index_cast %get3A_729 : i32 to index
        %get3A_731 = arith.index_cast %add3A_728 : i32 to index
        %get3A_732 = arith.constant 96 : index
        %get3A_733 = tpu.vector_load %arg7[%get3A_730, %get3A_731, %get3A_732] {strides = array<i32>} : memref<5x128x128xf32, #tpu.memory_space<vmem>>, vector<16xf32>,
        %mul3A_734 = arith.constant 11.3137083 : f32
        %mul3A_735 = vector.broadcast %mul3A_734 : f32 to vector<16xf32>
        %mul3A_736 = arith.mulf %get3A_733, %mul3A_735 : vector<16xf32>
        %mul3A_737 = arith.constant 2 : i32
        %mul3A_738 = arith.muli %scan3A_599, %mul3A_737 : i32
        %add3A_739 = arith.constant 0 : i32
        %add3A_740 = arith.addi %mul3A_738, %add3A_739 : i32
        %swap3A_741 = arith.constant 4 : i32
        %swap3A_742 = arith.index_cast %swap3A_741 : i32 to index
        %swap3A_743 = arith.index_cast %add3A_740 : i32 to index
        %swap3A_744 = arith.constant 96 : index
        %swap3A_745 = tpu.vector_load %arg7[%swap3A_742, %swap3A_743, %swap3A_744] {strides = array<i32>} : memref<5x128x128xf32, #tpu.memory_space<vmem>>, vector<16xf32>,
        tpu.vector_store %arg7[%swap3A_742, %swap3A_743, %swap3A_744], %mul3A_736 {strides = array<i32>} : memref<5x128x128xf32, #tpu.memory_space<vmem>>, vector<16xf32>,
        %mul3A_746 = arith.constant 2 : i32
        %mul3A_747 = arith.muli %scan3A_599, %mul3A_746 : i32
        %add3A_748 = arith.constant 0 : i32
        %add3A_749 = arith.addi %mul3A_747, %add3A_748 : i32
        %get3A_750 = arith.constant 4 : i32
        %get3A_751 = arith.index_cast %get3A_750 : i32 to index
        %get3A_752 = arith.index_cast %add3A_749 : i32 to index
        %get3A_753 = arith.constant 112 : index
        %get3A_754 = tpu.vector_load %arg7[%get3A_751, %get3A_752, %get3A_753] {strides = array<i32>} : memref<5x128x128xf32, #tpu.memory_space<vmem>>, vector<16xf32>,
        %mul3A_755 = arith.constant 11.3137083 : f32
        %mul3A_756 = vector.broadcast %mul3A_755 : f32 to vector<16xf32>
        %mul3A_757 = arith.mulf %get3A_754, %mul3A_756 : vector<16xf32>
        %mul3A_758 = arith.constant 2 : i32
        %mul3A_759 = arith.muli %scan3A_599, %mul3A_758 : i32
        %add3A_760 = arith.constant 0 : i32
        %add3A_761 = arith.addi %mul3A_759, %add3A_760 : i32
        %swap3A_762 = arith.constant 4 : i32
        %swap3A_763 = arith.index_cast %swap3A_762 : i32 to index
        %swap3A_764 = arith.index_cast %add3A_761 : i32 to index
        %swap3A_765 = arith.constant 112 : index
        %swap3A_766 = tpu.vector_load %arg7[%swap3A_763, %swap3A_764, %swap3A_765] {strides = array<i32>} : memref<5x128x128xf32, #tpu.memory_space<vmem>>, vector<16xf32>,
        tpu.vector_store %arg7[%swap3A_763, %swap3A_764, %swap3A_765], %mul3A_757 {strides = array<i32>} : memref<5x128x128xf32, #tpu.memory_space<vmem>>, vector<16xf32>,
        %mul3A_767 = arith.constant 2 : i32
        %mul3A_768 = arith.muli %scan3A_599, %mul3A_767 : i32
        %add3A_769 = arith.constant 1 : i32
        %add3A_770 = arith.addi %mul3A_768, %add3A_769 : i32
        %get3A_771 = arith.constant 4 : i32
        %get3A_772 = arith.index_cast %get3A_771 : i32 to index
        %get3A_773 = arith.index_cast %add3A_770 : i32 to index
        %get3A_774 = arith.constant 0 : index
        %get3A_775 = tpu.vector_load %arg7[%get3A_772, %get3A_773, %get3A_774] {strides = array<i32>} : memref<5x128x128xf32, #tpu.memory_space<vmem>>, vector<16xf32>,
        %mul3A_776 = arith.constant 11.3137083 : f32
        %mul3A_777 = vector.broadcast %mul3A_776 : f32 to vector<16xf32>
        %mul3A_778 = arith.mulf %get3A_775, %mul3A_777 : vector<16xf32>
        %mul3A_779 = arith.constant 2 : i32
        %mul3A_780 = arith.muli %scan3A_599, %mul3A_779 : i32
        %add3A_781 = arith.constant 1 : i32
        %add3A_782 = arith.addi %mul3A_780, %add3A_781 : i32
        %swap3A_783 = arith.constant 4 : i32
        %swap3A_784 = arith.index_cast %swap3A_783 : i32 to index
        %swap3A_785 = arith.index_cast %add3A_782 : i32 to index
        %swap3A_786 = arith.constant 0 : index
        %swap3A_787 = tpu.vector_load %arg7[%swap3A_784, %swap3A_785, %swap3A_786] {strides = array<i32>} : memref<5x128x128xf32, #tpu.memory_space<vmem>>, vector<16xf32>,
        tpu.vector_store %arg7[%swap3A_784, %swap3A_785, %swap3A_786], %mul3A_778 {strides = array<i32>} : memref<5x128x128xf32, #tpu.memory_space<vmem>>, vector<16xf32>,
        %mul3A_788 = arith.constant 2 : i32
        %mul3A_789 = arith.muli %scan3A_599, %mul3A_788 : i32
        %add3A_790 = arith.constant 1 : i32
        %add3A_791 = arith.addi %mul3A_789, %add3A_790 : i32
        %get3A_792 = arith.constant 4 : i32
        %get3A_793 = arith.index_cast %get3A_792 : i32 to index
        %get3A_794 = arith.index_cast %add3A_791 : i32 to index
        %get3A_795 = arith.constant 16 : index
        %get3A_796 = tpu.vector_load %arg7[%get3A_793, %get3A_794, %get3A_795] {strides = array<i32>} : memref<5x128x128xf32, #tpu.memory_space<vmem>>, vector<16xf32>,
        %mul3A_797 = arith.constant 11.3137083 : f32
        %mul3A_798 = vector.broadcast %mul3A_797 : f32 to vector<16xf32>
        %mul3A_799 = arith.mulf %get3A_796, %mul3A_798 : vector<16xf32>
        %mul3A_800 = arith.constant 2 : i32
        %mul3A_801 = arith.muli %scan3A_599, %mul3A_800 : i32
        %add3A_802 = arith.constant 1 : i32
        %add3A_803 = arith.addi %mul3A_801, %add3A_802 : i32
        %swap3A_804 = arith.constant 4 : i32
        %swap3A_805 = arith.index_cast %swap3A_804 : i32 to index
        %swap3A_806 = arith.index_cast %add3A_803 : i32 to index
        %swap3A_807 = arith.constant 16 : index
        %swap3A_808 = tpu.vector_load %arg7[%swap3A_805, %swap3A_806, %swap3A_807] {strides = array<i32>} : memref<5x128x128xf32, #tpu.memory_space<vmem>>, vector<16xf32>,
        tpu.vector_store %arg7[%swap3A_805, %swap3A_806, %swap3A_807], %mul3A_799 {strides = array<i32>} : memref<5x128x128xf32, #tpu.memory_space<vmem>>, vector<16xf32>,
        %mul3A_809 = arith.constant 2 : i32
        %mul3A_810 = arith.muli %scan3A_599, %mul3A_809 : i32
        %add3A_811 = arith.constant 1 : i32
        %add3A_812 = arith.addi %mul3A_810, %add3A_811 : i32
        %get3A_813 = arith.constant 4 : i32
        %get3A_814 = arith.index_cast %get3A_813 : i32 to index
        %get3A_815 = arith.index_cast %add3A_812 : i32 to index
        %get3A_816 = arith.constant 32 : index
        %get3A_817 = tpu.vector_load %arg7[%get3A_814, %get3A_815, %get3A_816] {strides = array<i32>} : memref<5x128x128xf32, #tpu.memory_space<vmem>>, vector<16xf32>,
        %mul3A_818 = arith.constant 11.3137083 : f32
        %mul3A_819 = vector.broadcast %mul3A_818 : f32 to vector<16xf32>
        %mul3A_820 = arith.mulf %get3A_817, %mul3A_819 : vector<16xf32>
        %mul3A_821 = arith.constant 2 : i32
        %mul3A_822 = arith.muli %scan3A_599, %mul3A_821 : i32
        %add3A_823 = arith.constant 1 : i32
        %add3A_824 = arith.addi %mul3A_822, %add3A_823 : i32
        %swap3A_825 = arith.constant 4 : i32
        %swap3A_826 = arith.index_cast %swap3A_825 : i32 to index
        %swap3A_827 = arith.index_cast %add3A_824 : i32 to index
        %swap3A_828 = arith.constant 32 : index
        %swap3A_829 = tpu.vector_load %arg7[%swap3A_826, %swap3A_827, %swap3A_828] {strides = array<i32>} : memref<5x128x128xf32, #tpu.memory_space<vmem>>, vector<16xf32>,
        tpu.vector_store %arg7[%swap3A_826, %swap3A_827, %swap3A_828], %mul3A_820 {strides = array<i32>} : memref<5x128x128xf32, #tpu.memory_space<vmem>>, vector<16xf32>,
        %mul3A_830 = arith.constant 2 : i32
        %mul3A_831 = arith.muli %scan3A_599, %mul3A_830 : i32
        %add3A_832 = arith.constant 1 : i32
        %add3A_833 = arith.addi %mul3A_831, %add3A_832 : i32
        %get3A_834 = arith.constant 4 : i32
        %get3A_835 = arith.index_cast %get3A_834 : i32 to index
        %get3A_836 = arith.index_cast %add3A_833 : i32 to index
        %get3A_837 = arith.constant 48 : index
        %get3A_838 = tpu.vector_load %arg7[%get3A_835, %get3A_836, %get3A_837] {strides = array<i32>} : memref<5x128x128xf32, #tpu.memory_space<vmem>>, vector<16xf32>,
        %mul3A_839 = arith.constant 11.3137083 : f32
        %mul3A_840 = vector.broadcast %mul3A_839 : f32 to vector<16xf32>
        %mul3A_841 = arith.mulf %get3A_838, %mul3A_840 : vector<16xf32>
        %mul3A_842 = arith.constant 2 : i32
        %mul3A_843 = arith.muli %scan3A_599, %mul3A_842 : i32
        %add3A_844 = arith.constant 1 : i32
        %add3A_845 = arith.addi %mul3A_843, %add3A_844 : i32
        %swap3A_846 = arith.constant 4 : i32
        %swap3A_847 = arith.index_cast %swap3A_846 : i32 to index
        %swap3A_848 = arith.index_cast %add3A_845 : i32 to index
        %swap3A_849 = arith.constant 48 : index
        %swap3A_850 = tpu.vector_load %arg7[%swap3A_847, %swap3A_848, %swap3A_849] {strides = array<i32>} : memref<5x128x128xf32, #tpu.memory_space<vmem>>, vector<16xf32>,
        tpu.vector_store %arg7[%swap3A_847, %swap3A_848, %swap3A_849], %mul3A_841 {strides = array<i32>} : memref<5x128x128xf32, #tpu.memory_space<vmem>>, vector<16xf32>,
        %mul3A_851 = arith.constant 2 : i32
        %mul3A_852 = arith.muli %scan3A_599, %mul3A_851 : i32
        %add3A_853 = arith.constant 1 : i32
        %add3A_854 = arith.addi %mul3A_852, %add3A_853 : i32
        %get3A_855 = arith.constant 4 : i32
        %get3A_856 = arith.index_cast %get3A_855 : i32 to index
        %get3A_857 = arith.index_cast %add3A_854 : i32 to index
        %get3A_858 = arith.constant 64 : index
        %get3A_859 = tpu.vector_load %arg7[%get3A_856, %get3A_857, %get3A_858] {strides = array<i32>} : memref<5x128x128xf32, #tpu.memory_space<vmem>>, vector<16xf32>,
        %mul3A_860 = arith.constant 11.3137083 : f32
        %mul3A_861 = vector.broadcast %mul3A_860 : f32 to vector<16xf32>
        %mul3A_862 = arith.mulf %get3A_859, %mul3A_861 : vector<16xf32>
        %mul3A_863 = arith.constant 2 : i32
        %mul3A_864 = arith.muli %scan3A_599, %mul3A_863 : i32
        %add3A_865 = arith.constant 1 : i32
        %add3A_866 = arith.addi %mul3A_864, %add3A_865 : i32
        %swap3A_867 = arith.constant 4 : i32
        %swap3A_868 = arith.index_cast %swap3A_867 : i32 to index
        %swap3A_869 = arith.index_cast %add3A_866 : i32 to index
        %swap3A_870 = arith.constant 64 : index
        %swap3A_871 = tpu.vector_load %arg7[%swap3A_868, %swap3A_869, %swap3A_870] {strides = array<i32>} : memref<5x128x128xf32, #tpu.memory_space<vmem>>, vector<16xf32>,
        tpu.vector_store %arg7[%swap3A_868, %swap3A_869, %swap3A_870], %mul3A_862 {strides = array<i32>} : memref<5x128x128xf32, #tpu.memory_space<vmem>>, vector<16xf32>,
        %mul3A_872 = arith.constant 2 : i32
        %mul3A_873 = arith.muli %scan3A_599, %mul3A_872 : i32
        %add3A_874 = arith.constant 1 : i32
        %add3A_875 = arith.addi %mul3A_873, %add3A_874 : i32
        %get3A_876 = arith.constant 4 : i32
        %get3A_877 = arith.index_cast %get3A_876 : i32 to index
        %get3A_878 = arith.index_cast %add3A_875 : i32 to index
        %get3A_879 = arith.constant 80 : index
        %get3A_880 = tpu.vector_load %arg7[%get3A_877, %get3A_878, %get3A_879] {strides = array<i32>} : memref<5x128x128xf32, #tpu.memory_space<vmem>>, vector<16xf32>,
        %mul3A_881 = arith.constant 11.3137083 : f32
        %mul3A_882 = vector.broadcast %mul3A_881 : f32 to vector<16xf32>
        %mul3A_883 = arith.mulf %get3A_880, %mul3A_882 : vector<16xf32>
        %mul3A_884 = arith.constant 2 : i32
        %mul3A_885 = arith.muli %scan3A_599, %mul3A_884 : i32
        %add3A_886 = arith.constant 1 : i32
        %add3A_887 = arith.addi %mul3A_885, %add3A_886 : i32
        %swap3A_888 = arith.constant 4 : i32
        %swap3A_889 = arith.index_cast %swap3A_888 : i32 to index
        %swap3A_890 = arith.index_cast %add3A_887 : i32 to index
        %swap3A_891 = arith.constant 80 : index
        %swap3A_892 = tpu.vector_load %arg7[%swap3A_889, %swap3A_890, %swap3A_891] {strides = array<i32>} : memref<5x128x128xf32, #tpu.memory_space<vmem>>, vector<16xf32>,
        tpu.vector_store %arg7[%swap3A_889, %swap3A_890, %swap3A_891], %mul3A_883 {strides = array<i32>} : memref<5x128x128xf32, #tpu.memory_space<vmem>>, vector<16xf32>,
        %mul3A_893 = arith.constant 2 : i32
        %mul3A_894 = arith.muli %scan3A_599, %mul3A_893 : i32
        %add3A_895 = arith.constant 1 : i32
        %add3A_896 = arith.addi %mul3A_894, %add3A_895 : i32
        %get3A_897 = arith.constant 4 : i32
        %get3A_898 = arith.index_cast %get3A_897 : i32 to index
        %get3A_899 = arith.index_cast %add3A_896 : i32 to index
        %get3A_900 = arith.constant 96 : index
        %get3A_901 = tpu.vector_load %arg7[%get3A_898, %get3A_899, %get3A_900] {strides = array<i32>} : memref<5x128x128xf32, #tpu.memory_space<vmem>>, vector<16xf32>,
        %mul3A_902 = arith.constant 11.3137083 : f32
        %mul3A_903 = vector.broadcast %mul3A_902 : f32 to vector<16xf32>
        %mul3A_904 = arith.mulf %get3A_901, %mul3A_903 : vector<16xf32>
        %mul3A_905 = arith.constant 2 : i32
        %mul3A_906 = arith.muli %scan3A_599, %mul3A_905 : i32
        %add3A_907 = arith.constant 1 : i32
        %add3A_908 = arith.addi %mul3A_906, %add3A_907 : i32
        %swap3A_909 = arith.constant 4 : i32
        %swap3A_910 = arith.index_cast %swap3A_909 : i32 to index
        %swap3A_911 = arith.index_cast %add3A_908 : i32 to index
        %swap3A_912 = arith.constant 96 : index
        %swap3A_913 = tpu.vector_load %arg7[%swap3A_910, %swap3A_911, %swap3A_912] {strides = array<i32>} : memref<5x128x128xf32, #tpu.memory_space<vmem>>, vector<16xf32>,
        tpu.vector_store %arg7[%swap3A_910, %swap3A_911, %swap3A_912], %mul3A_904 {strides = array<i32>} : memref<5x128x128xf32, #tpu.memory_space<vmem>>, vector<16xf32>,
        %mul3A_914 = arith.constant 2 : i32
        %mul3A_915 = arith.muli %scan3A_599, %mul3A_914 : i32
        %add3A_916 = arith.constant 1 : i32
        %add3A_917 = arith.addi %mul3A_915, %add3A_916 : i32
        %get3A_918 = arith.constant 4 : i32
        %get3A_919 = arith.index_cast %get3A_918 : i32 to index
        %get3A_920 = arith.index_cast %add3A_917 : i32 to index
        %get3A_921 = arith.constant 112 : index
        %get3A_922 = tpu.vector_load %arg7[%get3A_919, %get3A_920, %get3A_921] {strides = array<i32>} : memref<5x128x128xf32, #tpu.memory_space<vmem>>, vector<16xf32>,
        %mul3A_923 = arith.constant 11.3137083 : f32
        %mul3A_924 = vector.broadcast %mul3A_923 : f32 to vector<16xf32>
        %mul3A_925 = arith.mulf %get3A_922, %mul3A_924 : vector<16xf32>
        %mul3A_926 = arith.constant 2 : i32
        %mul3A_927 = arith.muli %scan3A_599, %mul3A_926 : i32
        %add3A_928 = arith.constant 1 : i32
        %add3A_929 = arith.addi %mul3A_927, %add3A_928 : i32
        %swap3A_930 = arith.constant 4 : i32
        %swap3A_931 = arith.index_cast %swap3A_930 : i32 to index
        %swap3A_932 = arith.index_cast %add3A_929 : i32 to index
        %swap3A_933 = arith.constant 112 : index
        %swap3A_934 = tpu.vector_load %arg7[%swap3A_931, %swap3A_932, %swap3A_933] {strides = array<i32>} : memref<5x128x128xf32, #tpu.memory_space<vmem>>, vector<16xf32>,
        tpu.vector_store %arg7[%swap3A_931, %swap3A_932, %swap3A_933], %mul3A_925 {strides = array<i32>} : memref<5x128x128xf32, #tpu.memory_space<vmem>>, vector<16xf32>,
      }
      %scan3A_562 = arith.constant 64 : i32
      %dma_start3A_563 = arith.constant 4 : i32
      %dma_start3A_564 = arith.constant 4 : i32
      %dma_start3A_565 = arith.constant 0 : i32
      %dma_start3A_566 = arith.constant 0 : i32
      %dma_start3A_567 = tpu.memref_slice %arg7[%dma_start3A_563, %dma_start3A_565, %dma_start3A_566] : memref<5x128x128xf32, #tpu.memory_space<vmem>> -> memref<1x128x128xf32, #tpu.memory_space<vmem>>
      %dma_start3A_568 = tpu.memref_squeeze %dma_start3A_567 : memref<1x128x128xf32, #tpu.memory_space<vmem>> -> memref<128x128xf32, #tpu.memory_space<vmem>>
      %dma_start3A_569 = arith.constant 0 : i32
      %dma_start3A_570 = arith.constant 0 : i32
      %dma_start3A_571 = tpu.memref_slice %arg4[%add3A_542, %dma_start3A_569, %dma_start3A_570] : memref<50x4096x128xf32, #tpu.memory_space<hbm>> -> memref<1x4096x128xf32, #tpu.memory_space<hbm>>
      %dma_start3A_572 = tpu.memref_squeeze %dma_start3A_571 : memref<1x4096x128xf32, #tpu.memory_space<hbm>> -> memref<4096x128xf32, #tpu.memory_space<hbm>>
      %dma_start3A_573 = arith.constant 0 : i32
      %dma_start3A_574 = tpu.memref_slice %dma_start3A_572[%mul3A_4, %dma_start3A_573] : memref<4096x128xf32, #tpu.memory_space<hbm>> -> memref<128x128xf32, #tpu.memory_space<hbm>>
      %dma_start3A_575 = tpu.memref_slice %arg9[%dma_start3A_564] : memref<5x!tpu.dma_semaphore, #tpu.memory_space<semaphore_mem>> -> memref<1x!tpu.dma_semaphore, #tpu.memory_space<semaphore_mem>>
      %dma_start3A_576 = tpu.memref_squeeze %dma_start3A_575 : memref<1x!tpu.dma_semaphore, #tpu.memory_space<semaphore_mem>> -> memref<!tpu.dma_semaphore, #tpu.memory_space<semaphore_mem>>
      %dma_start3A_577 = arith.constant 0 : i32
      %dma_start3A_578 = arith.constant 0 : i32
      %dma_start3A_579 = tpu.memref_slice %arg4[%add3A_542, %dma_start3A_577, %dma_start3A_578] : memref<50x4096x128xf32, #tpu.memory_space<hbm>> -> memref<1x4096x128xf32, #tpu.memory_space<hbm>>
      %dma_start3A_580 = tpu.memref_squeeze %dma_start3A_579 : memref<1x4096x128xf32, #tpu.memory_space<hbm>> -> memref<4096x128xf32, #tpu.memory_space<hbm>>
      %dma_start3A_581 = arith.constant 0 : i32
      %dma_start3A_582 = tpu.memref_slice %dma_start3A_580[%mul3A_4, %dma_start3A_581] : memref<4096x128xf32, #tpu.memory_space<hbm>> -> memref<128x128xf32, #tpu.memory_space<hbm>>
      %dma_start3A_583 = arith.constant 0 : i32
      %dma_start3A_584 = arith.constant 0 : i32
      %dma_start3A_585 = tpu.memref_slice %arg7[%dma_start3A_563, %dma_start3A_583, %dma_start3A_584] : memref<5x128x128xf32, #tpu.memory_space<vmem>> -> memref<1x128x128xf32, #tpu.memory_space<vmem>>
      %dma_start3A_586 = tpu.memref_squeeze %dma_start3A_585 : memref<1x128x128xf32, #tpu.memory_space<vmem>> -> memref<128x128xf32, #tpu.memory_space<vmem>>
      tpu.enqueue_dma source(%dma_start3A_586 : memref<128x128xf32, #tpu.memory_space<vmem>>) target(%dma_start3A_582 : memref<128x128xf32, #tpu.memory_space<hbm>>) target_semaphore(%dma_start3A_576 : memref<!tpu.dma_semaphore, #tpu.memory_space<semaphore_mem>>)
      %ge3A_587 = arith.constant 2 : i32
      %ge3A_588 = arith.cmpi sge, %add3A_542, %ge3A_587 : i32
      %convert_element_type3A_589 = arith.extui %ge3A_588 : i1 to i32
      %cond3A_590 = arith.constant 0 : i32
      %cond3A_591 = arith.cmpi ne, %convert_element_type3A_589, %cond3A_590 : i32
      scf.if %cond3A_591 {
        %sub3A = arith.constant 2 : i32
        %sub3A_599 = arith.subi %add3A_542, %sub3A : i32
        %dma_wait3A_600 = arith.constant 2 : i32
        %dma_wait3A_601 = arith.constant 2 : i32
        %dma_wait3A_602 = arith.constant 0 : i32
        %dma_wait3A_603 = arith.constant 0 : i32
        %dma_wait3A_604 = tpu.memref_slice %arg7[%dma_wait3A_600, %dma_wait3A_602, %dma_wait3A_603] : memref<5x128x128xf32, #tpu.memory_space<vmem>> -> memref<1x128x128xf32, #tpu.memory_space<vmem>>
        %dma_wait3A_605 = tpu.memref_squeeze %dma_wait3A_604 : memref<1x128x128xf32, #tpu.memory_space<vmem>> -> memref<128x128xf32, #tpu.memory_space<vmem>>
        %dma_wait3A_606 = arith.constant 0 : i32
        %dma_wait3A_607 = arith.constant 0 : i32
        %dma_wait3A_608 = tpu.memref_slice %arg4[%sub3A_599, %dma_wait3A_606, %dma_wait3A_607] : memref<50x4096x128xf32, #tpu.memory_space<hbm>> -> memref<1x4096x128xf32, #tpu.memory_space<hbm>>
        %dma_wait3A_609 = tpu.memref_squeeze %dma_wait3A_608 : memref<1x4096x128xf32, #tpu.memory_space<hbm>> -> memref<4096x128xf32, #tpu.memory_space<hbm>>
        %dma_wait3A_610 = arith.constant 0 : i32
        %dma_wait3A_611 = tpu.memref_slice %dma_wait3A_609[%mul3A_4, %dma_wait3A_610] : memref<4096x128xf32, #tpu.memory_space<hbm>> -> memref<128x128xf32, #tpu.memory_space<hbm>>
        %dma_wait3A_612 = tpu.memref_slice %arg9[%dma_wait3A_601] : memref<5x!tpu.dma_semaphore, #tpu.memory_space<semaphore_mem>> -> memref<1x!tpu.dma_semaphore, #tpu.memory_space<semaphore_mem>>
        %dma_wait3A_613 = tpu.memref_squeeze %dma_wait3A_612 : memref<1x!tpu.dma_semaphore, #tpu.memory_space<semaphore_mem>> -> memref<!tpu.dma_semaphore, #tpu.memory_space<semaphore_mem>>
        %dma_wait3A_614 = arith.constant 0 : i32
        %dma_wait3A_615 = arith.constant 0 : i32
        %dma_wait3A_616 = tpu.memref_slice %arg4[%sub3A_599, %dma_wait3A_614, %dma_wait3A_615] : memref<50x4096x128xf32, #tpu.memory_space<hbm>> -> memref<1x4096x128xf32, #tpu.memory_space<hbm>>
        %dma_wait3A_617 = tpu.memref_squeeze %dma_wait3A_616 : memref<1x4096x128xf32, #tpu.memory_space<hbm>> -> memref<4096x128xf32, #tpu.memory_space<hbm>>
        %dma_wait3A_618 = arith.constant 0 : i32
        %dma_wait3A_619 = tpu.memref_slice %dma_wait3A_617[%mul3A_4, %dma_wait3A_618] : memref<4096x128xf32, #tpu.memory_space<hbm>> -> memref<128x128xf32, #tpu.memory_space<hbm>>
        %dma_wait3A_620 = arith.constant 0 : i32
        %dma_wait3A_621 = arith.constant 0 : i32
        %dma_wait3A_622 = tpu.memref_slice %arg7[%dma_wait3A_600, %dma_wait3A_620, %dma_wait3A_621] : memref<5x128x128xf32, #tpu.memory_space<vmem>> -> memref<1x128x128xf32, #tpu.memory_space<vmem>>
        %dma_wait3A_623 = tpu.memref_squeeze %dma_wait3A_622 : memref<1x128x128xf32, #tpu.memory_space<vmem>> -> memref<128x128xf32, #tpu.memory_space<vmem>>
        tpu.wait_dma2 semaphore(%dma_wait3A_613 : memref<!tpu.dma_semaphore, #tpu.memory_space<semaphore_mem>>) src(%dma_wait3A_623 : memref<128x128xf32, #tpu.memory_space<vmem>>) dst(%dma_wait3A_619 : memref<128x128xf32, #tpu.memory_space<hbm>>)
      } else {
      }
      %add3A_592 = arith.constant 3 : i32
      %add3A_593 = arith.addi %add3A_542, %add3A_592 : i32
      %lt3A_594 = arith.constant 50 : i32
      %lt3A_595 = arith.cmpi slt, %add3A_593, %lt3A_594 : i32
      %convert_element_type3A_596 = arith.extui %lt3A_595 : i1 to i32
      %cond3A_597 = arith.constant 0 : i32
      %cond3A_598 = arith.cmpi ne, %convert_element_type3A_596, %cond3A_597 : i32
      scf.if %cond3A_598 {
        %add3A_599 = arith.constant 3 : i32
        %add3A_600 = arith.addi %add3A_542, %add3A_599 : i32
        %dma_start3A_601 = arith.constant 2 : i32
        %dma_start3A_602 = arith.constant 2 : i32
        %dma_start3A_603 = arith.constant 0 : i32
        %dma_start3A_604 = arith.constant 0 : i32
        %dma_start3A_605 = tpu.memref_slice %arg7[%dma_start3A_601, %dma_start3A_603, %dma_start3A_604] : memref<5x128x128xf32, #tpu.memory_space<vmem>> -> memref<1x128x128xf32, #tpu.memory_space<vmem>>
        %dma_start3A_606 = tpu.memref_squeeze %dma_start3A_605 : memref<1x128x128xf32, #tpu.memory_space<vmem>> -> memref<128x128xf32, #tpu.memory_space<vmem>>
        %dma_start3A_607 = arith.constant 0 : i32
        %dma_start3A_608 = tpu.memref_slice %arg6[%add3A_600, %dma_start3A_607] : memref<50x128xi32, #tpu.memory_space<vmem>> -> memref<1x128xi32, #tpu.memory_space<vmem>>
        %dma_start3A_609 = tpu.memref_squeeze %dma_start3A_608 : memref<1x128xi32, #tpu.memory_space<vmem>> -> memref<128xi32, #tpu.memory_space<vmem>>
        %dma_start3A_610 = arith.constant 0 : i32
        %dma_start3A_611 = arith.constant 0 : i32
        %dma_start3A_612 = tpu.memref_slice %arg3[%dma_start3A_610, %dma_start3A_611] : memref<100000x128xf32, #tpu.memory_space<hbm>> -> memref<100000x128xf32, #tpu.memory_space<hbm>>
        %dma_start3A_613 = tpu.memref_slice %arg8[%dma_start3A_602] : memref<5x!tpu.dma_semaphore, #tpu.memory_space<semaphore_mem>> -> memref<1x!tpu.dma_semaphore, #tpu.memory_space<semaphore_mem>>
        %dma_start3A_614 = tpu.memref_squeeze %dma_start3A_613 : memref<1x!tpu.dma_semaphore, #tpu.memory_space<semaphore_mem>> -> memref<!tpu.dma_semaphore, #tpu.memory_space<semaphore_mem>>
        tpu.enqueue_indirect_dma source(%dma_start3A_612 : memref<100000x128xf32, #tpu.memory_space<hbm>>) target(%dma_start3A_606 : memref<128x128xf32, #tpu.memory_space<vmem>>) offsets(%dma_start3A_609 : memref<128xi32, #tpu.memory_space<vmem>>) semaphore(%dma_start3A_614 : memref<!tpu.dma_semaphore, #tpu.memory_space<semaphore_mem>>)
      } else {
      }
    }
    %scan3A_252 = arith.constant 10 : i32
    %dma_wait3A = arith.constant 3 : i32
    %dma_wait3A_253 = arith.constant 48 : i32
    %dma_wait3A_254 = arith.constant 3 : i32
    %dma_wait3A_255 = arith.constant 0 : i32
    %dma_wait3A_256 = arith.constant 0 : i32
    %dma_wait3A_257 = tpu.memref_slice %arg7[%dma_wait3A, %dma_wait3A_255, %dma_wait3A_256] : memref<5x128x128xf32, #tpu.memory_space<vmem>> -> memref<1x128x128xf32, #tpu.memory_space<vmem>>
    %dma_wait3A_258 = tpu.memref_squeeze %dma_wait3A_257 : memref<1x128x128xf32, #tpu.memory_space<vmem>> -> memref<128x128xf32, #tpu.memory_space<vmem>>
    %dma_wait3A_259 = arith.constant 0 : i32
    %dma_wait3A_260 = arith.constant 0 : i32
    %dma_wait3A_261 = tpu.memref_slice %arg4[%dma_wait3A_253, %dma_wait3A_259, %dma_wait3A_260] : memref<50x4096x128xf32, #tpu.memory_space<hbm>> -> memref<1x4096x128xf32, #tpu.memory_space<hbm>>
    %dma_wait3A_262 = tpu.memref_squeeze %dma_wait3A_261 : memref<1x4096x128xf32, #tpu.memory_space<hbm>> -> memref<4096x128xf32, #tpu.memory_space<hbm>>
    %dma_wait3A_263 = arith.constant 0 : i32
    %dma_wait3A_264 = tpu.memref_slice %dma_wait3A_262[%mul3A_4, %dma_wait3A_263] : memref<4096x128xf32, #tpu.memory_space<hbm>> -> memref<128x128xf32, #tpu.memory_space<hbm>>
    %dma_wait3A_265 = tpu.memref_slice %arg9[%dma_wait3A_254] : memref<5x!tpu.dma_semaphore, #tpu.memory_space<semaphore_mem>> -> memref<1x!tpu.dma_semaphore, #tpu.memory_space<semaphore_mem>>
    %dma_wait3A_266 = tpu.memref_squeeze %dma_wait3A_265 : memref<1x!tpu.dma_semaphore, #tpu.memory_space<semaphore_mem>> -> memref<!tpu.dma_semaphore, #tpu.memory_space<semaphore_mem>>
    %dma_wait3A_267 = arith.constant 0 : i32
    %dma_wait3A_268 = arith.constant 0 : i32
    %dma_wait3A_269 = tpu.memref_slice %arg4[%dma_wait3A_253, %dma_wait3A_267, %dma_wait3A_268] : memref<50x4096x128xf32, #tpu.memory_space<hbm>> -> memref<1x4096x128xf32, #tpu.memory_space<hbm>>
    %dma_wait3A_270 = tpu.memref_squeeze %dma_wait3A_269 : memref<1x4096x128xf32, #tpu.memory_space<hbm>> -> memref<4096x128xf32, #tpu.memory_space<hbm>>
    %dma_wait3A_271 = arith.constant 0 : i32
    %dma_wait3A_272 = tpu.memref_slice %dma_wait3A_270[%mul3A_4, %dma_wait3A_271] : memref<4096x128xf32, #tpu.memory_space<hbm>> -> memref<128x128xf32, #tpu.memory_space<hbm>>
    %dma_wait3A_273 = arith.constant 0 : i32
    %dma_wait3A_274 = arith.constant 0 : i32
    %dma_wait3A_275 = tpu.memref_slice %arg7[%dma_wait3A, %dma_wait3A_273, %dma_wait3A_274] : memref<5x128x128xf32, #tpu.memory_space<vmem>> -> memref<1x128x128xf32, #tpu.memory_space<vmem>>
    %dma_wait3A_276 = tpu.memref_squeeze %dma_wait3A_275 : memref<1x128x128xf32, #tpu.memory_space<vmem>> -> memref<128x128xf32, #tpu.memory_space<vmem>>
    tpu.wait_dma2 semaphore(%dma_wait3A_266 : memref<!tpu.dma_semaphore, #tpu.memory_space<semaphore_mem>>) src(%dma_wait3A_276 : memref<128x128xf32, #tpu.memory_space<vmem>>) dst(%dma_wait3A_272 : memref<128x128xf32, #tpu.memory_space<hbm>>)
    %dma_wait3A_277 = arith.constant 4 : i32
    %dma_wait3A_278 = arith.constant 49 : i32
    %dma_wait3A_279 = arith.constant 4 : i32
    %dma_wait3A_280 = arith.constant 0 : i32
    %dma_wait3A_281 = arith.constant 0 : i32
    %dma_wait3A_282 = tpu.memref_slice %arg7[%dma_wait3A_277, %dma_wait3A_280, %dma_wait3A_281] : memref<5x128x128xf32, #tpu.memory_space<vmem>> -> memref<1x128x128xf32, #tpu.memory_space<vmem>>
    %dma_wait3A_283 = tpu.memref_squeeze %dma_wait3A_282 : memref<1x128x128xf32, #tpu.memory_space<vmem>> -> memref<128x128xf32, #tpu.memory_space<vmem>>
    %dma_wait3A_284 = arith.constant 0 : i32
    %dma_wait3A_285 = arith.constant 0 : i32
    %dma_wait3A_286 = tpu.memref_slice %arg4[%dma_wait3A_278, %dma_wait3A_284, %dma_wait3A_285] : memref<50x4096x128xf32, #tpu.memory_space<hbm>> -> memref<1x4096x128xf32, #tpu.memory_space<hbm>>
    %dma_wait3A_287 = tpu.memref_squeeze %dma_wait3A_286 : memref<1x4096x128xf32, #tpu.memory_space<hbm>> -> memref<4096x128xf32, #tpu.memory_space<hbm>>
    %dma_wait3A_288 = arith.constant 0 : i32
    %dma_wait3A_289 = tpu.memref_slice %dma_wait3A_287[%mul3A_4, %dma_wait3A_288] : memref<4096x128xf32, #tpu.memory_space<hbm>> -> memref<128x128xf32, #tpu.memory_space<hbm>>
    %dma_wait3A_290 = tpu.memref_slice %arg9[%dma_wait3A_279] : memref<5x!tpu.dma_semaphore, #tpu.memory_space<semaphore_mem>> -> memref<1x!tpu.dma_semaphore, #tpu.memory_space<semaphore_mem>>
    %dma_wait3A_291 = tpu.memref_squeeze %dma_wait3A_290 : memref<1x!tpu.dma_semaphore, #tpu.memory_space<semaphore_mem>> -> memref<!tpu.dma_semaphore, #tpu.memory_space<semaphore_mem>>
    %dma_wait3A_292 = arith.constant 0 : i32
    %dma_wait3A_293 = arith.constant 0 : i32
    %dma_wait3A_294 = tpu.memref_slice %arg4[%dma_wait3A_278, %dma_wait3A_292, %dma_wait3A_293] : memref<50x4096x128xf32, #tpu.memory_space<hbm>> -> memref<1x4096x128xf32, #tpu.memory_space<hbm>>
    %dma_wait3A_295 = tpu.memref_squeeze %dma_wait3A_294 : memref<1x4096x128xf32, #tpu.memory_space<hbm>> -> memref<4096x128xf32, #tpu.memory_space<hbm>>
    %dma_wait3A_296 = arith.constant 0 : i32
    %dma_wait3A_297 = tpu.memref_slice %dma_wait3A_295[%mul3A_4, %dma_wait3A_296] : memref<4096x128xf32, #tpu.memory_space<hbm>> -> memref<128x128xf32, #tpu.memory_space<hbm>>
    %dma_wait3A_298 = arith.constant 0 : i32
    %dma_wait3A_299 = arith.constant 0 : i32
    %dma_wait3A_300 = tpu.memref_slice %arg7[%dma_wait3A_277, %dma_wait3A_298, %dma_wait3A_299] : memref<5x128x128xf32, #tpu.memory_space<vmem>> -> memref<1x128x128xf32, #tpu.memory_space<vmem>>
    %dma_wait3A_301 = tpu.memref_squeeze %dma_wait3A_300 : memref<1x128x128xf32, #tpu.memory_space<vmem>> -> memref<128x128xf32, #tpu.memory_space<vmem>>
    tpu.wait_dma2 semaphore(%dma_wait3A_291 : memref<!tpu.dma_semaphore, #tpu.memory_space<semaphore_mem>>) src(%dma_wait3A_301 : memref<128x128xf32, #tpu.memory_space<vmem>>) dst(%dma_wait3A_297 : memref<128x128xf32, #tpu.memory_space<hbm>>)
    return
  }
}

</mosaic_0001>

<sc_bundles>
// kernel: _emb.3.cloned.1.call-start
scs
__scs_entry_jumppad:
0x0: {  	(pc) =	sbr.rel $0x88, $3  }
0x1: {  	(tag) =	ssettag $0x0;
	lr =	simm.s32 $0x1  }
0x2: {  	[smem:$0x3F9F] =	sst lr;
	_ =	strace $0xD0000000  }
0x3: {  	_ = 	snop  }
0x4: {  	_ = 	snop  }
0x5: {  	_ = 	snop  }
0x6: {  	_ = 	snop  }
0x7: {  	_ = 	snop  }
__scs_overlays_trampoline_lowered:
0x8: {  	[smem:$0x3FAE] =	sst s0  }
0x9: {  	[smem:$0x3FAF] =	sst s1  }
0xa: {  	[smem:$0x3FB0] =	sst s2  }
0xb: {  	[smem:$0x3FB1] =	sst s3  }
0xc: {  	[smem:$0x3FB2] =	sst s4  }
0xd: {  	[smem:$0x3FB3] =	sst s5  }
0xe: {  	[smem:$0x3FB4] =	sst s6  }
0xf: {  	[smem:$0x3FB5] =	sst s7  }
0x10: {  	[smem:$0x3FB6] =	sst s8  }
0x11: {  	[smem:$0x3FB7] =	sst s9;
	s0 =	simm.s32 @!p0 $0x0  }
0x12: {  	s1 =	sld [smem:$0x3F9D];
	s0 =	simm.s32 @p0 $0x1  }
0x13: {  	[smem:$0x3FB8] =	sst s0;
	s0 =	simm.s32 @!p1 $0x0  }
0x14: {  	s2 =	sld [smem:$0x3F9C];
	s0 =	simm.s32 @p1 $0x1  }
0x15: {  	[smem:$0x3FB9] =	sst s0;
	s0 =	simm.s32 @!p2 $0x0  }
0x16: {  	s3 =	sld [smem:$0x3FDB];
	s0 =	simm.s32 @p2 $0x1  }
0x17: {  	s4 =	simm.s32 $0x1BF5;
	[smem:$0x3FBB] =	sst s0  }
0x18: {  	s0 =	sld [smem:$0x3F9E];
	_ =	swait.ge [sflag:s4], $0x0  }
0x19: {  	s7 =	sld [smem:$0x3F9F]  }
0x1a: {  	s8 =	sadd.s32 $0xFFFFE003, lr  }
0x1b: {  	s9 =	sadd.s32 $0xFFFFFEF7, lr;
	s5 =	simm.s32 $0xFFFFFFFF;
	p2 =	slt.u32 s8, $0xFFFFF086  }
0x1c: {  	p1 =	slt.u32 s9, $0xF7A;
	s5 =	simm.s32 @!p2 $0x0  }
0x1d: {  	s5 =	simm.s32 @p1 $0x1;
	p0 =	seq.s32 s7, s2  }
0x1e: {  	s7 =	smul.u32 @!p0 $0xF7A, s2;
	p2 =	seq.s32 @!p0 s5, $0x0  }
0x1f: {  	s9 =	smul.u32 $0xF7A, s1;
	s8 =	simm.s32 @!p0 $0x1BF5;
	p2 =	por !p2, p0  }
0x20: {  	[sflag:s8] =	ssyncset.s32 @!p0 $0xFFFFF086;
	s6 =	sadd.s32 @!p0 s3, s7;
	s7 =	simm.s32 @!p0 $0x108  }
0x21: {  	s3 =	sadd.s32 s3, s9;
	s6 =	sadd.s32 @!p0 $0x88, s6;
	s7 =	simm.s32 @p2 $0x1082  }
0x22: {  	[simem:s7], [sflag:s8] =	dma.local @!p0 [hbm:s6], $0xF7A  }
0x23: {  	s9 =	sor.u32 $0xD0000000, s2;
	s6 =	simm.s32 $0x108;
	_ =	swait.ge @!p0 [sflag:s8], $0x0  }
0x24: {  	s3 =	sadd.s32 $0x88, s3;
	s6 =	simm.s32 @!p1 $0x1082;
	[sflag:s4] =	ssyncset.s32 $0xFFFFF086  }
0x25: {  	[simem:s6], [sflag:s4] =	dma.local [hbm:s3], $0xF7A  }
0x26: {  	[smem:$0x3F9F] =	sst s1;
	(tag) =	ssettag s2;
	_ =	strace s9  }
0x27: {  	s1 =	sld [smem:$0x3FAF]  }
0x28: {  	s2 =	sld [smem:$0x3FB0]  }
0x29: {  	s4 =	sld [smem:$0x3FB2]  }
0x2a: {  	p0 =	seq.s32 s5, $0x0;
	s5 =	sld [smem:$0x3FB3]  }
0x2b: {  	s6 =	sld [smem:$0x3FB4]  }
0x2c: {  	s7 =	sld [smem:$0x3FB5]  }
0x2d: {  	s3 =	simm.s32 $0x108;
	s8 =	sld [smem:$0x3FB6]  }
0x2e: {  	s3 =	simm.s32 @!p0 $0x1082;
	s9 =	sld [smem:$0x3FB7]  }
0x2f: {  	lr =	sadd.s32 s0, s3;
	s0 =	sld [smem:$0x3FAE]  }
0x30: {  	s3 =	sld [smem:$0x3FB1]  }
0x31: {  	[smem:$0x3FBA] =	sst s10  }
0x32: {  	s10 =	sld [smem:$0x3FB8];
	_ =	sdelay $0x3  }
0x33: {  	p0 =	seq.s32 s10, $0x1;
	s10 =	sld [smem:$0x3FBA];
	_ =	sdelay $0x3  }
0x34: {  	[smem:$0x3FBA] =	sst s10  }
0x35: {  	s10 =	sld [smem:$0x3FB9];
	_ =	sdelay $0x3  }
0x36: {  	p1 =	seq.s32 s10, $0x1;
	s10 =	sld [smem:$0x3FBA];
	_ =	sdelay $0x3  }
0x37: {  	[smem:$0x3FBA] =	sst s10  }
0x38: {  	s10 =	sld [smem:$0x3FBB]  }
0x39: {  	_ = 	snop;
	(pc) =	sbr.ind lr, $3  }
0x3a: {  	_ = 	snop  }
0x3b: {  	_ = 	snop  }
0x3c: {  	p2 =	seq.s32 s10, $0x1;
	s10 =	sld [smem:$0x3FBA]  }
0x3d: {  	_ =	shalt  }
0x3e: {  	_ =	shalt  }
0x3f: {  	_ =	shalt  }
0x40: {  	_ =	shalt  }
0x41: {  	_ =	shalt  }
0x42: {  	_ =	shalt  }
0x43: {  	_ =	shalt  }
0x44: {  	_ =	shalt  }
0x45: {  	_ =	shalt  }
0x46: {  	_ =	shalt  }
0x47: {  	_ =	shalt  }
0x48: {  	_ =	shalt  }
0x49: {  	_ =	shalt  }
0x4a: {  	_ =	shalt  }
0x4b: {  	_ =	shalt  }
0x4c: {  	_ =	shalt  }
0x4d: {  	_ =	shalt  }
0x4e: {  	_ =	shalt  }
0x4f: {  	_ =	shalt  }
0x50: {  	_ =	shalt  }
0x51: {  	_ =	shalt  }
0x52: {  	_ =	shalt  }
0x53: {  	_ =	shalt  }
0x54: {  	_ =	shalt  }
0x55: {  	_ =	shalt  }
0x56: {  	_ =	shalt  }
0x57: {  	_ =	shalt  }
0x58: {  	_ =	shalt  }
0x59: {  	_ =	shalt  }
0x5a: {  	_ =	shalt  }
0x5b: {  	_ =	shalt  }
0x5c: {  	_ =	shalt  }
0x5d: {  	_ =	shalt  }
0x5e: {  	_ =	shalt  }
0x5f: {  	_ =	shalt  }
0x60: {  	_ =	shalt  }
0x61: {  	_ =	shalt  }
0x62: {  	_ =	shalt  }
0x63: {  	_ =	shalt  }
0x64: {  	_ =	shalt  }
0x65: {  	_ =	shalt  }
0x66: {  	_ =	shalt  }
0x67: {  	_ =	shalt  }
0x68: {  	_ =	shalt  }
0x69: {  	_ =	shalt  }
0x6a: {  	_ =	shalt  }
0x6b: {  	_ =	shalt  }
0x6c: {  	_ =	shalt  }
0x6d: {  	_ =	shalt  }
0x6e: {  	_ =	shalt  }
0x6f: {  	_ =	shalt  }
0x70: {  	_ =	shalt  }
0x71: {  	_ =	shalt  }
0x72: {  	_ =	shalt  }
0x73: {  	_ =	shalt  }
0x74: {  	_ =	shalt  }
0x75: {  	_ =	shalt  }
0x76: {  	_ =	shalt  }
0x77: {  	_ =	shalt  }
0x78: {  	_ =	shalt  }
0x79: {  	_ =	shalt  }
0x7a: {  	_ =	shalt  }
0x7b: {  	_ =	shalt  }
0x7c: {  	_ =	shalt  }
0x7d: {  	_ =	shalt  }
0x7e: {  	_ =	shalt  }
0x7f: {  	_ =	shalt  }
0x80: {  	_ =	shalt  }
0x81: {  	_ =	shalt  }
0x82: {  	_ =	shalt  }
0x83: {  	_ =	shalt  }
0x84: {  	_ =	shalt  }
0x85: {  	_ =	shalt  }
0x86: {  	_ =	shalt  }
0x87: {  	_ =	shalt  }
.Lfunc_end0:
.L_simem_size_0:
called_computation_lowered:
.L_overlay_start_0:
0x88: {  	s2 =	sld [smem:$0x3FD9]  }
0x89: {  	s3 =	sld [smem:$0x3FFE];
	_ =	sdelay $0x1  }
0x8a: {  	s1 =	srdreg.scid  }
0x8b: {  	s0 =	sand.u32 $0x1, s1  }
0x8c: {  	s18 =	sshll.u32 s0, $0xA;
	s2 =	sadd.s32 s3, s2  }
0x8d: {  	s2 =	sadd.s32 s2, s18  }
0x8e: {  	[smem:$0x3FC6] =	sst s2  }
0x8f: {  	_ = 	snop  }
0x90: {  	s2 =	sld [smem:$0x3FC9]  }
0x91: {  	s19 =	sld [smem:$0x3FC8]  }
0x92: {  	s4 =	sld [smem:$0x3FD0];
	(tm) =	ssettm $0x1  }
0x93: {  	s5 =	sld [smem:$0x3FFB];
	_ =	sdelay $0x3  }
0x94: {  	_ =	strace s5  }
0x95: {  	s5 =	sld [smem:$0x3FFC];
	_ =	sdelay $0x3  }
0x96: {  	_ =	strace s5  }
0x97: {  	s5 =	sld [smem:$0x3FFD];
	_ =	sdelay $0x3  }
0x98: {  	_ =	strace s5  }
0x99: {  	_ =	strace $0x8FFFFFFF  }
0x9a: {  	s20 =	sld [smem:$0x3FDB];
	_ =	sdelay $0x1  }
0x9b: {  	s6 =	simm.s32 $_scs_section_size  }
0x9c: {  	s7 =	simm.s32 $_size__tile_overlayer_lowered;
	s8 =	simm.s32 $_tile_overlayer_lowered  }
0x9d: {  	s23 =	simm.s32 $0x1BFF;
	s22 =	sshll.u32 s8, $0x1;
	s5 =	sadd.s32 s6, s20  }
0x9e: {  	s9 =	simm.s32 $0x0;
	s21 =	sshll.u32 s7, $0x1;
	s7 =	sadd.s32 s22, s5  }
0x9f: {  	[timem:s9], [sflag:s23] =	dma.local [hbm:s7], s21  }
0xa0: {  	_ =	swait.ge [sflag:s23], s21  }
0xa1: {  	s6 =	ssub.s32 $0x0, s21;
	[sflag:s23] =	ssyncset.done $0x0  }
0xa2: {  	[sflag:s23] =	ssyncadd.s32 s6;
	_ =	sdelay $0x1  }
0xa3: {  	s24 =	simm.s32 $0x1B8B  }
0xa4: {  	_ =	swait.ge [sflag:s24], $0x1  }
0xa5: {  	[sflag:s24] =	ssyncset.done $0x0  }
0xa6: {  	s25 =	simm.s32 $0x1B8E;
	[sflag:s24] =	ssyncadd.s32 $0xFFFFFFFF  }
0xa7: {  	s26 =	simm.s32 $execute0_lowered;
	[smem:$0x3FD2] =	sst s25  }
0xa8: {  	s6 =	sshll.u32 s26, $0x1;
	_ =	strace $0x80000046;
	[dreg:$0x1] =	wrdreg $0xFFFFFFFF  }
0xa9: {  	s28 =	simm.s32 $_size_execute0_lowered;
	s5 =	sadd.s32 s5, s6;
	[dreg:$0x0] =	wrdreg $0x0  }
0xaa: {  	s6 =	sshll.u32 s28, $0x1;
	[dreg:$0x2] =	wrdreg s5  }
0xab: {  	[dreg:$0x3] =	wrdreg s6  }
0xac: {  	[dreg:$0x4] =	wrdreg $0xC0  }
0xad: {  	_ =	task [dreg:s9], $0x5FFFF  }
0xae: {  	[dreg:$0x1] =	wrdreg $0xFFFFFFFF  }
0xaf: {  	[dreg:$0x0] =	wrdreg $0x60  }
0xb0: {  	[dreg:$0x2] =	wrdreg s2  }
0xb1: {  	[dreg:$0x3] =	wrdreg s19  }
0xb2: {  	[dreg:$0x4] =	wrdreg s4  }
0xb3: {  	[dreg:$0x5] =	wrdreg $0x9  }
0xb4: {  	_ =	task.clear_ibuf [dreg:s9], $0x6FFFF;
	_ =	strace $0x90000046  }
0xb5: {  	s29 =	simm.s32 $0x9;
	_ =	strace $0x80000048  }
0xb6: {  	_ =	swait.ge [sflag:s29], $0x1  }
0xb7: {  	[sflag:s29] =	ssyncadd.s32 $0xFFFFFFFF  }
0xb8: {  	_ =	strace $0x90000048  }
0xb9: {  	_ =	sfence  }
0xba: {  	s30 =	sld [smem:$0x0];
	_ =	sdelay $0x2  }
0xbb: {  	s31 =	sshll.u32 s1, $0xD;
	s1 =	sshrl.u32 s1, $0x2  }
0xbc: {  	s3 =	sand.u32 $0x4000, s31;
	s1 =	sadd.s32 s1, s30  }
0xbd: {  	s0 =	sor.u32 s3, s0;
	s1 =	sshll.u32 s1, $0x11  }
0xbe: {  	s0 =	sor.u32 s1, s0  }
0xbf: {  	s0 =	sadd.s32 $0x8F2B, s0  }
0xc0: {  	[sflag:s0] =	ssyncadd.remote.s32 $0x1  }
0xc1: {  	_ =	sfence.sel $0xFFFF  }
0xc2: {  	[dreg:$0x0] =	wrdreg $0xFFFFFFFF;
	(pc) =	sbr.abs _section_cstart, $3  }
0xc3: {  	[dreg:$0x1] =	wrdreg $0xFFFFFFFF  }
0xc4: {  	_ =	task.clear_ibuf [dreg:s9], $0x2FFFF;
	_ =	strace $0x9FFFFFFF  }
0xc5: {  	(tm) =	ssettm $0x7FFFFFFF  }
tec
execute0_lowered:
.L_overlay_start_1:
0x0: {  	(tag) =	ssettag $0x1  }
0x1: {  	s0 =	rddreg [dreg:$0x0]  }
0x2: {  	s2 =	rddreg [dreg:$0x1];
	s1 =	srdreg.scid  }
0x3: {  	s4 =	stileid.u32;
	s3 =	rddreg [dreg:$0x2]  }
0x4: {  	s10 =	simm.s32 $0xB;
	s11 =	simm.s32 $0x80;
	s13 =	simm.s32 $0x3500  }
0x5: {  	v0 =	vlaneseq.u32;
	s15 =	simm.s32 $0x7500;
	s17 =	simm.s32 $0xB500;
	s18 =	simm.s32 $0x1  }
0x6: {  	s19 =	simm.s32 $0xF500;
	s20 =	simm.s32 $0x2;
	s21 =	simm.s32 $0x13500;
	v0 =	vmul.u32 $0x32, v0  }
0x7: {  	s22 =	simm.s32 $0x3;
	s23 =	simm.s32 $0x6;
	s24 =	simm.s32 $0x4  }
0x8: {  	s25 =	simm.s32 $0x7;
	s1 =	sand.u32 $0x1, s1;
	s5 =	sshll.u32 s4, $0x1;
	v1 =	vadd.s32 $0x320, v0;
	v2 =	vadd.s32 $0x640, v0  }
0x9: {  	s28 =	simm.s32 $0x8;
	s29 =	simm.s32 $0x9;
	s5 =	sor.u32 s1, s5;
	v3 =	vadd.s32 $0x960, v0;
	v4 =	vadd.s32 $0xC80, v0;
	v5 =	vadd.s32 $0xFA0, v0  }
0xa: {  	s30 =	simm.s32 $0xA;
	s31 =	simm.s32 $0x0;
	s6 =	smul.u32 $0x320, s5;
	v6 =	vadd.s32 $0x12C0, v0;
	v7 =	vadd.s32 $0x15E0, v0;
	v8 =	vor.u32 $0x1, v0  }
.Ltmp0:
0xb: {  	s4 =	simm.s32 $0x0;
	s1 =	ssub.s32 $0x2, s1;
	v9 =	vadd.s32 $0x321, v0;
	v10 =	vadd.s32 $0x641, v0;
	v11 =	vadd.s32 $0x961, v0;
	(pc) =	sbr.rel .LBB2_1-.Ltmp0, $4  }
0xc: {  	s8 =	sadd.s32 $0x20000, s3;
	[smem:$0x7FF] =	sst s4;
	s7 =	sshrl.u32 s1, $0x1;
	v12 =	vadd.s32 $0xC81, v0;
	v13 =	vadd.s32 $0xFA1, v0;
	v14 =	vadd.s32 $0x12C1, v0  }
0xd: {  	_ =	strace $0x80000047;
	v15 =	vadd.s32 $0x15E1, v0;
	v16 =	vadd.s32 $0x2, v0;
	v17 =	vadd.s32 $0x322, v0;
	s1 =	ssub.s32 s1, s7;
	s0 =	sadd.s32 s0, s6  }
0xe: {  	v18 =	vadd.s32 $0x642, v0;
	v19 =	vadd.s32 $0x962, v0;
	v20 =	vadd.s32 $0xC82, v0;
	s7 =	sadd.s32 $0x10000, s3;
	s26 =	smax.u32 s1, $0x1;
	[dreg:$0x4] =	wrdreg s0  }
0xf: {  	v21 =	vadd.s32 $0xFA2, v0;
	v22 =	vadd.s32 $0x12C2, v0;
	v23 =	vadd.s32 $0x15E2, v0;
	s6 =	sshll.u32 s5, $0xB;
	[dreg:$0x5] =	wrdreg s26;
	s26 =	simm.s32 $0x5  }
.LBB2_16:
0x10: {  	_ =	swait.ge [sflag:s29], $0x4000  }
0x11: {  	[sflag:s29] =	ssyncset.done $0x0  }
0x12: {  	[sflag:s29] =	ssyncadd.s32 $0xFFFFC000  }
0x13: {  	_ =	swait.ge [sflag:s30], $0x4000  }
0x14: {  	s31 =	sadd.s32 $0x1, s31;
	s0 =	rddreg [dreg:$0x5]  }
0x15: {  	p0 =	sne.s32 s31, s0  }
.Ltmp1:
0x16: {  	_ = 	snop;
	(pc) =	sbr.rel @!p0 .LBB2_17-.Ltmp1, $3  }
0x17: {  	_ =	sdelay $0x1  }
0x18: {  	[sflag:s30] =	ssyncset.done $0x0  }
0x19: {  	[sflag:s30] =	ssyncadd.s32 $0xFFFFC000  }
.LBB2_1:
0x1a: {  	s0 =	rddreg [dreg:$0x4]  }
0x1b: {  	[tilespmem:s4], [sflag:$0xB] =	stream.linear.gather [hbm4b:s0+s4], $0x1900, $0x38;
	[tilespmem:$0x17500] =	vst v63  }
0x1c: {  	_ =	swait.ge [sflag:s10], $0x1900  }
0x1d: {  	[sflag:s10] =	ssyncset.done $0x0  }
0x1e: {  	[sflag:s10] =	ssyncadd.s32 $0xFFFFE700  }
0x1f: {  	v24 =	vld.idx.msk [tilespmem:v0+s4+$0x0], $0xffff;
	_ =	sdelay $0x4  }
0x20: {  	[tilespmem:$0x1900] =	vst v24  }
0x21: {  	v24 =	vld.idx.msk [tilespmem:v1+s4+$0x0], $0xffff;
	_ =	sdelay $0x4  }
0x22: {  	[tilespmem:$0x1910] =	vst v24  }
0x23: {  	v24 =	vld.idx.msk [tilespmem:v2+s4+$0x0], $0xffff;
	_ =	sdelay $0x4  }
0x24: {  	[tilespmem:$0x1920] =	vst v24  }
0x25: {  	v24 =	vld.idx.msk [tilespmem:v3+s4+$0x0], $0xffff;
	_ =	sdelay $0x4  }
0x26: {  	[tilespmem:$0x1930] =	vst v24  }
0x27: {  	v24 =	vld.idx.msk [tilespmem:v4+s4+$0x0], $0xffff;
	_ =	sdelay $0x4  }
0x28: {  	[tilespmem:$0x1940] =	vst v24  }
0x29: {  	v24 =	vld.idx.msk [tilespmem:v5+s4+$0x0], $0xffff;
	_ =	sdelay $0x4  }
0x2a: {  	[tilespmem:$0x1950] =	vst v24  }
0x2b: {  	v24 =	vld.idx.msk [tilespmem:v6+s4+$0x0], $0xffff;
	_ =	sdelay $0x4  }
0x2c: {  	[tilespmem:$0x1960] =	vst v24  }
0x2d: {  	v24 =	vld.idx.msk [tilespmem:v7+s4+$0x0], $0xffff;
	_ =	sdelay $0x4  }
0x2e: {  	s12 =	simm.s32 $0x1900;
	[tilespmem:$0x1970] =	vst v24  }
0x2f: {  	[tilespmem:s13], [sflag:$0x1] =	stream.indirect.gather [hbm4b:s2+s11], $0x80, s12, s11, $0xb8;
	[tilespmem:$0x17500] =	vst v63  }
0x30: {  	v24 =	vld.idx.msk [tilespmem:v8+s4+$0x0], $0xffff;
	_ =	sdelay $0x4  }
0x31: {  	[tilespmem:$0x1980] =	vst v24  }
0x32: {  	v24 =	vld.idx.msk [tilespmem:v9+s4+$0x0], $0xffff;
	_ =	sdelay $0x4  }
0x33: {  	[tilespmem:$0x1990] =	vst v24  }
0x34: {  	v24 =	vld.idx.msk [tilespmem:v10+s4+$0x0], $0xffff;
	_ =	sdelay $0x4  }
0x35: {  	[tilespmem:$0x19A0] =	vst v24  }
0x36: {  	v24 =	vld.idx.msk [tilespmem:v11+s4+$0x0], $0xffff;
	_ =	sdelay $0x4  }
0x37: {  	[tilespmem:$0x19B0] =	vst v24  }
0x38: {  	v24 =	vld.idx.msk [tilespmem:v12+s4+$0x0], $0xffff;
	_ =	sdelay $0x4  }
0x39: {  	[tilespmem:$0x19C0] =	vst v24  }
0x3a: {  	v24 =	vld.idx.msk [tilespmem:v13+s4+$0x0], $0xffff;
	_ =	sdelay $0x4  }
0x3b: {  	[tilespmem:$0x19D0] =	vst v24  }
0x3c: {  	v24 =	vld.idx.msk [tilespmem:v14+s4+$0x0], $0xffff;
	_ =	sdelay $0x4  }
0x3d: {  	[tilespmem:$0x19E0] =	vst v24  }
0x3e: {  	v24 =	vld.idx.msk [tilespmem:v15+s4+$0x0], $0xffff;
	_ =	sdelay $0x4  }
0x3f: {  	s14 =	simm.s32 $0x1980;
	[tilespmem:$0x19F0] =	vst v24  }
0x40: {  	[tilespmem:s15], [sflag:$0x2] =	stream.indirect.gather [hbm4b:s2+s11], $0x80, s14, s11, $0xb8;
	[tilespmem:$0x17500] =	vst v63  }
0x41: {  	v24 =	vld.idx.msk [tilespmem:v16+s4+$0x0], $0xffff;
	_ =	sdelay $0x4  }
0x42: {  	[tilespmem:$0x1A00] =	vst v24  }
0x43: {  	v24 =	vld.idx.msk [tilespmem:v17+s4+$0x0], $0xffff;
	_ =	sdelay $0x4  }
0x44: {  	[tilespmem:$0x1A10] =	vst v24  }
0x45: {  	v24 =	vld.idx.msk [tilespmem:v18+s4+$0x0], $0xffff;
	_ =	sdelay $0x4  }
0x46: {  	[tilespmem:$0x1A20] =	vst v24  }
0x47: {  	v24 =	vld.idx.msk [tilespmem:v19+s4+$0x0], $0xffff;
	_ =	sdelay $0x4  }
0x48: {  	[tilespmem:$0x1A30] =	vst v24  }
0x49: {  	v24 =	vld.idx.msk [tilespmem:v20+s4+$0x0], $0xffff;
	_ =	sdelay $0x4  }
0x4a: {  	[tilespmem:$0x1A40] =	vst v24  }
0x4b: {  	v24 =	vld.idx.msk [tilespmem:v21+s4+$0x0], $0xffff;
	_ =	sdelay $0x4  }
0x4c: {  	[tilespmem:$0x1A50] =	vst v24  }
0x4d: {  	v24 =	vld.idx.msk [tilespmem:v22+s4+$0x0], $0xffff;
	_ =	sdelay $0x4  }
0x4e: {  	[tilespmem:$0x1A60] =	vst v24  }
0x4f: {  	v24 =	vld.idx.msk [tilespmem:v23+s4+$0x0], $0xffff;
	_ =	sdelay $0x1  }
0x50: {  	v25 =	vadd.s32 s22, v0;
	_ =	sdelay $0x2  }
0x51: {  	s16 =	simm.s32 $0x1A00;
	[tilespmem:$0x1A70] =	vst v24  }
0x52: {  	[tilespmem:s17], [sflag:$0x3] =	stream.indirect.gather [hbm4b:s2+s11], $0x80, s16, s11, $0xb8;
	[tilespmem:$0x17500] =	vst v63  }
0x53: {  	s1 =	simm.s32 $0x323;
	v24 =	vld.idx.msk [tilespmem:v25+s4+$0x0], $0xffff  }
0x54: {  	v25 =	vadd.s32 s1, v0;
	_ =	sdelay $0x2  }
0x55: {  	s0 =	simm.s32 $0x1AF0  }
0x56: {  	[tilespmem:s0+$0xFFFFFF90] =	vst v24  }
0x57: {  	s1 =	simm.s32 $0x643;
	v24 =	vld.idx.msk [tilespmem:v25+s4+$0x0], $0xffff  }
0x58: {  	v25 =	vadd.s32 s1, v0;
	_ =	sdelay $0x3  }
0x59: {  	[tilespmem:s0+$0xFFFFFFA0] =	vst v24  }
0x5a: {  	s5 =	simm.s32 $0x963;
	v24 =	vld.idx.msk [tilespmem:v25+s4+$0x0], $0xffff  }
0x5b: {  	v25 =	vadd.s32 s5, v0;
	_ =	sdelay $0x3  }
0x5c: {  	[tilespmem:s0+$0xFFFFFFB0] =	vst v24  }
0x5d: {  	s9 =	simm.s32 $0xC83;
	v24 =	vld.idx.msk [tilespmem:v25+s4+$0x0], $0xffff  }
0x5e: {  	v25 =	vadd.s32 s9, v0;
	_ =	sdelay $0x3  }
0x5f: {  	[tilespmem:s0+$0xFFFFFFC0] =	vst v24  }
0x60: {  	s12 =	simm.s32 $0xFA3;
	v24 =	vld.idx.msk [tilespmem:v25+s4+$0x0], $0xffff  }
0x61: {  	v25 =	vadd.s32 s12, v0;
	_ =	sdelay $0x3  }
0x62: {  	[tilespmem:s0+$0xFFFFFFD0] =	vst v24  }
0x63: {  	s14 =	simm.s32 $0x12C3;
	v24 =	vld.idx.msk [tilespmem:v25+s4+$0x0], $0xffff  }
0x64: {  	v25 =	vadd.s32 s14, v0;
	_ =	sdelay $0x3  }
0x65: {  	[tilespmem:s0+$0xFFFFFFE0] =	vst v24  }
0x66: {  	s16 =	simm.s32 $0x15E3;
	v24 =	vld.idx.msk [tilespmem:v25+s4+$0x0], $0xffff  }
0x67: {  	v25 =	vadd.s32 s16, v0;
	_ =	sdelay $0x3  }
0x68: {  	[tilespmem:s0+$0xFFFFFFF0] =	vst v24  }
0x69: {  	s12 =	simm.s32 $0x4;
	v24 =	vld.idx.msk [tilespmem:v25+s4+$0x0], $0xffff  }
0x6a: {  	s14 =	simm.s32 $0x5;
	v25 =	vadd.s32 s12, v0  }
.LBB2_2:
0x6b: {  	p0 =	sne.s32 s14, $0x31;
	_ =	sdelay $0x2  }
0x6c: {  	s1 =	simm.s32 $0x0;
	[tilespmem:s0+$0x0] =	vst v24  }
0x6d: {  	v24 =	vld.idx.msk [tilespmem:v25+s1+$0x0], $0xffff  }
0x6e: {  	s5 =	sadd.s32 $0x320, s12  }
0x6f: {  	v25 =	vadd.s32 s5, v0;
	_ =	sdelay $0x2  }
0x70: {  	s0 =	sadd.s32 $0x80, s0  }
0x71: {  	[tilespmem:s0+$0xFFFFFF90] =	vst v24  }
0x72: {  	v24 =	vld.idx.msk [tilespmem:v25+s1+$0x0], $0xffff  }
0x73: {  	s5 =	sadd.s32 $0x640, s12  }
0x74: {  	v25 =	vadd.s32 s5, v0;
	_ =	sdelay $0x3  }
0x75: {  	[tilespmem:s0+$0xFFFFFFA0] =	vst v24  }
0x76: {  	v24 =	vld.idx.msk [tilespmem:v25+s1+$0x0], $0xffff  }
0x77: {  	s5 =	sadd.s32 $0x960, s12  }
0x78: {  	v25 =	vadd.s32 s5, v0;
	_ =	sdelay $0x3  }
0x79: {  	[tilespmem:s0+$0xFFFFFFB0] =	vst v24  }
0x7a: {  	v24 =	vld.idx.msk [tilespmem:v25+s1+$0x0], $0xffff  }
0x7b: {  	s5 =	sadd.s32 $0xC80, s12  }
0x7c: {  	v25 =	vadd.s32 s5, v0;
	_ =	sdelay $0x3  }
0x7d: {  	[tilespmem:s0+$0xFFFFFFC0] =	vst v24  }
0x7e: {  	v24 =	vld.idx.msk [tilespmem:v25+s1+$0x0], $0xffff  }
0x7f: {  	s5 =	sadd.s32 $0xFA0, s12  }
0x80: {  	v25 =	vadd.s32 s5, v0;
	_ =	sdelay $0x3  }
0x81: {  	[tilespmem:s0+$0xFFFFFFD0] =	vst v24  }
0x82: {  	v24 =	vld.idx.msk [tilespmem:v25+s1+$0x0], $0xffff  }
0x83: {  	s5 =	sadd.s32 $0x12C0, s12  }
0x84: {  	v25 =	vadd.s32 s5, v0;
	_ =	sdelay $0x3  }
0x85: {  	[tilespmem:s0+$0xFFFFFFE0] =	vst v24  }
0x86: {  	v24 =	vld.idx.msk [tilespmem:v25+s1+$0x0], $0xffff  }
0x87: {  	s5 =	sadd.s32 $0x15E0, s12;
	s12 =	smov.u32 s14  }
0x88: {  	v25 =	vadd.s32 s5, v0;
	_ =	sdelay $0x2  }
.Ltmp2:
0x89: {  	(pc) =	sbr.rel @p0 .LBB2_2-.Ltmp2, $3  }
0x8a: {  	[tilespmem:s0+$0xFFFFFFF0] =	vst v24  }
0x8b: {  	v24 =	vld.idx.msk [tilespmem:v25+s1+$0x0], $0xffff;
	_ =	sdelay $0x1  }
0x8c: {  	s14 =	sadd.s32 $0x1, s14;
	v25 =	vadd.s32 s12, v0  }
0x8d: {  	_ =	sdelay $0x2  }
0x8e: {  	[tilespmem:s0+$0x0] =	vst v24  }
0x8f: {  	s5 =	sadd.s32 $0x320, s12;
	v24 =	vld.idx.msk [tilespmem:v25+s1+$0x0], $0xffff  }
0x90: {  	v57 =	vadd.s32 s5, v0;
	_ =	sdelay $0x2  }
0x91: {  	s0 =	sadd.s32 $0x80, s0  }
0x92: {  	[tilespmem:s0+$0xFFFFFF90] =	vst v24  }
0x93: {  	s9 =	sadd.s32 $0x640, s12;
	v24 =	vld.idx.msk [tilespmem:v57+s1+$0x0], $0xffff  }
0x94: {  	v58 =	vadd.s32 s9, v0;
	_ =	sdelay $0x3  }
0x95: {  	[tilespmem:s0+$0xFFFFFFA0] =	vst v24  }
0x96: {  	s14 =	sadd.s32 $0x960, s12;
	v24 =	vld.idx.msk [tilespmem:v58+s1+$0x0], $0xffff  }
0x97: {  	v59 =	vadd.s32 s14, v0;
	_ =	sdelay $0x3  }
0x98: {  	[tilespmem:s0+$0xFFFFFFB0] =	vst v24  }
0x99: {  	s16 =	sadd.s32 $0xC80, s12;
	v24 =	vld.idx.msk [tilespmem:v59+s1+$0x0], $0xffff  }
0x9a: {  	v60 =	vadd.s32 s16, v0;
	_ =	sdelay $0x3  }
0x9b: {  	[tilespmem:s0+$0xFFFFFFC0] =	vst v24  }
0x9c: {  	s9 =	sadd.s32 $0xFA0, s12;
	v24 =	vld.idx.msk [tilespmem:v60+s1+$0x0], $0xffff  }
0x9d: {  	v61 =	vadd.s32 s9, v0;
	_ =	sdelay $0x3  }
0x9e: {  	[tilespmem:s0+$0xFFFFFFD0] =	vst v24  }
0x9f: {  	s14 =	sadd.s32 $0x12C0, s12;
	v24 =	vld.idx.msk [tilespmem:v61+s1+$0x0], $0xffff  }
0xa0: {  	v62 =	vadd.s32 s14, v0;
	_ =	sdelay $0x3  }
0xa1: {  	[tilespmem:s0+$0xFFFFFFE0] =	vst v24  }
0xa2: {  	s16 =	sadd.s32 $0x15E0, s12;
	v24 =	vld.idx.msk [tilespmem:v62+s1+$0x0], $0xffff  }
0xa3: {  	v63 =	vadd.s32 s16, v0;
	_ =	sdelay $0x3  }
0xa4: {  	[tilespmem:s0+$0xFFFFFFF0] =	vst v24  }
0xa5: {  	v24 =	vld.idx.msk [tilespmem:v63+s1+$0x0], $0xffff;
	_ =	sdelay $0x4  }
0xa6: {  	[tilespmem:s0+$0x0] =	vst v24  }
.LBB2_4:
0xa7: {  	_ =	swait.ge [sflag:s18], $0x4000  }
0xa8: {  	[sflag:s18] =	ssyncset.done $0x0  }
0xa9: {  	s0 =	simm.s32 $0x0;
	[sflag:s18] =	ssyncadd.s32 $0xFFFFC000  }
0xaa: {  	v24 =	vld [tilespmem:s0+$0x3500]  }
0xab: {  	v25 =	vld [tilespmem:s0+$0x3510]  }
0xac: {  	v26 =	vld [tilespmem:s0+$0x3520]  }
0xad: {  	v27 =	vld [tilespmem:s0+$0x3530]  }
0xae: {  	v28 =	vld [tilespmem:s0+$0x3540]  }
0xaf: {  	v29 =	vld [tilespmem:s0+$0x3550];
	v24 =	vmul.f32 $1.131370830e+01, v24  }
0xb0: {  	v30 =	vld [tilespmem:s0+$0x3560];
	v25 =	vmul.f32 $1.131370830e+01, v25  }
0xb1: {  	v31 =	vld [tilespmem:s0+$0x3570];
	[tilespmem:s0+$0x3500] =	vst v24;
	v24 =	vmul.f32 $1.131370830e+01, v26  }
0xb2: {  	v32 =	vld [tilespmem:s0+$0x3580];
	[tilespmem:s0+$0x3510] =	vst v25;
	v25 =	vmul.f32 $1.131370830e+01, v27  }
0xb3: {  	p0 =	por $0x1, $0x1;
	v33 =	vld [tilespmem:s0+$0x3590];
	[tilespmem:s0+$0x3520] =	vst v24;
	v24 =	vmul.f32 $1.131370830e+01, v28  }
.Ltmp3:
0xb4: {  	v26 =	vmul.f32 $1.131370830e+01, v29;
	[tilespmem:s0+$0x3530] =	vst v25;
	v25 =	vld [tilespmem:s0+$0x35A0];
	(pc) =	sbr.rel @!p0 .LBB2_6-.Ltmp3, $4  }
0xb5: {  	v27 =	vmul.f32 $1.131370830e+01, v30;
	[tilespmem:s0+$0x3540] =	vst v24;
	v24 =	vld [tilespmem:s0+$0x35B0]  }
0xb6: {  	[tilespmem:s0+$0x3550] =	vst v26;
	v26 =	vld [tilespmem:s0+$0x35C0];
	v28 =	vmul.f32 $1.131370830e+01, v31  }
0xb7: {  	v30 =	vmul.f32 $1.131370830e+01, v32;
	[tilespmem:s0+$0x3560] =	vst v27;
	v27 =	vld [tilespmem:s0+$0x35D0]  }
0xb8: {  	s12 =	simm.s32 $0x400;
	v29 =	vmul.f32 $1.131370830e+01, v33;
	[tilespmem:s0+$0x3570] =	vst v28;
	v28 =	vld [tilespmem:s0+$0x35E0]  }
.LBB2_5:
0xb9: {  	s5 =	sshra.s32 s12, $0x2;
	p0 =	sne.s32 s12, $0xFC00;
	[tilespmem:s0+$0x3580] =	vst v30;
	v25 =	vmul.f32 $1.131370830e+01, v25;
	v30 =	vld [tilespmem:s0+$0x35F0]  }
0xba: {  	v31 =	vld [tilespmem:s5+$0x3500];
	[tilespmem:s0+$0x3590] =	vst v29;
	v24 =	vmul.f32 $1.131370830e+01, v24  }
0xbb: {  	v29 =	vld [tilespmem:s5+$0x3510];
	[tilespmem:s0+$0x35A0] =	vst v25;
	v25 =	vmul.f32 $1.131370830e+01, v26  }
0xbc: {  	v26 =	vld [tilespmem:s5+$0x3520];
	[tilespmem:s0+$0x35B0] =	vst v24;
	v24 =	vmul.f32 $1.131370830e+01, v27  }
0xbd: {  	v27 =	vld [tilespmem:s5+$0x3530];
	[tilespmem:s0+$0x35C0] =	vst v25;
	v25 =	vmul.f32 $1.131370830e+01, v28  }
0xbe: {  	v28 =	vld [tilespmem:s5+$0x3540];
	[tilespmem:s0+$0x35D0] =	vst v24;
	v24 =	vmul.f32 $1.131370830e+01, v30  }
0xbf: {  	v30 =	vmul.f32 $1.131370830e+01, v31;
	v31 =	vld [tilespmem:s5+$0x3550];
	[tilespmem:s0+$0x35E0] =	vst v25  }
0xc0: {  	v25 =	vmul.f32 $1.131370830e+01, v29;
	v29 =	vld [tilespmem:s5+$0x3560];
	[tilespmem:s0+$0x35F0] =	vst v24;
	s0 =	smov.u32 s5  }
0xc1: {  	[tilespmem:s0+$0x3500] =	vst v30;
	v24 =	vmul.f32 $1.131370830e+01, v26;
	v26 =	vld [tilespmem:s0+$0x3570]  }
0xc2: {  	[tilespmem:s0+$0x3510] =	vst v25;
	v25 =	vmul.f32 $1.131370830e+01, v27;
	v27 =	vld [tilespmem:s0+$0x3580]  }
0xc3: {  	[tilespmem:s0+$0x3520] =	vst v24;
	v24 =	vmul.f32 $1.131370830e+01, v28;
	v28 =	vld [tilespmem:s0+$0x3590]  }
.Ltmp4:
0xc4: {  	[tilespmem:s0+$0x3530] =	vst v25;
	v30 =	vmul.f32 $1.131370830e+01, v31;
	v25 =	vld [tilespmem:s0+$0x35A0];
	(pc) =	sbr.rel @p0 .LBB2_5-.Ltmp4, $4  }
0xc5: {  	[tilespmem:s0+$0x3540] =	vst v24;
	v29 =	vmul.f32 $1.131370830e+01, v29;
	v24 =	vld [tilespmem:s0+$0x35B0]  }
0xc6: {  	[tilespmem:s0+$0x3550] =	vst v30;
	v31 =	vmul.f32 $1.131370830e+01, v26;
	v26 =	vld [tilespmem:s0+$0x35C0]  }
0xc7: {  	[tilespmem:s0+$0x3560] =	vst v29;
	v30 =	vmul.f32 $1.131370830e+01, v27;
	v27 =	vld [tilespmem:s0+$0x35D0]  }
0xc8: {  	s12 =	sadd.s32 $0x400, s12;
	[tilespmem:s0+$0x3570] =	vst v31;
	v29 =	vmul.f32 $1.131370830e+01, v28;
	v28 =	vld [tilespmem:s0+$0x35E0]  }
.LBB2_6:
0xc9: {  	[tilespmem:s0+$0x3580] =	vst v30;
	v25 =	vmul.f32 $1.131370830e+01, v25;
	v30 =	vld [tilespmem:s0+$0x35F0]  }
0xca: {  	[tilespmem:s0+$0x3590] =	vst v29;
	v24 =	vmul.f32 $1.131370830e+01, v24  }
0xcb: {  	[tilespmem:s0+$0x35A0] =	vst v25;
	v25 =	vmul.f32 $1.131370830e+01, v26  }
0xcc: {  	[tilespmem:s0+$0x35B0] =	vst v24;
	v24 =	vmul.f32 $1.131370830e+01, v27  }
0xcd: {  	s14 =	smul.u32 $0x50000, s1;
	[tilespmem:s0+$0x35C0] =	vst v25;
	v25 =	vmul.f32 $1.131370830e+01, v28  }
0xce: {  	s12 =	smul.u32 $0x5, s1;
	[tilespmem:s0+$0x35D0] =	vst v24;
	v24 =	vmul.f32 $1.131370830e+01, v30  }
0xcf: {  	p0 =	seq.s32 s1, $0x0;
	s5 =	sadd.s32 s3, s14;
	[tilespmem:s0+$0x35E0] =	vst v25  }
0xd0: {  	s9 =	sadd.s32 s6, s5;
	s5 =	simm.s32 @!p0 $0x9;
	[tilespmem:s0+$0x35F0] =	vst v24;
	s0 =	sadd.s32 $0x3, s12  }
0xd1: {  	[hbm4b:s9+s4] =	stream.linear.scatter [tilespmem:s13], [sflag:$0x6], $0x4000, $0x38;
	[tilespmem:$0x17500] =	vst v63  }
0xd2: {  	s16 =	sshll.u32 s0, $0x7;
	_ =	swait.ge @!p0 [sflag:s5], $0x4000  }
0xd3: {  	s16 =	sand.u32 $0x3FFFFF80, s16;
	[sflag:s5] =	ssyncset.done @!p0 $0x0  }
0xd4: {  	s16 =	sadd.s32 $0x1900, s16;
	[sflag:s5] =	ssyncadd.s32 @!p0 $0xFFFFC000  }
0xd5: {  	[tilespmem:s19], [sflag:$0x4] =	stream.indirect.gather [hbm4b:s2+s11], $0x80, s16, s11, $0xb8;
	[tilespmem:$0x17500] =	vst v63  }
0xd6: {  	_ =	swait.ge [sflag:s20], $0x4000  }
0xd7: {  	[sflag:s20] =	ssyncset.done $0x0  }
0xd8: {  	s16 =	simm.s32 $0x0;
	[sflag:s20] =	ssyncadd.s32 $0xFFFFC000  }
0xd9: {  	v24 =	vld [tilespmem:s16+$0x7500]  }
0xda: {  	v25 =	vld [tilespmem:s16+$0x7510]  }
0xdb: {  	v26 =	vld [tilespmem:s16+$0x7520]  }
0xdc: {  	v27 =	vld [tilespmem:s16+$0x7530]  }
0xdd: {  	v28 =	vld [tilespmem:s16+$0x7540]  }
0xde: {  	v29 =	vld [tilespmem:s16+$0x7550];
	v24 =	vmul.f32 $1.131370830e+01, v24  }
0xdf: {  	v30 =	vld [tilespmem:s16+$0x7560];
	v25 =	vmul.f32 $1.131370830e+01, v25  }
0xe0: {  	v31 =	vld [tilespmem:s16+$0x7570];
	[tilespmem:s16+$0x7500] =	vst v24;
	v24 =	vmul.f32 $1.131370830e+01, v26  }
0xe1: {  	v32 =	vld [tilespmem:s16+$0x7580];
	[tilespmem:s16+$0x7510] =	vst v25;
	v25 =	vmul.f32 $1.131370830e+01, v27  }
0xe2: {  	v33 =	vld [tilespmem:s16+$0x7590];
	[tilespmem:s16+$0x7520] =	vst v24;
	v24 =	vmul.f32 $1.131370830e+01, v28  }
0xe3: {  	v26 =	vmul.f32 $1.131370830e+01, v29;
	[tilespmem:s16+$0x7530] =	vst v25;
	v25 =	vld [tilespmem:s16+$0x75A0]  }
0xe4: {  	v27 =	vmul.f32 $1.131370830e+01, v30;
	[tilespmem:s16+$0x7540] =	vst v24;
	v24 =	vld [tilespmem:s16+$0x75B0]  }
0xe5: {  	[tilespmem:s16+$0x7550] =	vst v26;
	v26 =	vld [tilespmem:s16+$0x75C0];
	v28 =	vmul.f32 $1.131370830e+01, v31  }
0xe6: {  	v30 =	vmul.f32 $1.131370830e+01, v32;
	[tilespmem:s16+$0x7560] =	vst v27;
	v27 =	vld [tilespmem:s16+$0x75D0]  }
0xe7: {  	s5 =	simm.s32 $0x400;
	v29 =	vmul.f32 $1.131370830e+01, v33;
	[tilespmem:s16+$0x7570] =	vst v28;
	v28 =	vld [tilespmem:s16+$0x75E0]  }
.LBB2_7:
0xe8: {  	s9 =	sshra.s32 s5, $0x2;
	p1 =	sne.s32 s5, $0xFC00;
	[tilespmem:s16+$0x7580] =	vst v30;
	v25 =	vmul.f32 $1.131370830e+01, v25;
	v30 =	vld [tilespmem:s16+$0x75F0]  }
0xe9: {  	v31 =	vld [tilespmem:s9+$0x7500];
	[tilespmem:s16+$0x7590] =	vst v29;
	v24 =	vmul.f32 $1.131370830e+01, v24  }
0xea: {  	v29 =	vld [tilespmem:s9+$0x7510];
	[tilespmem:s16+$0x75A0] =	vst v25;
	v25 =	vmul.f32 $1.131370830e+01, v26  }
0xeb: {  	v26 =	vld [tilespmem:s9+$0x7520];
	[tilespmem:s16+$0x75B0] =	vst v24;
	v24 =	vmul.f32 $1.131370830e+01, v27  }
0xec: {  	v27 =	vld [tilespmem:s9+$0x7530];
	[tilespmem:s16+$0x75C0] =	vst v25;
	v25 =	vmul.f32 $1.131370830e+01, v28  }
0xed: {  	v28 =	vld [tilespmem:s9+$0x7540];
	[tilespmem:s16+$0x75D0] =	vst v24;
	v24 =	vmul.f32 $1.131370830e+01, v30  }
0xee: {  	v30 =	vmul.f32 $1.131370830e+01, v31;
	v31 =	vld [tilespmem:s9+$0x7550];
	[tilespmem:s16+$0x75E0] =	vst v25  }
0xef: {  	v25 =	vmul.f32 $1.131370830e+01, v29;
	v29 =	vld [tilespmem:s9+$0x7560];
	[tilespmem:s16+$0x75F0] =	vst v24;
	s16 =	smov.u32 s9  }
0xf0: {  	[tilespmem:s16+$0x7500] =	vst v30;
	v24 =	vmul.f32 $1.131370830e+01, v26;
	v26 =	vld [tilespmem:s16+$0x7570]  }
0xf1: {  	[tilespmem:s16+$0x7510] =	vst v25;
	v25 =	vmul.f32 $1.131370830e+01, v27;
	v27 =	vld [tilespmem:s16+$0x7580]  }
0xf2: {  	[tilespmem:s16+$0x7520] =	vst v24;
	v24 =	vmul.f32 $1.131370830e+01, v28;
	v28 =	vld [tilespmem:s16+$0x7590]  }
.Ltmp5:
0xf3: {  	[tilespmem:s16+$0x7530] =	vst v25;
	v30 =	vmul.f32 $1.131370830e+01, v31;
	v25 =	vld [tilespmem:s16+$0x75A0];
	(pc) =	sbr.rel @p1 .LBB2_7-.Ltmp5, $4  }
0xf4: {  	[tilespmem:s16+$0x7540] =	vst v24;
	v29 =	vmul.f32 $1.131370830e+01, v29;
	v24 =	vld [tilespmem:s16+$0x75B0]  }
0xf5: {  	[tilespmem:s16+$0x7550] =	vst v30;
	v31 =	vmul.f32 $1.131370830e+01, v26;
	v26 =	vld [tilespmem:s16+$0x75C0]  }
0xf6: {  	[tilespmem:s16+$0x7560] =	vst v29;
	v30 =	vmul.f32 $1.131370830e+01, v27;
	v27 =	vld [tilespmem:s16+$0x75D0]  }
0xf7: {  	s5 =	sadd.s32 $0x400, s5;
	[tilespmem:s16+$0x7570] =	vst v31;
	v29 =	vmul.f32 $1.131370830e+01, v28;
	v28 =	vld [tilespmem:s16+$0x75E0]  }
0xf8: {  	[tilespmem:s16+$0x7580] =	vst v30;
	v25 =	vmul.f32 $1.131370830e+01, v25;
	v30 =	vld [tilespmem:s16+$0x75F0]  }
0xf9: {  	[tilespmem:s16+$0x7590] =	vst v29;
	v24 =	vmul.f32 $1.131370830e+01, v24  }
0xfa: {  	[tilespmem:s16+$0x75A0] =	vst v25;
	v25 =	vmul.f32 $1.131370830e+01, v26  }
0xfb: {  	[tilespmem:s16+$0x75B0] =	vst v24;
	v24 =	vmul.f32 $1.131370830e+01, v27  }
0xfc: {  	[tilespmem:s16+$0x75C0] =	vst v25;
	v25 =	vmul.f32 $1.131370830e+01, v28  }
0xfd: {  	[tilespmem:s16+$0x75D0] =	vst v24;
	v24 =	vmul.f32 $1.131370830e+01, v30  }
0xfe: {  	s5 =	sadd.s32 s14, s7;
	[tilespmem:s16+$0x75E0] =	vst v25  }
0xff: {  	s5 =	sadd.s32 s6, s5;
	[tilespmem:s16+$0x75F0] =	vst v24  }
0x100: {  	[hbm4b:s5+s4] =	stream.linear.scatter [tilespmem:s15], [sflag:$0x7], $0x4000, $0x38;
	[tilespmem:$0x17500] =	vst v63  }
0x101: {  	s12 =	sadd.s32 $0x4, s12;
	s5 =	simm.s32 @!p0 $0xA  }
0x102: {  	s9 =	sshll.u32 s12, $0x7;
	_ =	swait.ge @!p0 [sflag:s5], $0x4000  }
0x103: {  	s9 =	sand.u32 $0x3FFFFF80, s9;
	[sflag:s5] =	ssyncset.done @!p0 $0x0  }
0x104: {  	s16 =	sadd.s32 $0x1900, s9;
	[sflag:s5] =	ssyncadd.s32 @!p0 $0xFFFFC000  }
0x105: {  	[tilespmem:s21], [sflag:$0x5] =	stream.indirect.gather [hbm4b:s2+s11], $0x80, s16, s11, $0xb8;
	[tilespmem:$0x17500] =	vst v63  }
0x106: {  	_ =	swait.ge [sflag:s22], $0x4000  }
0x107: {  	[sflag:s22] =	ssyncset.done $0x0  }
0x108: {  	s16 =	simm.s32 $0x0;
	[sflag:s22] =	ssyncadd.s32 $0xFFFFC000  }
0x109: {  	v24 =	vld [tilespmem:s16+$0xB500]  }
0x10a: {  	v25 =	vld [tilespmem:s16+$0xB510]  }
0x10b: {  	v26 =	vld [tilespmem:s16+$0xB520]  }
0x10c: {  	v27 =	vld [tilespmem:s16+$0xB530]  }
0x10d: {  	v28 =	vld [tilespmem:s16+$0xB540]  }
0x10e: {  	v29 =	vld [tilespmem:s16+$0xB550];
	v24 =	vmul.f32 $1.131370830e+01, v24  }
0x10f: {  	v30 =	vld [tilespmem:s16+$0xB560];
	v25 =	vmul.f32 $1.131370830e+01, v25  }
0x110: {  	v31 =	vld [tilespmem:s16+$0xB570];
	[tilespmem:s16+$0xB500] =	vst v24;
	v24 =	vmul.f32 $1.131370830e+01, v26  }
0x111: {  	v32 =	vld [tilespmem:s16+$0xB580];
	[tilespmem:s16+$0xB510] =	vst v25;
	v25 =	vmul.f32 $1.131370830e+01, v27  }
0x112: {  	v33 =	vld [tilespmem:s16+$0xB590];
	[tilespmem:s16+$0xB520] =	vst v24;
	v24 =	vmul.f32 $1.131370830e+01, v28  }
0x113: {  	v26 =	vmul.f32 $1.131370830e+01, v29;
	[tilespmem:s16+$0xB530] =	vst v25;
	v25 =	vld [tilespmem:s16+$0xB5A0]  }
0x114: {  	v27 =	vmul.f32 $1.131370830e+01, v30;
	[tilespmem:s16+$0xB540] =	vst v24;
	v24 =	vld [tilespmem:s16+$0xB5B0]  }
0x115: {  	[tilespmem:s16+$0xB550] =	vst v26;
	v26 =	vld [tilespmem:s16+$0xB5C0];
	v28 =	vmul.f32 $1.131370830e+01, v31  }
0x116: {  	v30 =	vmul.f32 $1.131370830e+01, v32;
	[tilespmem:s16+$0xB560] =	vst v27;
	v27 =	vld [tilespmem:s16+$0xB5D0]  }
0x117: {  	s5 =	simm.s32 $0x400;
	v29 =	vmul.f32 $1.131370830e+01, v33;
	[tilespmem:s16+$0xB570] =	vst v28;
	v28 =	vld [tilespmem:s16+$0xB5E0]  }
.LBB2_9:
0x118: {  	s9 =	sshra.s32 s5, $0x2;
	p0 =	sne.s32 s5, $0xFC00;
	[tilespmem:s16+$0xB580] =	vst v30;
	v25 =	vmul.f32 $1.131370830e+01, v25;
	v30 =	vld [tilespmem:s16+$0xB5F0]  }
0x119: {  	v31 =	vld [tilespmem:s9+$0xB500];
	[tilespmem:s16+$0xB590] =	vst v29;
	v24 =	vmul.f32 $1.131370830e+01, v24  }
0x11a: {  	v29 =	vld [tilespmem:s9+$0xB510];
	[tilespmem:s16+$0xB5A0] =	vst v25;
	v25 =	vmul.f32 $1.131370830e+01, v26  }
0x11b: {  	v26 =	vld [tilespmem:s9+$0xB520];
	[tilespmem:s16+$0xB5B0] =	vst v24;
	v24 =	vmul.f32 $1.131370830e+01, v27  }
0x11c: {  	v27 =	vld [tilespmem:s9+$0xB530];
	[tilespmem:s16+$0xB5C0] =	vst v25;
	v25 =	vmul.f32 $1.131370830e+01, v28  }
0x11d: {  	v28 =	vld [tilespmem:s9+$0xB540];
	[tilespmem:s16+$0xB5D0] =	vst v24;
	v24 =	vmul.f32 $1.131370830e+01, v30  }
0x11e: {  	v30 =	vmul.f32 $1.131370830e+01, v31;
	v31 =	vld [tilespmem:s9+$0xB550];
	[tilespmem:s16+$0xB5E0] =	vst v25  }
0x11f: {  	v25 =	vmul.f32 $1.131370830e+01, v29;
	v29 =	vld [tilespmem:s9+$0xB560];
	[tilespmem:s16+$0xB5F0] =	vst v24;
	s16 =	smov.u32 s9  }
0x120: {  	[tilespmem:s16+$0xB500] =	vst v30;
	v24 =	vmul.f32 $1.131370830e+01, v26;
	v26 =	vld [tilespmem:s16+$0xB570]  }
0x121: {  	[tilespmem:s16+$0xB510] =	vst v25;
	v25 =	vmul.f32 $1.131370830e+01, v27;
	v27 =	vld [tilespmem:s16+$0xB580]  }
0x122: {  	[tilespmem:s16+$0xB520] =	vst v24;
	v24 =	vmul.f32 $1.131370830e+01, v28;
	v28 =	vld [tilespmem:s16+$0xB590]  }
.Ltmp6:
0x123: {  	[tilespmem:s16+$0xB530] =	vst v25;
	v30 =	vmul.f32 $1.131370830e+01, v31;
	v25 =	vld [tilespmem:s16+$0xB5A0];
	(pc) =	sbr.rel @p0 .LBB2_9-.Ltmp6, $4  }
0x124: {  	[tilespmem:s16+$0xB540] =	vst v24;
	v29 =	vmul.f32 $1.131370830e+01, v29;
	v24 =	vld [tilespmem:s16+$0xB5B0]  }
0x125: {  	[tilespmem:s16+$0xB550] =	vst v30;
	v31 =	vmul.f32 $1.131370830e+01, v26;
	v26 =	vld [tilespmem:s16+$0xB5C0]  }
0x126: {  	[tilespmem:s16+$0xB560] =	vst v29;
	v30 =	vmul.f32 $1.131370830e+01, v27;
	v27 =	vld [tilespmem:s16+$0xB5D0]  }
0x127: {  	s5 =	sadd.s32 $0x400, s5;
	[tilespmem:s16+$0xB570] =	vst v31;
	v29 =	vmul.f32 $1.131370830e+01, v28;
	v28 =	vld [tilespmem:s16+$0xB5E0]  }
0x128: {  	[tilespmem:s16+$0xB580] =	vst v30;
	v25 =	vmul.f32 $1.131370830e+01, v25;
	v30 =	vld [tilespmem:s16+$0xB5F0]  }
0x129: {  	[tilespmem:s16+$0xB590] =	vst v29;
	v24 =	vmul.f32 $1.131370830e+01, v24  }
0x12a: {  	[tilespmem:s16+$0xB5A0] =	vst v25;
	v25 =	vmul.f32 $1.131370830e+01, v26  }
0x12b: {  	[tilespmem:s16+$0xB5B0] =	vst v24;
	v24 =	vmul.f32 $1.131370830e+01, v27  }
0x12c: {  	[tilespmem:s16+$0xB5C0] =	vst v25;
	v25 =	vmul.f32 $1.131370830e+01, v28  }
0x12d: {  	[tilespmem:s16+$0xB5D0] =	vst v24;
	v24 =	vmul.f32 $1.131370830e+01, v30  }
0x12e: {  	s5 =	sadd.s32 s14, s8;
	[tilespmem:s16+$0xB5E0] =	vst v25  }
0x12f: {  	p0 =	seq.s32 s1, $0x9;
	s5 =	sadd.s32 s6, s5;
	[tilespmem:s16+$0xB5F0] =	vst v24  }
0x130: {  	[hbm4b:s5+s4] =	stream.linear.scatter [tilespmem:s17], [sflag:$0x8], $0x4000, $0x38;
	[tilespmem:$0x17500] =	vst v63  }
0x131: {  	s5 =	smul.u32 @!p0 $0xA00, s1  }
0x132: {  	_ =	swait.ge [sflag:s23], $0x4000  }
0x133: {  	s9 =	simm.s32 @!p0 $0x80;
	[sflag:s23] =	ssyncset.done $0x0;
	s14 =	sshra.s32 @!p0 s5, $0x2  }
0x134: {  	s16 =	simm.s32 @!p0 $0x3500;
	[sflag:s23] =	ssyncadd.s32 $0xFFFFC000;
	s5 =	sadd.s32 @!p0 $0x1B80, s14  }
0x135: {  	[tilespmem:s16], [sflag:$0x1] =	stream.indirect.gather @!p0 [hbm4b:s2+s9], $0x80, s5, s9, $0xb8;
	[tilespmem:$0x17500] =	vst v63  }
0x136: {  	_ =	swait.ge [sflag:s24], $0x4000  }
0x137: {  	[sflag:s24] =	ssyncset.done $0x0  }
0x138: {  	s16 =	simm.s32 $0x0;
	[sflag:s24] =	ssyncadd.s32 $0xFFFFC000  }
0x139: {  	v24 =	vld [tilespmem:s16+$0xF500]  }
0x13a: {  	v25 =	vld [tilespmem:s16+$0xF510]  }
0x13b: {  	v26 =	vld [tilespmem:s16+$0xF520]  }
0x13c: {  	v27 =	vld [tilespmem:s16+$0xF530]  }
0x13d: {  	v28 =	vld [tilespmem:s16+$0xF540]  }
0x13e: {  	v29 =	vld [tilespmem:s16+$0xF550];
	v24 =	vmul.f32 $1.131370830e+01, v24  }
0x13f: {  	v30 =	vld [tilespmem:s16+$0xF560];
	v25 =	vmul.f32 $1.131370830e+01, v25  }
0x140: {  	v31 =	vld [tilespmem:s16+$0xF570];
	[tilespmem:s16+$0xF500] =	vst v24;
	v24 =	vmul.f32 $1.131370830e+01, v26  }
0x141: {  	v32 =	vld [tilespmem:s16+$0xF580];
	[tilespmem:s16+$0xF510] =	vst v25;
	v25 =	vmul.f32 $1.131370830e+01, v27  }
0x142: {  	v33 =	vld [tilespmem:s16+$0xF590];
	[tilespmem:s16+$0xF520] =	vst v24;
	v24 =	vmul.f32 $1.131370830e+01, v28  }
0x143: {  	v26 =	vmul.f32 $1.131370830e+01, v29;
	[tilespmem:s16+$0xF530] =	vst v25;
	v25 =	vld [tilespmem:s16+$0xF5A0]  }
0x144: {  	v27 =	vmul.f32 $1.131370830e+01, v30;
	[tilespmem:s16+$0xF540] =	vst v24;
	v24 =	vld [tilespmem:s16+$0xF5B0]  }
0x145: {  	[tilespmem:s16+$0xF550] =	vst v26;
	v26 =	vld [tilespmem:s16+$0xF5C0];
	v28 =	vmul.f32 $1.131370830e+01, v31  }
0x146: {  	v30 =	vmul.f32 $1.131370830e+01, v32;
	[tilespmem:s16+$0xF560] =	vst v27;
	v27 =	vld [tilespmem:s16+$0xF5D0]  }
0x147: {  	s5 =	simm.s32 $0x400;
	v29 =	vmul.f32 $1.131370830e+01, v33;
	[tilespmem:s16+$0xF570] =	vst v28;
	v28 =	vld [tilespmem:s16+$0xF5E0]  }
.LBB2_11:
0x148: {  	s9 =	sshra.s32 s5, $0x2;
	p1 =	sne.s32 s5, $0xFC00;
	[tilespmem:s16+$0xF580] =	vst v30;
	v25 =	vmul.f32 $1.131370830e+01, v25;
	v30 =	vld [tilespmem:s16+$0xF5F0]  }
0x149: {  	v31 =	vld [tilespmem:s9+$0xF500];
	[tilespmem:s16+$0xF590] =	vst v29;
	v24 =	vmul.f32 $1.131370830e+01, v24  }
0x14a: {  	v29 =	vld [tilespmem:s9+$0xF510];
	[tilespmem:s16+$0xF5A0] =	vst v25;
	v25 =	vmul.f32 $1.131370830e+01, v26  }
0x14b: {  	v26 =	vld [tilespmem:s9+$0xF520];
	[tilespmem:s16+$0xF5B0] =	vst v24;
	v24 =	vmul.f32 $1.131370830e+01, v27  }
0x14c: {  	v27 =	vld [tilespmem:s9+$0xF530];
	[tilespmem:s16+$0xF5C0] =	vst v25;
	v25 =	vmul.f32 $1.131370830e+01, v28  }
0x14d: {  	v28 =	vld [tilespmem:s9+$0xF540];
	[tilespmem:s16+$0xF5D0] =	vst v24;
	v24 =	vmul.f32 $1.131370830e+01, v30  }
0x14e: {  	v30 =	vmul.f32 $1.131370830e+01, v31;
	v31 =	vld [tilespmem:s9+$0xF550];
	[tilespmem:s16+$0xF5E0] =	vst v25  }
0x14f: {  	v25 =	vmul.f32 $1.131370830e+01, v29;
	v29 =	vld [tilespmem:s9+$0xF560];
	[tilespmem:s16+$0xF5F0] =	vst v24;
	s16 =	smov.u32 s9  }
0x150: {  	[tilespmem:s16+$0xF500] =	vst v30;
	v24 =	vmul.f32 $1.131370830e+01, v26;
	v26 =	vld [tilespmem:s16+$0xF570]  }
0x151: {  	[tilespmem:s16+$0xF510] =	vst v25;
	v25 =	vmul.f32 $1.131370830e+01, v27;
	v27 =	vld [tilespmem:s16+$0xF580]  }
0x152: {  	[tilespmem:s16+$0xF520] =	vst v24;
	v24 =	vmul.f32 $1.131370830e+01, v28;
	v28 =	vld [tilespmem:s16+$0xF590]  }
.Ltmp7:
0x153: {  	[tilespmem:s16+$0xF530] =	vst v25;
	v30 =	vmul.f32 $1.131370830e+01, v31;
	v25 =	vld [tilespmem:s16+$0xF5A0];
	(pc) =	sbr.rel @p1 .LBB2_11-.Ltmp7, $4  }
0x154: {  	[tilespmem:s16+$0xF540] =	vst v24;
	v29 =	vmul.f32 $1.131370830e+01, v29;
	v24 =	vld [tilespmem:s16+$0xF5B0]  }
0x155: {  	[tilespmem:s16+$0xF550] =	vst v30;
	v31 =	vmul.f32 $1.131370830e+01, v26;
	v26 =	vld [tilespmem:s16+$0xF5C0]  }
0x156: {  	[tilespmem:s16+$0xF560] =	vst v29;
	v30 =	vmul.f32 $1.131370830e+01, v27;
	v27 =	vld [tilespmem:s16+$0xF5D0]  }
0x157: {  	s5 =	sadd.s32 $0x400, s5;
	[tilespmem:s16+$0xF570] =	vst v31;
	v29 =	vmul.f32 $1.131370830e+01, v28;
	v28 =	vld [tilespmem:s16+$0xF5E0]  }
0x158: {  	[tilespmem:s16+$0xF580] =	vst v30;
	v25 =	vmul.f32 $1.131370830e+01, v25;
	v30 =	vld [tilespmem:s16+$0xF5F0]  }
0x159: {  	[tilespmem:s16+$0xF590] =	vst v29;
	v24 =	vmul.f32 $1.131370830e+01, v24  }
0x15a: {  	[tilespmem:s16+$0xF5A0] =	vst v25;
	v25 =	vmul.f32 $1.131370830e+01, v26  }
0x15b: {  	[tilespmem:s16+$0xF5B0] =	vst v24;
	v24 =	vmul.f32 $1.131370830e+01, v27  }
0x15c: {  	[tilespmem:s16+$0xF5C0] =	vst v25;
	v25 =	vmul.f32 $1.131370830e+01, v28  }
0x15d: {  	s0 =	sshll.u32 s0, $0x10;
	[tilespmem:s16+$0xF5D0] =	vst v24;
	v24 =	vmul.f32 $1.131370830e+01, v30  }
0x15e: {  	s0 =	sadd.s32 s3, s0;
	[tilespmem:s16+$0xF5E0] =	vst v25  }
0x15f: {  	s0 =	sadd.s32 s6, s0;
	[tilespmem:s16+$0xF5F0] =	vst v24  }
0x160: {  	[hbm4b:s0+s4] =	stream.linear.scatter [tilespmem:s19], [sflag:$0x9], $0x4000, $0x38;
	[tilespmem:$0x17500] =	vst v63  }
0x161: {  	_ =	swait.ge [sflag:s25], $0x4000  }
0x162: {  	s5 =	simm.s32 @!p0 $0x80;
	[sflag:s25] =	ssyncset.done $0x0  }
0x163: {  	s9 =	simm.s32 @!p0 $0x7500;
	s0 =	sadd.s32 @!p0 $0x1C00, s14;
	[sflag:s25] =	ssyncadd.s32 $0xFFFFC000  }
0x164: {  	[tilespmem:s9], [sflag:$0x2] =	stream.indirect.gather @!p0 [hbm4b:s2+s5], $0x80, s0, s5, $0xb8;
	[tilespmem:$0x17500] =	vst v63  }
0x165: {  	_ =	swait.ge [sflag:s26], $0x4000  }
0x166: {  	[sflag:s26] =	ssyncset.done $0x0  }
0x167: {  	s0 =	simm.s32 $0x0;
	[sflag:s26] =	ssyncadd.s32 $0xFFFFC000  }
0x168: {  	v24 =	vld [tilespmem:s0+$0x13500]  }
0x169: {  	v25 =	vld [tilespmem:s0+$0x13510]  }
0x16a: {  	v26 =	vld [tilespmem:s0+$0x13520]  }
0x16b: {  	v27 =	vld [tilespmem:s0+$0x13530]  }
0x16c: {  	v28 =	vld [tilespmem:s0+$0x13540]  }
0x16d: {  	v29 =	vld [tilespmem:s0+$0x13550];
	v24 =	vmul.f32 $1.131370830e+01, v24  }
0x16e: {  	v30 =	vld [tilespmem:s0+$0x13560];
	v25 =	vmul.f32 $1.131370830e+01, v25  }
0x16f: {  	v31 =	vld [tilespmem:s0+$0x13570];
	[tilespmem:s0+$0x13500] =	vst v24;
	v24 =	vmul.f32 $1.131370830e+01, v26  }
0x170: {  	v32 =	vld [tilespmem:s0+$0x13580];
	[tilespmem:s0+$0x13510] =	vst v25;
	v25 =	vmul.f32 $1.131370830e+01, v27  }
0x171: {  	v33 =	vld [tilespmem:s0+$0x13590];
	[tilespmem:s0+$0x13520] =	vst v24;
	v24 =	vmul.f32 $1.131370830e+01, v28  }
0x172: {  	v26 =	vmul.f32 $1.131370830e+01, v29;
	[tilespmem:s0+$0x13530] =	vst v25;
	v25 =	vld [tilespmem:s0+$0x135A0]  }
0x173: {  	v27 =	vmul.f32 $1.131370830e+01, v30;
	[tilespmem:s0+$0x13540] =	vst v24;
	v24 =	vld [tilespmem:s0+$0x135B0]  }
0x174: {  	[tilespmem:s0+$0x13550] =	vst v26;
	v26 =	vld [tilespmem:s0+$0x135C0];
	v28 =	vmul.f32 $1.131370830e+01, v31  }
0x175: {  	v30 =	vmul.f32 $1.131370830e+01, v32;
	[tilespmem:s0+$0x13560] =	vst v27;
	v27 =	vld [tilespmem:s0+$0x135D0]  }
0x176: {  	s5 =	simm.s32 $0x400;
	v29 =	vmul.f32 $1.131370830e+01, v33;
	[tilespmem:s0+$0x13570] =	vst v28;
	v28 =	vld [tilespmem:s0+$0x135E0]  }
.LBB2_13:
0x177: {  	s9 =	sshra.s32 s5, $0x2;
	p1 =	sne.s32 s5, $0xFC00;
	[tilespmem:s0+$0x13580] =	vst v30;
	v25 =	vmul.f32 $1.131370830e+01, v25;
	v30 =	vld [tilespmem:s0+$0x135F0]  }
0x178: {  	v31 =	vld [tilespmem:s9+$0x13500];
	[tilespmem:s0+$0x13590] =	vst v29;
	v24 =	vmul.f32 $1.131370830e+01, v24  }
0x179: {  	v29 =	vld [tilespmem:s9+$0x13510];
	[tilespmem:s0+$0x135A0] =	vst v25;
	v25 =	vmul.f32 $1.131370830e+01, v26  }
0x17a: {  	v26 =	vld [tilespmem:s9+$0x13520];
	[tilespmem:s0+$0x135B0] =	vst v24;
	v24 =	vmul.f32 $1.131370830e+01, v27  }
0x17b: {  	v27 =	vld [tilespmem:s9+$0x13530];
	[tilespmem:s0+$0x135C0] =	vst v25;
	v25 =	vmul.f32 $1.131370830e+01, v28  }
0x17c: {  	v28 =	vld [tilespmem:s9+$0x13540];
	[tilespmem:s0+$0x135D0] =	vst v24;
	v24 =	vmul.f32 $1.131370830e+01, v30  }
0x17d: {  	v30 =	vmul.f32 $1.131370830e+01, v31;
	v31 =	vld [tilespmem:s9+$0x13550];
	[tilespmem:s0+$0x135E0] =	vst v25  }
0x17e: {  	v25 =	vmul.f32 $1.131370830e+01, v29;
	v29 =	vld [tilespmem:s9+$0x13560];
	[tilespmem:s0+$0x135F0] =	vst v24;
	s0 =	smov.u32 s9  }
0x17f: {  	[tilespmem:s0+$0x13500] =	vst v30;
	v24 =	vmul.f32 $1.131370830e+01, v26;
	v26 =	vld [tilespmem:s0+$0x13570]  }
0x180: {  	[tilespmem:s0+$0x13510] =	vst v25;
	v25 =	vmul.f32 $1.131370830e+01, v27;
	v27 =	vld [tilespmem:s0+$0x13580]  }
0x181: {  	[tilespmem:s0+$0x13520] =	vst v24;
	v24 =	vmul.f32 $1.131370830e+01, v28;
	v28 =	vld [tilespmem:s0+$0x13590]  }
.Ltmp8:
0x182: {  	[tilespmem:s0+$0x13530] =	vst v25;
	v30 =	vmul.f32 $1.131370830e+01, v31;
	v25 =	vld [tilespmem:s0+$0x135A0];
	(pc) =	sbr.rel @p1 .LBB2_13-.Ltmp8, $4  }
0x183: {  	[tilespmem:s0+$0x13540] =	vst v24;
	v29 =	vmul.f32 $1.131370830e+01, v29;
	v24 =	vld [tilespmem:s0+$0x135B0]  }
0x184: {  	[tilespmem:s0+$0x13550] =	vst v30;
	v31 =	vmul.f32 $1.131370830e+01, v26;
	v26 =	vld [tilespmem:s0+$0x135C0]  }
0x185: {  	[tilespmem:s0+$0x13560] =	vst v29;
	v30 =	vmul.f32 $1.131370830e+01, v27;
	v27 =	vld [tilespmem:s0+$0x135D0]  }
0x186: {  	s5 =	sadd.s32 $0x400, s5;
	[tilespmem:s0+$0x13570] =	vst v31;
	v29 =	vmul.f32 $1.131370830e+01, v28;
	v28 =	vld [tilespmem:s0+$0x135E0]  }
0x187: {  	[tilespmem:s0+$0x13580] =	vst v30;
	v25 =	vmul.f32 $1.131370830e+01, v25;
	v59 =	vld [tilespmem:s0+$0x135F0]  }
0x188: {  	[tilespmem:s0+$0x13590] =	vst v29;
	v24 =	vmul.f32 $1.131370830e+01, v24  }
0x189: {  	[tilespmem:s0+$0x135A0] =	vst v25;
	v60 =	vmul.f32 $1.131370830e+01, v26  }
0x18a: {  	[tilespmem:s0+$0x135B0] =	vst v24;
	v61 =	vmul.f32 $1.131370830e+01, v27  }
0x18b: {  	[tilespmem:s0+$0x135C0] =	vst v60;
	v62 =	vmul.f32 $1.131370830e+01, v28  }
0x18c: {  	s5 =	sshll.u32 s12, $0x10;
	[tilespmem:s0+$0x135D0] =	vst v61;
	v63 =	vmul.f32 $1.131370830e+01, v59  }
0x18d: {  	s5 =	sadd.s32 s3, s5;
	[tilespmem:s0+$0x135E0] =	vst v62  }
.Ltmp9:
0x18e: {  	s16 =	sadd.s32 s6, s5;
	[tilespmem:s0+$0x135F0] =	vst v63;
	(pc) =	sbr.rel @p0 .LBB2_16-.Ltmp9, $4  }
0x18f: {  	[hbm4b:s16+s4] =	stream.linear.scatter [tilespmem:s21], [sflag:$0xA], $0x4000, $0x38;
	[tilespmem:$0x17500] =	vst v63  }
0x190: {  	_ =	swait.ge [sflag:s28], $0x4000  }
0x191: {  	[sflag:s28] =	ssyncset.done $0x0  }
0x192: {  	[sflag:s28] =	ssyncadd.s32 $0xFFFFC000  }
0x193: {  	s0 =	smul.u32 $0xA00, s1  }
.Ltmp10:
0x194: {  	_ = 	snop;
	(pc) =	sbr.rel .LBB2_4-.Ltmp10, $4  }
0x195: {  	_ = 	snop  }
0x196: {  	s0 =	sshra.s32 s0, $0x2  }
0x197: {  	s1 =	sadd.s32 $0x1, s1;
	s0 =	sadd.s32 $0x1C80, s0  }
0x198: {  	[tilespmem:s17], [sflag:$0x3] =	stream.indirect.gather [hbm4b:s2+s11], $0x80, s0, s11, $0xb8;
	[tilespmem:$0x17500] =	vst v63  }
.LBB2_17:
0x199: {  	_ =	sfence.sel $0x180000  }
0x19a: {  	[bflag:$0x0] =	sbarrier.arrive $0xFFFF  }
0x19b: {  	_ =	strace $0x90000047  }
0x19c: {  	s0 =	stileid.u32;
	[bflag:$0x2] =	sbarrier.arrive $0xFFFF  }
0x19d: {  	p0 =	sne.s32 s0, $0x0;
	s0 =	rddreg [dreg:$0x3]  }
0x19e: {  	s0 =	sadd.s32 @!p0 $0x100000, s0  }
0x19f: {  	[sflag:s0] =	ssyncadd.tile.s32 @!p0 $0x1;
	_ =	shalt  }
.Lfunc_end2:
_tile_overlayer_lowered:
.L_overlay_start_2:
0x1a0: {  	(tag) =	ssettag $0x2  }
0x1a1: {  	s0 =	rddreg [dreg:$0x0];
	s2 =	stileid.u32  }
0x1a2: {  	s1 =	rddreg [dreg:$0x1];
	p0 =	sne.s32 s2, $0x0  }
0x1a3: {  	s3 =	rddreg [dreg:$0x2];
	[bflag:$0x3] =	sbarrier.arrive $0xFFFF;
	s2 =	simm.s32 @!p0 $0x1C0B  }
0x1a4: {  	[timem:s3], [sflag:s2] =	dma.local @!p0 [hbm:s0], s1  }
0x1a5: {  	s0 =	simm.s32 @!p0 $0xB  }
0x1a6: {  	_ =	swait.ge @!p0 [sflag:s0], s1  }
0x1a7: {  	s1 =	ssub.s32 @!p0 $0x0, s1;
	[sflag:s0] =	ssyncset.done @!p0 $0x0  }
0x1a8: {  	[sflag:s0] =	ssyncadd.s32 @!p0 s1  }
0x1a9: {  	[bflag:$0x3] =	sbarrier.arrive $0xFFFF  }
0x1aa: {  	_ =	shalt  }

</sc_bundles>
